<compile_context>
chip_gen: v7x
topology: tpu7x:2x2x1
jax: 0.10.2.dev20260603
libtpu: 0.0.44.dev20260713+nightly
codegen_flags: <defaults>
</compile_context>

<pallas_src>
import functools

import jax
import jax.numpy as jnp
from jax import lax
from jax.experimental import pallas as pl
from jax.experimental.pallas import tpu as pltpu
from jax.experimental.pallas import tpu_sc as plsc

_B = 4
_N = 2048
_K = 20
_CP = 128
_ROWS = 512
_EPS = 1e-5


def _lrelu(x):
    return jnp.where(x >= 0, x, 0.2 * x)



def _knn_body(x_ref, xt_ref, idx_ref):
    b = pl.program_id(0)
    xr = x_ref[0]
    xt = xt_ref[0]
    d = jnp.dot(xr, xt, preferred_element_type=jnp.float32)
    xx_r = jnp.sum(xr * xr, axis=1, keepdims=True)
    xx_c = jnp.sum(xt * xt, axis=0, keepdims=True)
    pd = 2.0 * d - xx_r - xx_c

    R = xr.shape[0]
    iota = jax.lax.broadcasted_iota(jnp.int32, (R, _N), 1)
    kiota = jax.lax.broadcasted_iota(jnp.int32, (R, _K), 1)
    idx_acc = jnp.zeros((R, _K), jnp.int32)
    neg = jnp.float32(-jnp.inf)
    for t in range(_K):
        m = jnp.max(pd, axis=1, keepdims=True)
        cand = jnp.where(pd == m, iota, _N)
        j = jnp.min(cand, axis=1, keepdims=True)
        idx_acc = jnp.where(kiota == t, j, idx_acc)
        pd = jnp.where(iota == j, neg, pd)
    idx_ref[0] = idx_acc + b * _N


def _knn_topk(x, xt):
    B, N, C = x.shape
    nb = N // _ROWS
    return pl.pallas_call(
        _knn_body,
        grid=(B, nb),
        in_specs=[
            pl.BlockSpec((1, _ROWS, C), lambda b, i: (b, i, 0)),
            pl.BlockSpec((1, C, N), lambda b, i: (b, 0, 0)),
        ],
        out_specs=pl.BlockSpec((1, _ROWS, _K), lambda b, i: (b, i, 0)),
        out_shape=jax.ShapeDtypeStruct((B, N, _K), jnp.int32),
    )(x, xt)



_GCHUNK = 128


def _gather_sc(x_flat, idx_flat):
    M, C = x_flat.shape
    E = idx_flat.shape[0]
    mesh = plsc.VectorSubcoreMesh(core_axis_name="c", subcore_axis_name="s")
    nw = mesh.num_cores * mesh.num_subcores
    per_w = E // nw
    iters = per_w // _GCHUNK

    @functools.partial(
        pl.kernel,
        out_type=jax.ShapeDtypeStruct((E, C), jnp.float32),
        mesh=mesh,
        scratch_types=[
            pltpu.VMEM((_GCHUNK,), jnp.int32),
            pltpu.VMEM((_GCHUNK, C), jnp.float32),
            pltpu.SemaphoreType.DMA,
        ],
    )
    def run(x_hbm, idx_hbm, out_hbm, idx_v, rows_v, sem):
        wid = lax.axis_index("s") * mesh.num_cores + lax.axis_index("c")
        base = wid * per_w

        def body(i, carry):
            rbase = base + i * _GCHUNK
            pltpu.sync_copy(idx_hbm.at[pl.ds(rbase, _GCHUNK)], idx_v)
            pltpu.async_copy(x_hbm.at[idx_v], rows_v, sem).wait()
            pltpu.sync_copy(rows_v, out_hbm.at[pl.ds(rbase, _GCHUNK)])
            return carry

        lax.fori_loop(0, iters, body, 0)

    return run(x_flat, idx_flat)



def _edge_conv_body(g_ref, x_ref, w_ref, s_ref, b_ref, out_ref, *, o_pad):
    xr = x_ref[0]
    g4 = g_ref[0]
    R, C = xr.shape
    g2 = g4.reshape(_K * R, C)
    central = jnp.broadcast_to(xr[None], (_K, R, C)).reshape(_K * R, C)
    diff = g2 - central
    feat = jnp.concatenate([diff, central], axis=1)
    h = jnp.dot(feat, w_ref[...],
                preferred_element_type=jnp.float32)
    h = _lrelu(h * s_ref[...] + b_ref[...])
    mx = jnp.max(h.reshape(_K, R, h.shape[1]), axis=0)
    if o_pad != mx.shape[1]:
        mx = jnp.pad(mx, ((0, 0), (0, o_pad - mx.shape[1])))
    out_ref[0] = mx


def _edge_conv(g, x, wt, s, b, o_pad):
    B, N, C = x.shape
    O = wt.shape[1]
    nb = N // _ROWS
    return pl.pallas_call(
        functools.partial(_edge_conv_body, o_pad=o_pad),
        grid=(B, nb),
        in_specs=[
            pl.BlockSpec((1, _K, _ROWS, C), lambda bb, i: (bb, 0, i, 0)),
            pl.BlockSpec((1, _ROWS, C), lambda bb, i: (bb, i, 0)),
            pl.BlockSpec((2 * C, O), lambda bb, i: (0, 0)),
            pl.BlockSpec((1, O), lambda bb, i: (0, 0)),
            pl.BlockSpec((1, O), lambda bb, i: (0, 0)),
        ],
        out_specs=pl.BlockSpec((1, _ROWS, o_pad), lambda bb, i: (bb, i, 0)),
        out_shape=jax.ShapeDtypeStruct((B, N, o_pad), jnp.float32),
    )(g, x, wt, s, b)



def _global_feat_body(x1_ref, x2_ref, x3_ref, x4_ref, w_ref, s_ref, b_ref,
                      out_ref):
    xc = jnp.concatenate(
        [x1_ref[0][:, :64], x2_ref[0][:, :64], x3_ref[0], x4_ref[0]], axis=1)
    g = jnp.dot(xc, w_ref[...], preferred_element_type=jnp.float32)
    h = _lrelu(g * s_ref[...] + b_ref[...])
    mx = jnp.max(h, axis=0, keepdims=True)
    mn = jnp.sum(h, axis=0, keepdims=True) * (1.0 / _N)
    out_ref[0] = jnp.concatenate([mx, mn], axis=1)


def _global_feat(x1, x2, x3, x4, wt, s, b):
    B, N, _ = x1.shape
    F = wt.shape[1]
    return pl.pallas_call(
        _global_feat_body,
        grid=(B,),
        in_specs=[
            pl.BlockSpec((1, N, x1.shape[2]), lambda bb: (bb, 0, 0)),
            pl.BlockSpec((1, N, x2.shape[2]), lambda bb: (bb, 0, 0)),
            pl.BlockSpec((1, N, x3.shape[2]), lambda bb: (bb, 0, 0)),
            pl.BlockSpec((1, N, x4.shape[2]), lambda bb: (bb, 0, 0)),
            pl.BlockSpec(wt.shape, lambda bb: (0, 0)),
            pl.BlockSpec((1, F), lambda bb: (0, 0)),
            pl.BlockSpec((1, F), lambda bb: (0, 0)),
        ],
        out_specs=pl.BlockSpec((1, 1, 2 * F), lambda bb: (bb, 0, 0)),
        out_shape=jax.ShapeDtypeStruct((B, 1, 2 * F), jnp.float32),
    )(x1, x2, x3, x4, wt, s, b)



def _mlp_body(f_ref, w1_ref, s1_ref, b1_ref, w2_ref, s2_ref, b2_ref,
              w3_ref, b3_ref, out_ref):
    h = jnp.dot(f_ref[...], w1_ref[...], preferred_element_type=jnp.float32)
    h = _lrelu(h * s1_ref[...] + b1_ref[...])
    h = jnp.dot(h, w2_ref[...], preferred_element_type=jnp.float32)
    h = _lrelu(h * s2_ref[...] + b2_ref[...])
    h = jnp.dot(h, w3_ref[...], preferred_element_type=jnp.float32)
    out_ref[...] = h + b3_ref[...]


def _mlp_head(feat, w1, s1, b1, w2, s2, b2, w3, b3):
    return pl.pallas_call(
        _mlp_body,
        out_shape=jax.ShapeDtypeStruct((feat.shape[0], w3.shape[1]),
                                       jnp.float32),
    )(feat, w1, s1, b1, w2, s2, b2, w3, b3)



def kernel(points, w1, g1, b1, w2, g2, b2, w3, g3, b3, w4, g4, b4,
           wf, gf, bf, lw1, lg1, lb1, lw2, lg2, lb2, lw3, lb3):
    den = jnp.sqrt(jnp.float32(1.0 + _EPS))

    xp = jnp.pad(points, ((0, 0), (0, 0), (0, _CP - 3)))
    halves = [xp[:2], xp[2:]]
    layer_outs = []
    for (W, g, bb, C, O) in ((w1, g1, b1, 3, 64), (w2, g2, b2, 64, 64),
                             (w3, g3, b3, 64, 128), (w4, g4, b4, 128, 256)):
        wt = jnp.zeros((2 * _CP, O), jnp.float32)
        wt = wt.at[:C].set(jnp.transpose(W[:, :C]))
        wt = wt.at[_CP:_CP + C].set(jnp.transpose(W[:, C:]))
        s = (g / den)[None, :]
        bb2 = bb[None, :]
        o_pad = max(O, _CP)

        new_halves = []
        for xh in halves:
            hb = xh.shape[0]
            xt = jnp.transpose(xh, (0, 2, 1))
            idx = _knn_topk(xh, xt)
            idx_t = jnp.transpose(idx, (0, 2, 1))
            gth = _gather_sc(xh.reshape(hb * _N, _CP), idx_t.reshape(-1))
            xn = _edge_conv(gth.reshape(hb, _K, _N, _CP), xh, wt, s, bb2,
                            o_pad)
            new_halves.append(xn)
        halves = new_halves
        layer_outs.append(halves)

    wfT = jnp.transpose(wf)
    sf = (gf / den)[None, :]
    bf2 = bf[None, :]
    feat = jnp.concatenate(
        [_global_feat(layer_outs[0][h], layer_outs[1][h], layer_outs[2][h],
                      layer_outs[3][h], wfT, sf, bf2) for h in (0, 1)],
        axis=0)
    feat = feat.reshape(_B, 2048)

    out = _mlp_head(feat, jnp.transpose(lw1), (lg1 / den)[None, :],
                    lb1[None, :], jnp.transpose(lw2), (lg2 / den)[None, :],
                    lb2[None, :], jnp.transpose(lw3), lb3[None, :])
    return out

# --- scband reference (transcript-rebuilt; emitter-appended) ---
"""Pipeline reference for scband-dgcnnclassifier-4011499454874 (READ-ONLY COPY).

The authoritative reference and input builder live on the scoring server;
editing this copy changes nothing except your own understanding.
"""

import jax, jax.numpy as jnp
import numpy as np


def _knn(x, k):
    xt = jnp.transpose(x, (0, 2, 1))
    inner = -2.0 * jnp.matmul(xt, x)
    xx = jnp.sum(x ** 2, axis=1, keepdims=True)
    pd = -xx - inner - jnp.transpose(xx, (0, 2, 1))
    return jax.lax.top_k(pd, k)[1]


def _graph_feature(x, k):
    B, C, N = x.shape
    idx = _knn(x, k)
    xt = jnp.transpose(x, (0, 2, 1))
    neighbors = xt[jnp.arange(B)[:, None, None], idx]
    central = jnp.broadcast_to(xt[:, :, None, :], (B, N, k, C))
    feats = jnp.concatenate([neighbors - central, central], axis=3)
    return jnp.transpose(feats, (0, 3, 1, 2))


def _bn(x, gamma, beta, axis=1, eps=1e-5):
    shape = [1] * x.ndim
    shape[axis] = -1
    scale = gamma / jnp.sqrt(1.0 + eps)
    return x * scale.reshape(shape) + beta.reshape(shape)


def _lrelu(x):
    return jnp.where(x >= 0, x, 0.2 * x)


def setup_inputs(seed: int = 0) -> dict:
    key = jax.random.key(seed)
    ks = jax.random.split(key, 16)

    def w(k_, shape, fan_in):
        return jax.random.normal(k_, shape, dtype=jnp.float32) * (1.0 / np.sqrt(fan_in))

    d = {}
    d['points'] = jax.random.normal(ks[0], (4, 2048, 3), dtype=jnp.float32)
    d['w1'] = w(ks[1], (64, 6), 6)
    d['g1'] = jnp.ones((64,), jnp.float32); d['b1'] = jnp.zeros((64,), jnp.float32)
    d['w2'] = w(ks[2], (64, 128), 128)
    d['g2'] = jnp.ones((64,), jnp.float32); d['b2'] = jnp.zeros((64,), jnp.float32)
    d['w3'] = w(ks[3], (128, 128), 128)
    d['g3'] = jnp.ones((128,), jnp.float32); d['b3'] = jnp.zeros((128,), jnp.float32)
    d['w4'] = w(ks[4], (256, 256), 256)
    d['g4'] = jnp.ones((256,), jnp.float32); d['b4'] = jnp.zeros((256,), jnp.float32)
    d['wf'] = w(ks[5], (1024, 512), 512)
    d['gf'] = jnp.ones((1024,), jnp.float32); d['bf'] = jnp.zeros((1024,), jnp.float32)
    d['lw1'] = w(ks[6], (512, 2048), 2048)
    d['lg1'] = jnp.ones((512,), jnp.float32); d['lb1'] = jnp.zeros((512,), jnp.float32)
    d['lw2'] = w(ks[7], (256, 512), 512)
    d['lg2'] = jnp.ones((256,), jnp.float32); d['lb2'] = jnp.zeros((256,), jnp.float32)
    d['lw3'] = w(ks[8], (40, 256), 256)
    d['lb3'] = jnp.zeros((40,), jnp.float32)
    return d


def reference(points, w1, g1, b1, w2, g2, b2, w3, g3, b3, w4, g4, b4, wf, gf, bf, lw1, lg1, lb1, lw2, lg2, lb2, lw3, lb3):
    k = 20
    x = jnp.transpose(points, (0, 2, 1))

    def edge(xin, W, g, b):
        f = _graph_feature(xin, k)
        h = _lrelu(_bn(jnp.einsum('oc,bcnk->bonk', W, f), g, b))
        return jnp.max(h, axis=-1)

    x1 = edge(x, w1, g1, b1)
    x2 = edge(x1, w2, g2, b2)
    x3 = edge(x2, w3, g3, b3)
    x4 = edge(x3, w4, g4, b4)
    xc = jnp.concatenate([x1, x2, x3, x4], axis=1)
    xg = _lrelu(_bn(jnp.einsum('oc,bcn->bon', wf, xc), gf, bf))
    feat = jnp.concatenate([jnp.max(xg, axis=2), jnp.mean(xg, axis=2)], axis=1)
    h = _lrelu(_bn(feat @ lw1.T, lg1, lb1))
    h = _lrelu(_bn(h @ lw2.T, lg2, lb2))
    return h @ lw3.T + lb3

if __name__ == "__main__":
    import jax
    _d = setup_inputs()
    print(jax.jit(kernel)(*tuple(_d.values())))

</pallas_src>

<mosaic_0001>
#map = affine_map<(d0, d1) -> (0, 0)>
#map1 = affine_map<(d0, d1) -> (0)>
module attributes {stable_mosaic.version = 14 : i64} {
  func.func @run(%arg0: i32, %arg1: i32, %arg2: memref<4096x128xf32, #tpu.memory_space<hbm>>, %arg3: memref<81920xi32, #tpu.memory_space<hbm>>, %arg4: memref<81920x128xf32, #tpu.memory_space<hbm>>, %arg5: memref<128xi32, #tpu.memory_space<vmem>>, %arg6: memref<128x128xf32, #tpu.memory_space<vmem>>, %arg7: memref<!tpu.dma_semaphore, #tpu.memory_space<semaphore_mem>>) attributes {dimension_semantics = [#tpu.dimension_semantics<core_parallel>, #tpu.dimension_semantics<subcore_parallel>], iteration_bounds = array<i64: 2, 16>, scalar_prefetch = 0 : i64, scratch_operands = 3 : i64, tpu.core_type = #tpu.core_type<sc_vector_subcore>, window_params = [{transform_indices = #map}, {transform_indices = #map1}, {transform_indices = #map}]} {
    %mul3A = arith.constant 2 : i32
    %mul3A_0 = arith.muli %arg1, %mul3A : i32
    %add3A = arith.addi %mul3A_0, %arg0 : i32
    %mul3A_1 = arith.constant 2560 : i32
    %mul3A_2 = arith.muli %add3A, %mul3A_1 : i32
    %scan3A = arith.constant 0 : i32
    %scan3A_3 = arith.constant 0 : i32
    %scan3A_4 = arith.constant 20 : i32
    %scan3A_5 = arith.addi %scan3A_3, %scan3A_4 : i32
    %scan3A_6 = arith.constant 1 : i32
    scf.for %scan3A_8 = %scan3A_3 to %scan3A_5 step %scan3A_6  : i32 {
      %mul3A_9 = arith.constant 128 : i32
      %mul3A_10 = arith.muli %scan3A_8, %mul3A_9 : i32
      %add3A_11 = arith.addi %mul3A_2, %mul3A_10 : i32
      "tpu.region"() ({
        %run_scoped3A = tpu.sem_alloc : memref<!tpu.dma_semaphore, #tpu.memory_space<semaphore_mem>>
        %dma_start3A_16 = tpu.memref_slice %arg3[%add3A_11] : memref<81920xi32, #tpu.memory_space<hbm>> -> memref<128xi32, #tpu.memory_space<hbm>>
        %dma_start3A_17 = tpu.memref_slice %arg3[%add3A_11] : memref<81920xi32, #tpu.memory_space<hbm>> -> memref<128xi32, #tpu.memory_space<hbm>>
        tpu.enqueue_dma source(%dma_start3A_17 : memref<128xi32, #tpu.memory_space<hbm>>) target(%arg5 : memref<128xi32, #tpu.memory_space<vmem>>) target_semaphore(%run_scoped3A : memref<!tpu.dma_semaphore, #tpu.memory_space<semaphore_mem>>)
        %dma_wait3A_18 = tpu.memref_slice %arg3[%add3A_11] : memref<81920xi32, #tpu.memory_space<hbm>> -> memref<128xi32, #tpu.memory_space<hbm>>
        %dma_wait3A_19 = tpu.memref_slice %arg3[%add3A_11] : memref<81920xi32, #tpu.memory_space<hbm>> -> memref<128xi32, #tpu.memory_space<hbm>>
        tpu.wait_dma2 semaphore(%run_scoped3A : memref<!tpu.dma_semaphore, #tpu.memory_space<semaphore_mem>>) src(%dma_wait3A_19 : memref<128xi32, #tpu.memory_space<hbm>>) dst(%arg5 : memref<128xi32, #tpu.memory_space<vmem>>)
        tpu.yield
      }) : () -> ()
      %dma_start3A = arith.constant 0 : i32
      %dma_start3A_12 = arith.constant 0 : i32
      %dma_start3A_13 = tpu.memref_slice %arg2[%dma_start3A, %dma_start3A_12] : memref<4096x128xf32, #tpu.memory_space<hbm>> -> memref<4096x128xf32, #tpu.memory_space<hbm>>
      tpu.enqueue_indirect_dma source(%dma_start3A_13 : memref<4096x128xf32, #tpu.memory_space<hbm>>) target(%arg6 : memref<128x128xf32, #tpu.memory_space<vmem>>) offsets(%arg5 : memref<128xi32, #tpu.memory_space<vmem>>) semaphore(%arg7 : memref<!tpu.dma_semaphore, #tpu.memory_space<semaphore_mem>>)
      %dma_wait3A = arith.constant 0 : i32
      %dma_wait3A_14 = arith.constant 0 : i32
      %dma_wait3A_15 = tpu.memref_slice %arg2[%dma_wait3A, %dma_wait3A_14] : memref<4096x128xf32, #tpu.memory_space<hbm>> -> memref<4096x128xf32, #tpu.memory_space<hbm>>
      tpu.wait_indirect_dma semaphore(%arg7 : memref<!tpu.dma_semaphore, #tpu.memory_space<semaphore_mem>>) src(%dma_wait3A_15 : memref<4096x128xf32, #tpu.memory_space<hbm>>) dst(%arg6 : memref<128x128xf32, #tpu.memory_space<vmem>>)
      "tpu.region"() ({
        %run_scoped3A = tpu.sem_alloc : memref<!tpu.dma_semaphore, #tpu.memory_space<semaphore_mem>>
        %dma_start3A_16 = arith.constant 0 : i32
        %dma_start3A_17 = tpu.memref_slice %arg4[%add3A_11, %dma_start3A_16] : memref<81920x128xf32, #tpu.memory_space<hbm>> -> memref<128x128xf32, #tpu.memory_space<hbm>>
        %dma_start3A_18 = arith.constant 0 : i32
        %dma_start3A_19 = tpu.memref_slice %arg4[%add3A_11, %dma_start3A_18] : memref<81920x128xf32, #tpu.memory_space<hbm>> -> memref<128x128xf32, #tpu.memory_space<hbm>>
        tpu.enqueue_dma source(%arg6 : memref<128x128xf32, #tpu.memory_space<vmem>>) target(%dma_start3A_19 : memref<128x128xf32, #tpu.memory_space<hbm>>) target_semaphore(%run_scoped3A : memref<!tpu.dma_semaphore, #tpu.memory_space<semaphore_mem>>)
        %dma_wait3A_20 = arith.constant 0 : i32
        %dma_wait3A_21 = tpu.memref_slice %arg4[%add3A_11, %dma_wait3A_20] : memref<81920x128xf32, #tpu.memory_space<hbm>> -> memref<128x128xf32, #tpu.memory_space<hbm>>
        %dma_wait3A_22 = arith.constant 0 : i32
        %dma_wait3A_23 = tpu.memref_slice %arg4[%add3A_11, %dma_wait3A_22] : memref<81920x128xf32, #tpu.memory_space<hbm>> -> memref<128x128xf32, #tpu.memory_space<hbm>>
        tpu.wait_dma2 semaphore(%run_scoped3A : memref<!tpu.dma_semaphore, #tpu.memory_space<semaphore_mem>>) src(%arg6 : memref<128x128xf32, #tpu.memory_space<vmem>>) dst(%dma_wait3A_23 : memref<128x128xf32, #tpu.memory_space<hbm>>)
        tpu.yield
      }) : () -> ()
    }
    %scan3A_7 = arith.constant 20 : i32
    return
  }
}

#map = affine_map<(d0, d1) -> (0, 0)>
#map1 = affine_map<(d0, d1) -> (0)>
module attributes {stable_mosaic.version = 14 : i64} {
  func.func @run(%arg0: i32, %arg1: i32, %arg2: memref<4096x128xf32, #tpu.memory_space<hbm>>, %arg3: memref<81920xi32, #tpu.memory_space<hbm>>, %arg4: memref<81920x128xf32, #tpu.memory_space<hbm>>, %arg5: memref<128xi32, #tpu.memory_space<vmem>>, %arg6: memref<128x128xf32, #tpu.memory_space<vmem>>, %arg7: memref<!tpu.dma_semaphore, #tpu.memory_space<semaphore_mem>>) attributes {dimension_semantics = [#tpu.dimension_semantics<core_parallel>, #tpu.dimension_semantics<subcore_parallel>], iteration_bounds = array<i64: 2, 16>, scalar_prefetch = 0 : i64, scratch_operands = 3 : i64, tpu.core_type = #tpu.core_type<sc_vector_subcore>, window_params = [{transform_indices = #map}, {transform_indices = #map1}, {transform_indices = #map}]} {
    %mul3A = arith.constant 2 : i32
    %mul3A_0 = arith.muli %arg1, %mul3A : i32
    %add3A = arith.addi %mul3A_0, %arg0 : i32
    %mul3A_1 = arith.constant 2560 : i32
    %mul3A_2 = arith.muli %add3A, %mul3A_1 : i32
    %scan3A = arith.constant 0 : i32
    %scan3A_3 = arith.constant 0 : i32
    %scan3A_4 = arith.constant 20 : i32
    %scan3A_5 = arith.addi %scan3A_3, %scan3A_4 : i32
    %scan3A_6 = arith.constant 1 : i32
    scf.for %scan3A_8 = %scan3A_3 to %scan3A_5 step %scan3A_6  : i32 {
      %mul3A_9 = arith.constant 128 : i32
      %mul3A_10 = arith.muli %scan3A_8, %mul3A_9 : i32
      %add3A_11 = arith.addi %mul3A_2, %mul3A_10 : i32
      "tpu.region"() ({
        %run_scoped3A = tpu.sem_alloc : memref<!tpu.dma_semaphore, #tpu.memory_space<semaphore_mem>>
        %dma_start3A_16 = tpu.memref_slice %arg3[%add3A_11] : memref<81920xi32, #tpu.memory_space<hbm>> -> memref<128xi32, #tpu.memory_space<hbm>>
        %dma_start3A_17 = tpu.memref_slice %arg3[%add3A_11] : memref<81920xi32, #tpu.memory_space<hbm>> -> memref<128xi32, #tpu.memory_space<hbm>>
        tpu.enqueue_dma source(%dma_start3A_17 : memref<128xi32, #tpu.memory_space<hbm>>) target(%arg5 : memref<128xi32, #tpu.memory_space<vmem>>) target_semaphore(%run_scoped3A : memref<!tpu.dma_semaphore, #tpu.memory_space<semaphore_mem>>)
        %dma_wait3A_18 = tpu.memref_slice %arg3[%add3A_11] : memref<81920xi32, #tpu.memory_space<hbm>> -> memref<128xi32, #tpu.memory_space<hbm>>
        %dma_wait3A_19 = tpu.memref_slice %arg3[%add3A_11] : memref<81920xi32, #tpu.memory_space<hbm>> -> memref<128xi32, #tpu.memory_space<hbm>>
        tpu.wait_dma2 semaphore(%run_scoped3A : memref<!tpu.dma_semaphore, #tpu.memory_space<semaphore_mem>>) src(%dma_wait3A_19 : memref<128xi32, #tpu.memory_space<hbm>>) dst(%arg5 : memref<128xi32, #tpu.memory_space<vmem>>)
        tpu.yield
      }) : () -> ()
      %dma_start3A = arith.constant 0 : i32
      %dma_start3A_12 = arith.constant 0 : i32
      %dma_start3A_13 = tpu.memref_slice %arg2[%dma_start3A, %dma_start3A_12] : memref<4096x128xf32, #tpu.memory_space<hbm>> -> memref<4096x128xf32, #tpu.memory_space<hbm>>
      tpu.enqueue_indirect_dma source(%dma_start3A_13 : memref<4096x128xf32, #tpu.memory_space<hbm>>) target(%arg6 : memref<128x128xf32, #tpu.memory_space<vmem>>) offsets(%arg5 : memref<128xi32, #tpu.memory_space<vmem>>) semaphore(%arg7 : memref<!tpu.dma_semaphore, #tpu.memory_space<semaphore_mem>>)
      %dma_wait3A = arith.constant 0 : i32
      %dma_wait3A_14 = arith.constant 0 : i32
      %dma_wait3A_15 = tpu.memref_slice %arg2[%dma_wait3A, %dma_wait3A_14] : memref<4096x128xf32, #tpu.memory_space<hbm>> -> memref<4096x128xf32, #tpu.memory_space<hbm>>
      tpu.wait_indirect_dma semaphore(%arg7 : memref<!tpu.dma_semaphore, #tpu.memory_space<semaphore_mem>>) src(%dma_wait3A_15 : memref<4096x128xf32, #tpu.memory_space<hbm>>) dst(%arg6 : memref<128x128xf32, #tpu.memory_space<vmem>>)
      "tpu.region"() ({
        %run_scoped3A = tpu.sem_alloc : memref<!tpu.dma_semaphore, #tpu.memory_space<semaphore_mem>>
        %dma_start3A_16 = arith.constant 0 : i32
        %dma_start3A_17 = tpu.memref_slice %arg4[%add3A_11, %dma_start3A_16] : memref<81920x128xf32, #tpu.memory_space<hbm>> -> memref<128x128xf32, #tpu.memory_space<hbm>>
        %dma_start3A_18 = arith.constant 0 : i32
        %dma_start3A_19 = tpu.memref_slice %arg4[%add3A_11, %dma_start3A_18] : memref<81920x128xf32, #tpu.memory_space<hbm>> -> memref<128x128xf32, #tpu.memory_space<hbm>>
        tpu.enqueue_dma source(%arg6 : memref<128x128xf32, #tpu.memory_space<vmem>>) target(%dma_start3A_19 : memref<128x128xf32, #tpu.memory_space<hbm>>) target_semaphore(%run_scoped3A : memref<!tpu.dma_semaphore, #tpu.memory_space<semaphore_mem>>)
        %dma_wait3A_20 = arith.constant 0 : i32
        %dma_wait3A_21 = tpu.memref_slice %arg4[%add3A_11, %dma_wait3A_20] : memref<81920x128xf32, #tpu.memory_space<hbm>> -> memref<128x128xf32, #tpu.memory_space<hbm>>
        %dma_wait3A_22 = arith.constant 0 : i32
        %dma_wait3A_23 = tpu.memref_slice %arg4[%add3A_11, %dma_wait3A_22] : memref<81920x128xf32, #tpu.memory_space<hbm>> -> memref<128x128xf32, #tpu.memory_space<hbm>>
        tpu.wait_dma2 semaphore(%run_scoped3A : memref<!tpu.dma_semaphore, #tpu.memory_space<semaphore_mem>>) src(%arg6 : memref<128x128xf32, #tpu.memory_space<vmem>>) dst(%dma_wait3A_23 : memref<128x128xf32, #tpu.memory_space<hbm>>)
        tpu.yield
      }) : () -> ()
    }
    %scan3A_7 = arith.constant 20 : i32
    return
  }
}

#map = affine_map<(d0, d1) -> (0, 0)>
#map1 = affine_map<(d0, d1) -> (0)>
module attributes {stable_mosaic.version = 14 : i64} {
  func.func @run(%arg0: i32, %arg1: i32, %arg2: memref<4096x128xf32, #tpu.memory_space<hbm>>, %arg3: memref<81920xi32, #tpu.memory_space<hbm>>, %arg4: memref<81920x128xf32, #tpu.memory_space<hbm>>, %arg5: memref<128xi32, #tpu.memory_space<vmem>>, %arg6: memref<128x128xf32, #tpu.memory_space<vmem>>, %arg7: memref<!tpu.dma_semaphore, #tpu.memory_space<semaphore_mem>>) attributes {dimension_semantics = [#tpu.dimension_semantics<core_parallel>, #tpu.dimension_semantics<subcore_parallel>], iteration_bounds = array<i64: 2, 16>, scalar_prefetch = 0 : i64, scratch_operands = 3 : i64, tpu.core_type = #tpu.core_type<sc_vector_subcore>, window_params = [{transform_indices = #map}, {transform_indices = #map1}, {transform_indices = #map}]} {
    %mul3A = arith.constant 2 : i32
    %mul3A_0 = arith.muli %arg1, %mul3A : i32
    %add3A = arith.addi %mul3A_0, %arg0 : i32
    %mul3A_1 = arith.constant 2560 : i32
    %mul3A_2 = arith.muli %add3A, %mul3A_1 : i32
    %scan3A = arith.constant 0 : i32
    %scan3A_3 = arith.constant 0 : i32
    %scan3A_4 = arith.constant 20 : i32
    %scan3A_5 = arith.addi %scan3A_3, %scan3A_4 : i32
    %scan3A_6 = arith.constant 1 : i32
    scf.for %scan3A_8 = %scan3A_3 to %scan3A_5 step %scan3A_6  : i32 {
      %mul3A_9 = arith.constant 128 : i32
      %mul3A_10 = arith.muli %scan3A_8, %mul3A_9 : i32
      %add3A_11 = arith.addi %mul3A_2, %mul3A_10 : i32
      "tpu.region"() ({
        %run_scoped3A = tpu.sem_alloc : memref<!tpu.dma_semaphore, #tpu.memory_space<semaphore_mem>>
        %dma_start3A_16 = tpu.memref_slice %arg3[%add3A_11] : memref<81920xi32, #tpu.memory_space<hbm>> -> memref<128xi32, #tpu.memory_space<hbm>>
        %dma_start3A_17 = tpu.memref_slice %arg3[%add3A_11] : memref<81920xi32, #tpu.memory_space<hbm>> -> memref<128xi32, #tpu.memory_space<hbm>>
        tpu.enqueue_dma source(%dma_start3A_17 : memref<128xi32, #tpu.memory_space<hbm>>) target(%arg5 : memref<128xi32, #tpu.memory_space<vmem>>) target_semaphore(%run_scoped3A : memref<!tpu.dma_semaphore, #tpu.memory_space<semaphore_mem>>)
        %dma_wait3A_18 = tpu.memref_slice %arg3[%add3A_11] : memref<81920xi32, #tpu.memory_space<hbm>> -> memref<128xi32, #tpu.memory_space<hbm>>
        %dma_wait3A_19 = tpu.memref_slice %arg3[%add3A_11] : memref<81920xi32, #tpu.memory_space<hbm>> -> memref<128xi32, #tpu.memory_space<hbm>>
        tpu.wait_dma2 semaphore(%run_scoped3A : memref<!tpu.dma_semaphore, #tpu.memory_space<semaphore_mem>>) src(%dma_wait3A_19 : memref<128xi32, #tpu.memory_space<hbm>>) dst(%arg5 : memref<128xi32, #tpu.memory_space<vmem>>)
        tpu.yield
      }) : () -> ()
      %dma_start3A = arith.constant 0 : i32
      %dma_start3A_12 = arith.constant 0 : i32
      %dma_start3A_13 = tpu.memref_slice %arg2[%dma_start3A, %dma_start3A_12] : memref<4096x128xf32, #tpu.memory_space<hbm>> -> memref<4096x128xf32, #tpu.memory_space<hbm>>
      tpu.enqueue_indirect_dma source(%dma_start3A_13 : memref<4096x128xf32, #tpu.memory_space<hbm>>) target(%arg6 : memref<128x128xf32, #tpu.memory_space<vmem>>) offsets(%arg5 : memref<128xi32, #tpu.memory_space<vmem>>) semaphore(%arg7 : memref<!tpu.dma_semaphore, #tpu.memory_space<semaphore_mem>>)
      %dma_wait3A = arith.constant 0 : i32
      %dma_wait3A_14 = arith.constant 0 : i32
      %dma_wait3A_15 = tpu.memref_slice %arg2[%dma_wait3A, %dma_wait3A_14] : memref<4096x128xf32, #tpu.memory_space<hbm>> -> memref<4096x128xf32, #tpu.memory_space<hbm>>
      tpu.wait_indirect_dma semaphore(%arg7 : memref<!tpu.dma_semaphore, #tpu.memory_space<semaphore_mem>>) src(%dma_wait3A_15 : memref<4096x128xf32, #tpu.memory_space<hbm>>) dst(%arg6 : memref<128x128xf32, #tpu.memory_space<vmem>>)
      "tpu.region"() ({
        %run_scoped3A = tpu.sem_alloc : memref<!tpu.dma_semaphore, #tpu.memory_space<semaphore_mem>>
        %dma_start3A_16 = arith.constant 0 : i32
        %dma_start3A_17 = tpu.memref_slice %arg4[%add3A_11, %dma_start3A_16] : memref<81920x128xf32, #tpu.memory_space<hbm>> -> memref<128x128xf32, #tpu.memory_space<hbm>>
        %dma_start3A_18 = arith.constant 0 : i32
        %dma_start3A_19 = tpu.memref_slice %arg4[%add3A_11, %dma_start3A_18] : memref<81920x128xf32, #tpu.memory_space<hbm>> -> memref<128x128xf32, #tpu.memory_space<hbm>>
        tpu.enqueue_dma source(%arg6 : memref<128x128xf32, #tpu.memory_space<vmem>>) target(%dma_start3A_19 : memref<128x128xf32, #tpu.memory_space<hbm>>) target_semaphore(%run_scoped3A : memref<!tpu.dma_semaphore, #tpu.memory_space<semaphore_mem>>)
        %dma_wait3A_20 = arith.constant 0 : i32
        %dma_wait3A_21 = tpu.memref_slice %arg4[%add3A_11, %dma_wait3A_20] : memref<81920x128xf32, #tpu.memory_space<hbm>> -> memref<128x128xf32, #tpu.memory_space<hbm>>
        %dma_wait3A_22 = arith.constant 0 : i32
        %dma_wait3A_23 = tpu.memref_slice %arg4[%add3A_11, %dma_wait3A_22] : memref<81920x128xf32, #tpu.memory_space<hbm>> -> memref<128x128xf32, #tpu.memory_space<hbm>>
        tpu.wait_dma2 semaphore(%run_scoped3A : memref<!tpu.dma_semaphore, #tpu.memory_space<semaphore_mem>>) src(%arg6 : memref<128x128xf32, #tpu.memory_space<vmem>>) dst(%dma_wait3A_23 : memref<128x128xf32, #tpu.memory_space<hbm>>)
        tpu.yield
      }) : () -> ()
    }
    %scan3A_7 = arith.constant 20 : i32
    return
  }
}

#map = affine_map<(d0, d1) -> (0, 0)>
#map1 = affine_map<(d0, d1) -> (0)>
module attributes {stable_mosaic.version = 14 : i64} {
  func.func @run(%arg0: i32, %arg1: i32, %arg2: memref<4096x128xf32, #tpu.memory_space<hbm>>, %arg3: memref<81920xi32, #tpu.memory_space<hbm>>, %arg4: memref<81920x128xf32, #tpu.memory_space<hbm>>, %arg5: memref<128xi32, #tpu.memory_space<vmem>>, %arg6: memref<128x128xf32, #tpu.memory_space<vmem>>, %arg7: memref<!tpu.dma_semaphore, #tpu.memory_space<semaphore_mem>>) attributes {dimension_semantics = [#tpu.dimension_semantics<core_parallel>, #tpu.dimension_semantics<subcore_parallel>], iteration_bounds = array<i64: 2, 16>, scalar_prefetch = 0 : i64, scratch_operands = 3 : i64, tpu.core_type = #tpu.core_type<sc_vector_subcore>, window_params = [{transform_indices = #map}, {transform_indices = #map1}, {transform_indices = #map}]} {
    %mul3A = arith.constant 2 : i32
    %mul3A_0 = arith.muli %arg1, %mul3A : i32
    %add3A = arith.addi %mul3A_0, %arg0 : i32
    %mul3A_1 = arith.constant 2560 : i32
    %mul3A_2 = arith.muli %add3A, %mul3A_1 : i32
    %scan3A = arith.constant 0 : i32
    %scan3A_3 = arith.constant 0 : i32
    %scan3A_4 = arith.constant 20 : i32
    %scan3A_5 = arith.addi %scan3A_3, %scan3A_4 : i32
    %scan3A_6 = arith.constant 1 : i32
    scf.for %scan3A_8 = %scan3A_3 to %scan3A_5 step %scan3A_6  : i32 {
      %mul3A_9 = arith.constant 128 : i32
      %mul3A_10 = arith.muli %scan3A_8, %mul3A_9 : i32
      %add3A_11 = arith.addi %mul3A_2, %mul3A_10 : i32
      "tpu.region"() ({
        %run_scoped3A = tpu.sem_alloc : memref<!tpu.dma_semaphore, #tpu.memory_space<semaphore_mem>>
        %dma_start3A_16 = tpu.memref_slice %arg3[%add3A_11] : memref<81920xi32, #tpu.memory_space<hbm>> -> memref<128xi32, #tpu.memory_space<hbm>>
        %dma_start3A_17 = tpu.memref_slice %arg3[%add3A_11] : memref<81920xi32, #tpu.memory_space<hbm>> -> memref<128xi32, #tpu.memory_space<hbm>>
        tpu.enqueue_dma source(%dma_start3A_17 : memref<128xi32, #tpu.memory_space<hbm>>) target(%arg5 : memref<128xi32, #tpu.memory_space<vmem>>) target_semaphore(%run_scoped3A : memref<!tpu.dma_semaphore, #tpu.memory_space<semaphore_mem>>)
        %dma_wait3A_18 = tpu.memref_slice %arg3[%add3A_11] : memref<81920xi32, #tpu.memory_space<hbm>> -> memref<128xi32, #tpu.memory_space<hbm>>
        %dma_wait3A_19 = tpu.memref_slice %arg3[%add3A_11] : memref<81920xi32, #tpu.memory_space<hbm>> -> memref<128xi32, #tpu.memory_space<hbm>>
        tpu.wait_dma2 semaphore(%run_scoped3A : memref<!tpu.dma_semaphore, #tpu.memory_space<semaphore_mem>>) src(%dma_wait3A_19 : memref<128xi32, #tpu.memory_space<hbm>>) dst(%arg5 : memref<128xi32, #tpu.memory_space<vmem>>)
        tpu.yield
      }) : () -> ()
      %dma_start3A = arith.constant 0 : i32
      %dma_start3A_12 = arith.constant 0 : i32
      %dma_start3A_13 = tpu.memref_slice %arg2[%dma_start3A, %dma_start3A_12] : memref<4096x128xf32, #tpu.memory_space<hbm>> -> memref<4096x128xf32, #tpu.memory_space<hbm>>
      tpu.enqueue_indirect_dma source(%dma_start3A_13 : memref<4096x128xf32, #tpu.memory_space<hbm>>) target(%arg6 : memref<128x128xf32, #tpu.memory_space<vmem>>) offsets(%arg5 : memref<128xi32, #tpu.memory_space<vmem>>) semaphore(%arg7 : memref<!tpu.dma_semaphore, #tpu.memory_space<semaphore_mem>>)
      %dma_wait3A = arith.constant 0 : i32
      %dma_wait3A_14 = arith.constant 0 : i32
      %dma_wait3A_15 = tpu.memref_slice %arg2[%dma_wait3A, %dma_wait3A_14] : memref<4096x128xf32, #tpu.memory_space<hbm>> -> memref<4096x128xf32, #tpu.memory_space<hbm>>
      tpu.wait_indirect_dma semaphore(%arg7 : memref<!tpu.dma_semaphore, #tpu.memory_space<semaphore_mem>>) src(%dma_wait3A_15 : memref<4096x128xf32, #tpu.memory_space<hbm>>) dst(%arg6 : memref<128x128xf32, #tpu.memory_space<vmem>>)
      "tpu.region"() ({
        %run_scoped3A = tpu.sem_alloc : memref<!tpu.dma_semaphore, #tpu.memory_space<semaphore_mem>>
        %dma_start3A_16 = arith.constant 0 : i32
        %dma_start3A_17 = tpu.memref_slice %arg4[%add3A_11, %dma_start3A_16] : memref<81920x128xf32, #tpu.memory_space<hbm>> -> memref<128x128xf32, #tpu.memory_space<hbm>>
        %dma_start3A_18 = arith.constant 0 : i32
        %dma_start3A_19 = tpu.memref_slice %arg4[%add3A_11, %dma_start3A_18] : memref<81920x128xf32, #tpu.memory_space<hbm>> -> memref<128x128xf32, #tpu.memory_space<hbm>>
        tpu.enqueue_dma source(%arg6 : memref<128x128xf32, #tpu.memory_space<vmem>>) target(%dma_start3A_19 : memref<128x128xf32, #tpu.memory_space<hbm>>) target_semaphore(%run_scoped3A : memref<!tpu.dma_semaphore, #tpu.memory_space<semaphore_mem>>)
        %dma_wait3A_20 = arith.constant 0 : i32
        %dma_wait3A_21 = tpu.memref_slice %arg4[%add3A_11, %dma_wait3A_20] : memref<81920x128xf32, #tpu.memory_space<hbm>> -> memref<128x128xf32, #tpu.memory_space<hbm>>
        %dma_wait3A_22 = arith.constant 0 : i32
        %dma_wait3A_23 = tpu.memref_slice %arg4[%add3A_11, %dma_wait3A_22] : memref<81920x128xf32, #tpu.memory_space<hbm>> -> memref<128x128xf32, #tpu.memory_space<hbm>>
        tpu.wait_dma2 semaphore(%run_scoped3A : memref<!tpu.dma_semaphore, #tpu.memory_space<semaphore_mem>>) src(%arg6 : memref<128x128xf32, #tpu.memory_space<vmem>>) dst(%dma_wait3A_23 : memref<128x128xf32, #tpu.memory_space<hbm>>)
        tpu.yield
      }) : () -> ()
    }
    %scan3A_7 = arith.constant 20 : i32
    return
  }
}

#map = affine_map<(d0, d1) -> (0, 0)>
#map1 = affine_map<(d0, d1) -> (0)>
module attributes {stable_mosaic.version = 14 : i64} {
  func.func @run(%arg0: i32, %arg1: i32, %arg2: memref<4096x128xf32, #tpu.memory_space<hbm>>, %arg3: memref<81920xi32, #tpu.memory_space<hbm>>, %arg4: memref<81920x128xf32, #tpu.memory_space<hbm>>, %arg5: memref<128xi32, #tpu.memory_space<vmem>>, %arg6: memref<128x128xf32, #tpu.memory_space<vmem>>, %arg7: memref<!tpu.dma_semaphore, #tpu.memory_space<semaphore_mem>>) attributes {dimension_semantics = [#tpu.dimension_semantics<core_parallel>, #tpu.dimension_semantics<subcore_parallel>], iteration_bounds = array<i64: 2, 16>, scalar_prefetch = 0 : i64, scratch_operands = 3 : i64, tpu.core_type = #tpu.core_type<sc_vector_subcore>, window_params = [{transform_indices = #map}, {transform_indices = #map1}, {transform_indices = #map}]} {
    %mul3A = arith.constant 2 : i32
    %mul3A_0 = arith.muli %arg1, %mul3A : i32
    %add3A = arith.addi %mul3A_0, %arg0 : i32
    %mul3A_1 = arith.constant 2560 : i32
    %mul3A_2 = arith.muli %add3A, %mul3A_1 : i32
    %scan3A = arith.constant 0 : i32
    %scan3A_3 = arith.constant 0 : i32
    %scan3A_4 = arith.constant 20 : i32
    %scan3A_5 = arith.addi %scan3A_3, %scan3A_4 : i32
    %scan3A_6 = arith.constant 1 : i32
    scf.for %scan3A_8 = %scan3A_3 to %scan3A_5 step %scan3A_6  : i32 {
      %mul3A_9 = arith.constant 128 : i32
      %mul3A_10 = arith.muli %scan3A_8, %mul3A_9 : i32
      %add3A_11 = arith.addi %mul3A_2, %mul3A_10 : i32
      "tpu.region"() ({
        %run_scoped3A = tpu.sem_alloc : memref<!tpu.dma_semaphore, #tpu.memory_space<semaphore_mem>>
        %dma_start3A_16 = tpu.memref_slice %arg3[%add3A_11] : memref<81920xi32, #tpu.memory_space<hbm>> -> memref<128xi32, #tpu.memory_space<hbm>>
        %dma_start3A_17 = tpu.memref_slice %arg3[%add3A_11] : memref<81920xi32, #tpu.memory_space<hbm>> -> memref<128xi32, #tpu.memory_space<hbm>>
        tpu.enqueue_dma source(%dma_start3A_17 : memref<128xi32, #tpu.memory_space<hbm>>) target(%arg5 : memref<128xi32, #tpu.memory_space<vmem>>) target_semaphore(%run_scoped3A : memref<!tpu.dma_semaphore, #tpu.memory_space<semaphore_mem>>)
        %dma_wait3A_18 = tpu.memref_slice %arg3[%add3A_11] : memref<81920xi32, #tpu.memory_space<hbm>> -> memref<128xi32, #tpu.memory_space<hbm>>
        %dma_wait3A_19 = tpu.memref_slice %arg3[%add3A_11] : memref<81920xi32, #tpu.memory_space<hbm>> -> memref<128xi32, #tpu.memory_space<hbm>>
        tpu.wait_dma2 semaphore(%run_scoped3A : memref<!tpu.dma_semaphore, #tpu.memory_space<semaphore_mem>>) src(%dma_wait3A_19 : memref<128xi32, #tpu.memory_space<hbm>>) dst(%arg5 : memref<128xi32, #tpu.memory_space<vmem>>)
        tpu.yield
      }) : () -> ()
      %dma_start3A = arith.constant 0 : i32
      %dma_start3A_12 = arith.constant 0 : i32
      %dma_start3A_13 = tpu.memref_slice %arg2[%dma_start3A, %dma_start3A_12] : memref<4096x128xf32, #tpu.memory_space<hbm>> -> memref<4096x128xf32, #tpu.memory_space<hbm>>
      tpu.enqueue_indirect_dma source(%dma_start3A_13 : memref<4096x128xf32, #tpu.memory_space<hbm>>) target(%arg6 : memref<128x128xf32, #tpu.memory_space<vmem>>) offsets(%arg5 : memref<128xi32, #tpu.memory_space<vmem>>) semaphore(%arg7 : memref<!tpu.dma_semaphore, #tpu.memory_space<semaphore_mem>>)
      %dma_wait3A = arith.constant 0 : i32
      %dma_wait3A_14 = arith.constant 0 : i32
      %dma_wait3A_15 = tpu.memref_slice %arg2[%dma_wait3A, %dma_wait3A_14] : memref<4096x128xf32, #tpu.memory_space<hbm>> -> memref<4096x128xf32, #tpu.memory_space<hbm>>
      tpu.wait_indirect_dma semaphore(%arg7 : memref<!tpu.dma_semaphore, #tpu.memory_space<semaphore_mem>>) src(%dma_wait3A_15 : memref<4096x128xf32, #tpu.memory_space<hbm>>) dst(%arg6 : memref<128x128xf32, #tpu.memory_space<vmem>>)
      "tpu.region"() ({
        %run_scoped3A = tpu.sem_alloc : memref<!tpu.dma_semaphore, #tpu.memory_space<semaphore_mem>>
        %dma_start3A_16 = arith.constant 0 : i32
        %dma_start3A_17 = tpu.memref_slice %arg4[%add3A_11, %dma_start3A_16] : memref<81920x128xf32, #tpu.memory_space<hbm>> -> memref<128x128xf32, #tpu.memory_space<hbm>>
        %dma_start3A_18 = arith.constant 0 : i32
        %dma_start3A_19 = tpu.memref_slice %arg4[%add3A_11, %dma_start3A_18] : memref<81920x128xf32, #tpu.memory_space<hbm>> -> memref<128x128xf32, #tpu.memory_space<hbm>>
        tpu.enqueue_dma source(%arg6 : memref<128x128xf32, #tpu.memory_space<vmem>>) target(%dma_start3A_19 : memref<128x128xf32, #tpu.memory_space<hbm>>) target_semaphore(%run_scoped3A : memref<!tpu.dma_semaphore, #tpu.memory_space<semaphore_mem>>)
        %dma_wait3A_20 = arith.constant 0 : i32
        %dma_wait3A_21 = tpu.memref_slice %arg4[%add3A_11, %dma_wait3A_20] : memref<81920x128xf32, #tpu.memory_space<hbm>> -> memref<128x128xf32, #tpu.memory_space<hbm>>
        %dma_wait3A_22 = arith.constant 0 : i32
        %dma_wait3A_23 = tpu.memref_slice %arg4[%add3A_11, %dma_wait3A_22] : memref<81920x128xf32, #tpu.memory_space<hbm>> -> memref<128x128xf32, #tpu.memory_space<hbm>>
        tpu.wait_dma2 semaphore(%run_scoped3A : memref<!tpu.dma_semaphore, #tpu.memory_space<semaphore_mem>>) src(%arg6 : memref<128x128xf32, #tpu.memory_space<vmem>>) dst(%dma_wait3A_23 : memref<128x128xf32, #tpu.memory_space<hbm>>)
        tpu.yield
      }) : () -> ()
    }
    %scan3A_7 = arith.constant 20 : i32
    return
  }
}

#map = affine_map<(d0, d1) -> (0, 0)>
#map1 = affine_map<(d0, d1) -> (0)>
module attributes {stable_mosaic.version = 14 : i64} {
  func.func @run(%arg0: i32, %arg1: i32, %arg2: memref<4096x128xf32, #tpu.memory_space<hbm>>, %arg3: memref<81920xi32, #tpu.memory_space<hbm>>, %arg4: memref<81920x128xf32, #tpu.memory_space<hbm>>, %arg5: memref<128xi32, #tpu.memory_space<vmem>>, %arg6: memref<128x128xf32, #tpu.memory_space<vmem>>, %arg7: memref<!tpu.dma_semaphore, #tpu.memory_space<semaphore_mem>>) attributes {dimension_semantics = [#tpu.dimension_semantics<core_parallel>, #tpu.dimension_semantics<subcore_parallel>], iteration_bounds = array<i64: 2, 16>, scalar_prefetch = 0 : i64, scratch_operands = 3 : i64, tpu.core_type = #tpu.core_type<sc_vector_subcore>, window_params = [{transform_indices = #map}, {transform_indices = #map1}, {transform_indices = #map}]} {
    %mul3A = arith.constant 2 : i32
    %mul3A_0 = arith.muli %arg1, %mul3A : i32
    %add3A = arith.addi %mul3A_0, %arg0 : i32
    %mul3A_1 = arith.constant 2560 : i32
    %mul3A_2 = arith.muli %add3A, %mul3A_1 : i32
    %scan3A = arith.constant 0 : i32
    %scan3A_3 = arith.constant 0 : i32
    %scan3A_4 = arith.constant 20 : i32
    %scan3A_5 = arith.addi %scan3A_3, %scan3A_4 : i32
    %scan3A_6 = arith.constant 1 : i32
    scf.for %scan3A_8 = %scan3A_3 to %scan3A_5 step %scan3A_6  : i32 {
      %mul3A_9 = arith.constant 128 : i32
      %mul3A_10 = arith.muli %scan3A_8, %mul3A_9 : i32
      %add3A_11 = arith.addi %mul3A_2, %mul3A_10 : i32
      "tpu.region"() ({
        %run_scoped3A = tpu.sem_alloc : memref<!tpu.dma_semaphore, #tpu.memory_space<semaphore_mem>>
        %dma_start3A_16 = tpu.memref_slice %arg3[%add3A_11] : memref<81920xi32, #tpu.memory_space<hbm>> -> memref<128xi32, #tpu.memory_space<hbm>>
        %dma_start3A_17 = tpu.memref_slice %arg3[%add3A_11] : memref<81920xi32, #tpu.memory_space<hbm>> -> memref<128xi32, #tpu.memory_space<hbm>>
        tpu.enqueue_dma source(%dma_start3A_17 : memref<128xi32, #tpu.memory_space<hbm>>) target(%arg5 : memref<128xi32, #tpu.memory_space<vmem>>) target_semaphore(%run_scoped3A : memref<!tpu.dma_semaphore, #tpu.memory_space<semaphore_mem>>)
        %dma_wait3A_18 = tpu.memref_slice %arg3[%add3A_11] : memref<81920xi32, #tpu.memory_space<hbm>> -> memref<128xi32, #tpu.memory_space<hbm>>
        %dma_wait3A_19 = tpu.memref_slice %arg3[%add3A_11] : memref<81920xi32, #tpu.memory_space<hbm>> -> memref<128xi32, #tpu.memory_space<hbm>>
        tpu.wait_dma2 semaphore(%run_scoped3A : memref<!tpu.dma_semaphore, #tpu.memory_space<semaphore_mem>>) src(%dma_wait3A_19 : memref<128xi32, #tpu.memory_space<hbm>>) dst(%arg5 : memref<128xi32, #tpu.memory_space<vmem>>)
        tpu.yield
      }) : () -> ()
      %dma_start3A = arith.constant 0 : i32
      %dma_start3A_12 = arith.constant 0 : i32
      %dma_start3A_13 = tpu.memref_slice %arg2[%dma_start3A, %dma_start3A_12] : memref<4096x128xf32, #tpu.memory_space<hbm>> -> memref<4096x128xf32, #tpu.memory_space<hbm>>
      tpu.enqueue_indirect_dma source(%dma_start3A_13 : memref<4096x128xf32, #tpu.memory_space<hbm>>) target(%arg6 : memref<128x128xf32, #tpu.memory_space<vmem>>) offsets(%arg5 : memref<128xi32, #tpu.memory_space<vmem>>) semaphore(%arg7 : memref<!tpu.dma_semaphore, #tpu.memory_space<semaphore_mem>>)
      %dma_wait3A = arith.constant 0 : i32
      %dma_wait3A_14 = arith.constant 0 : i32
      %dma_wait3A_15 = tpu.memref_slice %arg2[%dma_wait3A, %dma_wait3A_14] : memref<4096x128xf32, #tpu.memory_space<hbm>> -> memref<4096x128xf32, #tpu.memory_space<hbm>>
      tpu.wait_indirect_dma semaphore(%arg7 : memref<!tpu.dma_semaphore, #tpu.memory_space<semaphore_mem>>) src(%dma_wait3A_15 : memref<4096x128xf32, #tpu.memory_space<hbm>>) dst(%arg6 : memref<128x128xf32, #tpu.memory_space<vmem>>)
      "tpu.region"() ({
        %run_scoped3A = tpu.sem_alloc : memref<!tpu.dma_semaphore, #tpu.memory_space<semaphore_mem>>
        %dma_start3A_16 = arith.constant 0 : i32
        %dma_start3A_17 = tpu.memref_slice %arg4[%add3A_11, %dma_start3A_16] : memref<81920x128xf32, #tpu.memory_space<hbm>> -> memref<128x128xf32, #tpu.memory_space<hbm>>
        %dma_start3A_18 = arith.constant 0 : i32
        %dma_start3A_19 = tpu.memref_slice %arg4[%add3A_11, %dma_start3A_18] : memref<81920x128xf32, #tpu.memory_space<hbm>> -> memref<128x128xf32, #tpu.memory_space<hbm>>
        tpu.enqueue_dma source(%arg6 : memref<128x128xf32, #tpu.memory_space<vmem>>) target(%dma_start3A_19 : memref<128x128xf32, #tpu.memory_space<hbm>>) target_semaphore(%run_scoped3A : memref<!tpu.dma_semaphore, #tpu.memory_space<semaphore_mem>>)
        %dma_wait3A_20 = arith.constant 0 : i32
        %dma_wait3A_21 = tpu.memref_slice %arg4[%add3A_11, %dma_wait3A_20] : memref<81920x128xf32, #tpu.memory_space<hbm>> -> memref<128x128xf32, #tpu.memory_space<hbm>>
        %dma_wait3A_22 = arith.constant 0 : i32
        %dma_wait3A_23 = tpu.memref_slice %arg4[%add3A_11, %dma_wait3A_22] : memref<81920x128xf32, #tpu.memory_space<hbm>> -> memref<128x128xf32, #tpu.memory_space<hbm>>
        tpu.wait_dma2 semaphore(%run_scoped3A : memref<!tpu.dma_semaphore, #tpu.memory_space<semaphore_mem>>) src(%arg6 : memref<128x128xf32, #tpu.memory_space<vmem>>) dst(%dma_wait3A_23 : memref<128x128xf32, #tpu.memory_space<hbm>>)
        tpu.yield
      }) : () -> ()
    }
    %scan3A_7 = arith.constant 20 : i32
    return
  }
}

#map = affine_map<(d0, d1) -> (0, 0)>
#map1 = affine_map<(d0, d1) -> (0)>
module attributes {stable_mosaic.version = 14 : i64} {
  func.func @run(%arg0: i32, %arg1: i32, %arg2: memref<4096x128xf32, #tpu.memory_space<hbm>>, %arg3: memref<81920xi32, #tpu.memory_space<hbm>>, %arg4: memref<81920x128xf32, #tpu.memory_space<hbm>>, %arg5: memref<128xi32, #tpu.memory_space<vmem>>, %arg6: memref<128x128xf32, #tpu.memory_space<vmem>>, %arg7: memref<!tpu.dma_semaphore, #tpu.memory_space<semaphore_mem>>) attributes {dimension_semantics = [#tpu.dimension_semantics<core_parallel>, #tpu.dimension_semantics<subcore_parallel>], iteration_bounds = array<i64: 2, 16>, scalar_prefetch = 0 : i64, scratch_operands = 3 : i64, tpu.core_type = #tpu.core_type<sc_vector_subcore>, window_params = [{transform_indices = #map}, {transform_indices = #map1}, {transform_indices = #map}]} {
    %mul3A = arith.constant 2 : i32
    %mul3A_0 = arith.muli %arg1, %mul3A : i32
    %add3A = arith.addi %mul3A_0, %arg0 : i32
    %mul3A_1 = arith.constant 2560 : i32
    %mul3A_2 = arith.muli %add3A, %mul3A_1 : i32
    %scan3A = arith.constant 0 : i32
    %scan3A_3 = arith.constant 0 : i32
    %scan3A_4 = arith.constant 20 : i32
    %scan3A_5 = arith.addi %scan3A_3, %scan3A_4 : i32
    %scan3A_6 = arith.constant 1 : i32
    scf.for %scan3A_8 = %scan3A_3 to %scan3A_5 step %scan3A_6  : i32 {
      %mul3A_9 = arith.constant 128 : i32
      %mul3A_10 = arith.muli %scan3A_8, %mul3A_9 : i32
      %add3A_11 = arith.addi %mul3A_2, %mul3A_10 : i32
      "tpu.region"() ({
        %run_scoped3A = tpu.sem_alloc : memref<!tpu.dma_semaphore, #tpu.memory_space<semaphore_mem>>
        %dma_start3A_16 = tpu.memref_slice %arg3[%add3A_11] : memref<81920xi32, #tpu.memory_space<hbm>> -> memref<128xi32, #tpu.memory_space<hbm>>
        %dma_start3A_17 = tpu.memref_slice %arg3[%add3A_11] : memref<81920xi32, #tpu.memory_space<hbm>> -> memref<128xi32, #tpu.memory_space<hbm>>
        tpu.enqueue_dma source(%dma_start3A_17 : memref<128xi32, #tpu.memory_space<hbm>>) target(%arg5 : memref<128xi32, #tpu.memory_space<vmem>>) target_semaphore(%run_scoped3A : memref<!tpu.dma_semaphore, #tpu.memory_space<semaphore_mem>>)
        %dma_wait3A_18 = tpu.memref_slice %arg3[%add3A_11] : memref<81920xi32, #tpu.memory_space<hbm>> -> memref<128xi32, #tpu.memory_space<hbm>>
        %dma_wait3A_19 = tpu.memref_slice %arg3[%add3A_11] : memref<81920xi32, #tpu.memory_space<hbm>> -> memref<128xi32, #tpu.memory_space<hbm>>
        tpu.wait_dma2 semaphore(%run_scoped3A : memref<!tpu.dma_semaphore, #tpu.memory_space<semaphore_mem>>) src(%dma_wait3A_19 : memref<128xi32, #tpu.memory_space<hbm>>) dst(%arg5 : memref<128xi32, #tpu.memory_space<vmem>>)
        tpu.yield
      }) : () -> ()
      %dma_start3A = arith.constant 0 : i32
      %dma_start3A_12 = arith.constant 0 : i32
      %dma_start3A_13 = tpu.memref_slice %arg2[%dma_start3A, %dma_start3A_12] : memref<4096x128xf32, #tpu.memory_space<hbm>> -> memref<4096x128xf32, #tpu.memory_space<hbm>>
      tpu.enqueue_indirect_dma source(%dma_start3A_13 : memref<4096x128xf32, #tpu.memory_space<hbm>>) target(%arg6 : memref<128x128xf32, #tpu.memory_space<vmem>>) offsets(%arg5 : memref<128xi32, #tpu.memory_space<vmem>>) semaphore(%arg7 : memref<!tpu.dma_semaphore, #tpu.memory_space<semaphore_mem>>)
      %dma_wait3A = arith.constant 0 : i32
      %dma_wait3A_14 = arith.constant 0 : i32
      %dma_wait3A_15 = tpu.memref_slice %arg2[%dma_wait3A, %dma_wait3A_14] : memref<4096x128xf32, #tpu.memory_space<hbm>> -> memref<4096x128xf32, #tpu.memory_space<hbm>>
      tpu.wait_indirect_dma semaphore(%arg7 : memref<!tpu.dma_semaphore, #tpu.memory_space<semaphore_mem>>) src(%dma_wait3A_15 : memref<4096x128xf32, #tpu.memory_space<hbm>>) dst(%arg6 : memref<128x128xf32, #tpu.memory_space<vmem>>)
      "tpu.region"() ({
        %run_scoped3A = tpu.sem_alloc : memref<!tpu.dma_semaphore, #tpu.memory_space<semaphore_mem>>
        %dma_start3A_16 = arith.constant 0 : i32
        %dma_start3A_17 = tpu.memref_slice %arg4[%add3A_11, %dma_start3A_16] : memref<81920x128xf32, #tpu.memory_space<hbm>> -> memref<128x128xf32, #tpu.memory_space<hbm>>
        %dma_start3A_18 = arith.constant 0 : i32
        %dma_start3A_19 = tpu.memref_slice %arg4[%add3A_11, %dma_start3A_18] : memref<81920x128xf32, #tpu.memory_space<hbm>> -> memref<128x128xf32, #tpu.memory_space<hbm>>
        tpu.enqueue_dma source(%arg6 : memref<128x128xf32, #tpu.memory_space<vmem>>) target(%dma_start3A_19 : memref<128x128xf32, #tpu.memory_space<hbm>>) target_semaphore(%run_scoped3A : memref<!tpu.dma_semaphore, #tpu.memory_space<semaphore_mem>>)
        %dma_wait3A_20 = arith.constant 0 : i32
        %dma_wait3A_21 = tpu.memref_slice %arg4[%add3A_11, %dma_wait3A_20] : memref<81920x128xf32, #tpu.memory_space<hbm>> -> memref<128x128xf32, #tpu.memory_space<hbm>>
        %dma_wait3A_22 = arith.constant 0 : i32
        %dma_wait3A_23 = tpu.memref_slice %arg4[%add3A_11, %dma_wait3A_22] : memref<81920x128xf32, #tpu.memory_space<hbm>> -> memref<128x128xf32, #tpu.memory_space<hbm>>
        tpu.wait_dma2 semaphore(%run_scoped3A : memref<!tpu.dma_semaphore, #tpu.memory_space<semaphore_mem>>) src(%arg6 : memref<128x128xf32, #tpu.memory_space<vmem>>) dst(%dma_wait3A_23 : memref<128x128xf32, #tpu.memory_space<hbm>>)
        tpu.yield
      }) : () -> ()
    }
    %scan3A_7 = arith.constant 20 : i32
    return
  }
}

#map = affine_map<(d0, d1) -> (0, 0)>
#map1 = affine_map<(d0, d1) -> (0)>
module attributes {stable_mosaic.version = 14 : i64} {
  func.func @run(%arg0: i32, %arg1: i32, %arg2: memref<4096x128xf32, #tpu.memory_space<hbm>>, %arg3: memref<81920xi32, #tpu.memory_space<hbm>>, %arg4: memref<81920x128xf32, #tpu.memory_space<hbm>>, %arg5: memref<128xi32, #tpu.memory_space<vmem>>, %arg6: memref<128x128xf32, #tpu.memory_space<vmem>>, %arg7: memref<!tpu.dma_semaphore, #tpu.memory_space<semaphore_mem>>) attributes {dimension_semantics = [#tpu.dimension_semantics<core_parallel>, #tpu.dimension_semantics<subcore_parallel>], iteration_bounds = array<i64: 2, 16>, scalar_prefetch = 0 : i64, scratch_operands = 3 : i64, tpu.core_type = #tpu.core_type<sc_vector_subcore>, window_params = [{transform_indices = #map}, {transform_indices = #map1}, {transform_indices = #map}]} {
    %mul3A = arith.constant 2 : i32
    %mul3A_0 = arith.muli %arg1, %mul3A : i32
    %add3A = arith.addi %mul3A_0, %arg0 : i32
    %mul3A_1 = arith.constant 2560 : i32
    %mul3A_2 = arith.muli %add3A, %mul3A_1 : i32
    %scan3A = arith.constant 0 : i32
    %scan3A_3 = arith.constant 0 : i32
    %scan3A_4 = arith.constant 20 : i32
    %scan3A_5 = arith.addi %scan3A_3, %scan3A_4 : i32
    %scan3A_6 = arith.constant 1 : i32
    scf.for %scan3A_8 = %scan3A_3 to %scan3A_5 step %scan3A_6  : i32 {
      %mul3A_9 = arith.constant 128 : i32
      %mul3A_10 = arith.muli %scan3A_8, %mul3A_9 : i32
      %add3A_11 = arith.addi %mul3A_2, %mul3A_10 : i32
      "tpu.region"() ({
        %run_scoped3A = tpu.sem_alloc : memref<!tpu.dma_semaphore, #tpu.memory_space<semaphore_mem>>
        %dma_start3A_16 = tpu.memref_slice %arg3[%add3A_11] : memref<81920xi32, #tpu.memory_space<hbm>> -> memref<128xi32, #tpu.memory_space<hbm>>
        %dma_start3A_17 = tpu.memref_slice %arg3[%add3A_11] : memref<81920xi32, #tpu.memory_space<hbm>> -> memref<128xi32, #tpu.memory_space<hbm>>
        tpu.enqueue_dma source(%dma_start3A_17 : memref<128xi32, #tpu.memory_space<hbm>>) target(%arg5 : memref<128xi32, #tpu.memory_space<vmem>>) target_semaphore(%run_scoped3A : memref<!tpu.dma_semaphore, #tpu.memory_space<semaphore_mem>>)
        %dma_wait3A_18 = tpu.memref_slice %arg3[%add3A_11] : memref<81920xi32, #tpu.memory_space<hbm>> -> memref<128xi32, #tpu.memory_space<hbm>>
        %dma_wait3A_19 = tpu.memref_slice %arg3[%add3A_11] : memref<81920xi32, #tpu.memory_space<hbm>> -> memref<128xi32, #tpu.memory_space<hbm>>
        tpu.wait_dma2 semaphore(%run_scoped3A : memref<!tpu.dma_semaphore, #tpu.memory_space<semaphore_mem>>) src(%dma_wait3A_19 : memref<128xi32, #tpu.memory_space<hbm>>) dst(%arg5 : memref<128xi32, #tpu.memory_space<vmem>>)
        tpu.yield
      }) : () -> ()
      %dma_start3A = arith.constant 0 : i32
      %dma_start3A_12 = arith.constant 0 : i32
      %dma_start3A_13 = tpu.memref_slice %arg2[%dma_start3A, %dma_start3A_12] : memref<4096x128xf32, #tpu.memory_space<hbm>> -> memref<4096x128xf32, #tpu.memory_space<hbm>>
      tpu.enqueue_indirect_dma source(%dma_start3A_13 : memref<4096x128xf32, #tpu.memory_space<hbm>>) target(%arg6 : memref<128x128xf32, #tpu.memory_space<vmem>>) offsets(%arg5 : memref<128xi32, #tpu.memory_space<vmem>>) semaphore(%arg7 : memref<!tpu.dma_semaphore, #tpu.memory_space<semaphore_mem>>)
      %dma_wait3A = arith.constant 0 : i32
      %dma_wait3A_14 = arith.constant 0 : i32
      %dma_wait3A_15 = tpu.memref_slice %arg2[%dma_wait3A, %dma_wait3A_14] : memref<4096x128xf32, #tpu.memory_space<hbm>> -> memref<4096x128xf32, #tpu.memory_space<hbm>>
      tpu.wait_indirect_dma semaphore(%arg7 : memref<!tpu.dma_semaphore, #tpu.memory_space<semaphore_mem>>) src(%dma_wait3A_15 : memref<4096x128xf32, #tpu.memory_space<hbm>>) dst(%arg6 : memref<128x128xf32, #tpu.memory_space<vmem>>)
      "tpu.region"() ({
        %run_scoped3A = tpu.sem_alloc : memref<!tpu.dma_semaphore, #tpu.memory_space<semaphore_mem>>
        %dma_start3A_16 = arith.constant 0 : i32
        %dma_start3A_17 = tpu.memref_slice %arg4[%add3A_11, %dma_start3A_16] : memref<81920x128xf32, #tpu.memory_space<hbm>> -> memref<128x128xf32, #tpu.memory_space<hbm>>
        %dma_start3A_18 = arith.constant 0 : i32
        %dma_start3A_19 = tpu.memref_slice %arg4[%add3A_11, %dma_start3A_18] : memref<81920x128xf32, #tpu.memory_space<hbm>> -> memref<128x128xf32, #tpu.memory_space<hbm>>
        tpu.enqueue_dma source(%arg6 : memref<128x128xf32, #tpu.memory_space<vmem>>) target(%dma_start3A_19 : memref<128x128xf32, #tpu.memory_space<hbm>>) target_semaphore(%run_scoped3A : memref<!tpu.dma_semaphore, #tpu.memory_space<semaphore_mem>>)
        %dma_wait3A_20 = arith.constant 0 : i32
        %dma_wait3A_21 = tpu.memref_slice %arg4[%add3A_11, %dma_wait3A_20] : memref<81920x128xf32, #tpu.memory_space<hbm>> -> memref<128x128xf32, #tpu.memory_space<hbm>>
        %dma_wait3A_22 = arith.constant 0 : i32
        %dma_wait3A_23 = tpu.memref_slice %arg4[%add3A_11, %dma_wait3A_22] : memref<81920x128xf32, #tpu.memory_space<hbm>> -> memref<128x128xf32, #tpu.memory_space<hbm>>
        tpu.wait_dma2 semaphore(%run_scoped3A : memref<!tpu.dma_semaphore, #tpu.memory_space<semaphore_mem>>) src(%arg6 : memref<128x128xf32, #tpu.memory_space<vmem>>) dst(%dma_wait3A_23 : memref<128x128xf32, #tpu.memory_space<hbm>>)
        tpu.yield
      }) : () -> ()
    }
    %scan3A_7 = arith.constant 20 : i32
    return
  }
}

module attributes {stable_mosaic.version = 14 : i64} {
  func.func @_knn_body(%arg0: i32, %arg1: i32, %arg2: memref<1x512x128xf32, #tpu.memory_space<vmem>>, %arg3: memref<1x128x2048xf32, #tpu.memory_space<vmem>>, %arg4: memref<1x512x20xi32, #tpu.memory_space<vmem>>) attributes {dimension_semantics = [#tpu.dimension_semantics<arbitrary>, #tpu.dimension_semantics<arbitrary>], iteration_bounds = array<i64: 2, 4>, scalar_prefetch = 0 : i64, scratch_operands = 0 : i64, tpu.core_type = #tpu.core_type<tc>, window_params = [{transform_indices = @transform_0, window_bounds = array<i64: 1, 512, 128>}, {transform_indices = @transform_1, window_bounds = array<i64: 1, 128, 2048>}, {transform_indices = @transform_2, window_bounds = array<i64: 1, 512, 20>}]} {
    %get3A = arith.constant 0 : index
    %get3A_0 = arith.constant 0 : index
    %get3A_1 = arith.constant 0 : index
    %get3A_2 = vector.load %arg2[%get3A, %get3A_0, %get3A_1] : memref<1x512x128xf32, #tpu.memory_space<vmem>>, vector<1x512x128xf32>
    %get3A_3 = vector.shape_cast %get3A_2 : vector<1x512x128xf32> to vector<512x128xf32>
    %get3A_4 = arith.constant 0 : index
    %get3A_5 = arith.constant 0 : index
    %get3A_6 = arith.constant 0 : index
    %get3A_7 = vector.load %arg3[%get3A_4, %get3A_5, %get3A_6] : memref<1x128x2048xf32, #tpu.memory_space<vmem>>, vector<1x128x2048xf32>
    %get3A_8 = vector.shape_cast %get3A_7 : vector<1x128x2048xf32> to vector<128x2048xf32>
    %dot_general3A = arith.constant dense<0.000000e+00> : vector<512x2048xf32>
    %dot_general3A_9 = tpu.matmul %get3A_3, %get3A_8, %dot_general3A {dimension_numbers = #tpu.dot_dimension_numbers<[1], [0], [0], [1], [0, 0, 1, 1], [], []>, transpose_lhs_hint = false} : vector<512x128xf32>, vector<128x2048xf32>, vector<512x2048xf32> -> vector<512x2048xf32>
    %mul3A = arith.mulf %get3A_3, %get3A_3 : vector<512x128xf32>
    %reduce_sum3A = arith.constant dense<0.000000e+00> : vector<512xf32>
    %reduce_sum3A_10 = vector.multi_reduction <add>, %mul3A, %reduce_sum3A [1] : vector<512x128xf32> to vector<512xf32>
    %broadcast_in_dim3A = vector.shape_cast %reduce_sum3A_10 : vector<512xf32> to vector<512x1xf32>
    %mul3A_11 = arith.mulf %get3A_8, %get3A_8 : vector<128x2048xf32>
    %reduce_sum3A_12 = arith.constant dense<0.000000e+00> : vector<2048xf32>
    %reduce_sum3A_13 = vector.multi_reduction <add>, %mul3A_11, %reduce_sum3A_12 [0] : vector<128x2048xf32> to vector<2048xf32>
    %broadcast_in_dim3A_14 = vector.shape_cast %reduce_sum3A_13 : vector<2048xf32> to vector<1x2048xf32>
    %mul3A_15 = arith.constant 2.000000e+00 : f32
    %mul3A_16 = vector.broadcast %mul3A_15 : f32 to vector<512x2048xf32>
    %mul3A_17 = arith.mulf %mul3A_16, %dot_general3A_9 : vector<512x2048xf32>
    %sub3A = vector.broadcast %broadcast_in_dim3A : vector<512x1xf32> to vector<512x2048xf32>
    %sub3A_18 = arith.subf %mul3A_17, %sub3A : vector<512x2048xf32>
    %sub3A_19 = vector.broadcast %broadcast_in_dim3A_14 : vector<1x2048xf32> to vector<512x2048xf32>
    %sub3A_20 = arith.subf %sub3A_18, %sub3A_19 : vector<512x2048xf32>
    %iota3A = tpu.iota {dimensions = array<i32: 1>} : vector<512x2048xi32>
    %iota3A_21 = tpu.iota {dimensions = array<i32: 1>} : vector<512x20xi32>
    %broadcast_in_dim3A_22 = arith.constant 0 : i32
    %broadcast_in_dim3A_23 = vector.broadcast %broadcast_in_dim3A_22 : i32 to vector<512x20xi32>
    %reduce_max3A = arith.constant dense<0xFF800000> : vector<512xf32>
    %reduce_max3A_24 = vector.multi_reduction <maximumf>, %sub3A_20, %reduce_max3A [1] : vector<512x2048xf32> to vector<512xf32>
    %broadcast_in_dim3A_25 = vector.shape_cast %reduce_max3A_24 : vector<512xf32> to vector<512x1xf32>
    %eq3A = vector.broadcast %broadcast_in_dim3A_25 : vector<512x1xf32> to vector<512x2048xf32>
    %eq3A_26 = arith.cmpf oeq, %sub3A_20, %eq3A : vector<512x2048xf32>
    %jit3A = arith.constant 2048 : i32
    %broadcast_in_dim3A_27 = vector.broadcast %jit3A : i32 to vector<512x2048xi32>
    %select_n3A = arith.select %eq3A_26, %iota3A, %broadcast_in_dim3A_27 : vector<512x2048xi1>, vector<512x2048xi32>
    %reduce_min3A = arith.constant dense<2147483647> : vector<512xi32>
    %reduce_min3A_28 = vector.multi_reduction <minsi>, %select_n3A, %reduce_min3A [1] : vector<512x2048xi32> to vector<512xi32>
    %broadcast_in_dim3A_29 = vector.shape_cast %reduce_min3A_28 : vector<512xi32> to vector<512x1xi32>
    %eq3A_30 = arith.constant 0 : i32
    %eq3A_31 = vector.broadcast %eq3A_30 : i32 to vector<512x20xi32>
    %eq3A_32 = arith.cmpi eq, %iota3A_21, %eq3A_31 : vector<512x20xi32>
    %broadcast_in_dim3A_33 = vector.shape_cast %broadcast_in_dim3A_29 : vector<512x1xi32> to vector<512x1xi32>
    %broadcast_in_dim3A_34 = vector.broadcast %broadcast_in_dim3A_33 : vector<512x1xi32> to vector<512x20xi32>
    %select_n3A_35 = arith.select %eq3A_32, %broadcast_in_dim3A_34, %broadcast_in_dim3A_23 : vector<512x20xi1>, vector<512x20xi32>
    %eq3A_36 = vector.broadcast %broadcast_in_dim3A_29 : vector<512x1xi32> to vector<512x2048xi32>
    %eq3A_37 = arith.cmpi eq, %iota3A, %eq3A_36 : vector<512x2048xi32>
    %jit3A_38 = arith.constant 0xFF800000 : f32
    %broadcast_in_dim3A_39 = vector.broadcast %jit3A_38 : f32 to vector<512x2048xf32>
    %select_n3A_40 = arith.select %eq3A_37, %broadcast_in_dim3A_39, %sub3A_20 : vector<512x2048xi1>, vector<512x2048xf32>
    %reduce_max3A_41 = arith.constant dense<0xFF800000> : vector<512xf32>
    %reduce_max3A_42 = vector.multi_reduction <maximumf>, %select_n3A_40, %reduce_max3A_41 [1] : vector<512x2048xf32> to vector<512xf32>
    %broadcast_in_dim3A_43 = vector.shape_cast %reduce_max3A_42 : vector<512xf32> to vector<512x1xf32>
    %eq3A_44 = vector.broadcast %broadcast_in_dim3A_43 : vector<512x1xf32> to vector<512x2048xf32>
    %eq3A_45 = arith.cmpf oeq, %select_n3A_40, %eq3A_44 : vector<512x2048xf32>
    %jit3A_46 = arith.constant 2048 : i32
    %broadcast_in_dim3A_47 = vector.broadcast %jit3A_46 : i32 to vector<512x2048xi32>
    %select_n3A_48 = arith.select %eq3A_45, %iota3A, %broadcast_in_dim3A_47 : vector<512x2048xi1>, vector<512x2048xi32>
    %reduce_min3A_49 = arith.constant dense<2147483647> : vector<512xi32>
    %reduce_min3A_50 = vector.multi_reduction <minsi>, %select_n3A_48, %reduce_min3A_49 [1] : vector<512x2048xi32> to vector<512xi32>
    %broadcast_in_dim3A_51 = vector.shape_cast %reduce_min3A_50 : vector<512xi32> to vector<512x1xi32>
    %eq3A_52 = arith.constant 1 : i32
    %eq3A_53 = vector.broadcast %eq3A_52 : i32 to vector<512x20xi32>
    %eq3A_54 = arith.cmpi eq, %iota3A_21, %eq3A_53 : vector<512x20xi32>
    %broadcast_in_dim3A_55 = vector.shape_cast %broadcast_in_dim3A_51 : vector<512x1xi32> to vector<512x1xi32>
    %broadcast_in_dim3A_56 = vector.broadcast %broadcast_in_dim3A_55 : vector<512x1xi32> to vector<512x20xi32>
    %select_n3A_57 = arith.select %eq3A_54, %broadcast_in_dim3A_56, %select_n3A_35 : vector<512x20xi1>, vector<512x20xi32>
    %eq3A_58 = vector.broadcast %broadcast_in_dim3A_51 : vector<512x1xi32> to vector<512x2048xi32>
    %eq3A_59 = arith.cmpi eq, %iota3A, %eq3A_58 : vector<512x2048xi32>
    %jit3A_60 = arith.constant 0xFF800000 : f32
    %broadcast_in_dim3A_61 = vector.broadcast %jit3A_60 : f32 to vector<512x2048xf32>
    %select_n3A_62 = arith.select %eq3A_59, %broadcast_in_dim3A_61, %select_n3A_40 : vector<512x2048xi1>, vector<512x2048xf32>
    %reduce_max3A_63 = arith.constant dense<0xFF800000> : vector<512xf32>
    %reduce_max3A_64 = vector.multi_reduction <maximumf>, %select_n3A_62, %reduce_max3A_63 [1] : vector<512x2048xf32> to vector<512xf32>
    %broadcast_in_dim3A_65 = vector.shape_cast %reduce_max3A_64 : vector<512xf32> to vector<512x1xf32>
    %eq3A_66 = vector.broadcast %broadcast_in_dim3A_65 : vector<512x1xf32> to vector<512x2048xf32>
    %eq3A_67 = arith.cmpf oeq, %select_n3A_62, %eq3A_66 : vector<512x2048xf32>
    %jit3A_68 = arith.constant 2048 : i32
    %broadcast_in_dim3A_69 = vector.broadcast %jit3A_68 : i32 to vector<512x2048xi32>
    %select_n3A_70 = arith.select %eq3A_67, %iota3A, %broadcast_in_dim3A_69 : vector<512x2048xi1>, vector<512x2048xi32>
    %reduce_min3A_71 = arith.constant dense<2147483647> : vector<512xi32>
    %reduce_min3A_72 = vector.multi_reduction <minsi>, %select_n3A_70, %reduce_min3A_71 [1] : vector<512x2048xi32> to vector<512xi32>
    %broadcast_in_dim3A_73 = vector.shape_cast %reduce_min3A_72 : vector<512xi32> to vector<512x1xi32>
    %eq3A_74 = arith.constant 2 : i32
    %eq3A_75 = vector.broadcast %eq3A_74 : i32 to vector<512x20xi32>
    %eq3A_76 = arith.cmpi eq, %iota3A_21, %eq3A_75 : vector<512x20xi32>
    %broadcast_in_dim3A_77 = vector.shape_cast %broadcast_in_dim3A_73 : vector<512x1xi32> to vector<512x1xi32>
    %broadcast_in_dim3A_78 = vector.broadcast %broadcast_in_dim3A_77 : vector<512x1xi32> to vector<512x20xi32>
    %select_n3A_79 = arith.select %eq3A_76, %broadcast_in_dim3A_78, %select_n3A_57 : vector<512x20xi1>, vector<512x20xi32>
    %eq3A_80 = vector.broadcast %broadcast_in_dim3A_73 : vector<512x1xi32> to vector<512x2048xi32>
    %eq3A_81 = arith.cmpi eq, %iota3A, %eq3A_80 : vector<512x2048xi32>
    %jit3A_82 = arith.constant 0xFF800000 : f32
    %broadcast_in_dim3A_83 = vector.broadcast %jit3A_82 : f32 to vector<512x2048xf32>
    %select_n3A_84 = arith.select %eq3A_81, %broadcast_in_dim3A_83, %select_n3A_62 : vector<512x2048xi1>, vector<512x2048xf32>
    %reduce_max3A_85 = arith.constant dense<0xFF800000> : vector<512xf32>
    %reduce_max3A_86 = vector.multi_reduction <maximumf>, %select_n3A_84, %reduce_max3A_85 [1] : vector<512x2048xf32> to vector<512xf32>
    %broadcast_in_dim3A_87 = vector.shape_cast %reduce_max3A_86 : vector<512xf32> to vector<512x1xf32>
    %eq3A_88 = vector.broadcast %broadcast_in_dim3A_87 : vector<512x1xf32> to vector<512x2048xf32>
    %eq3A_89 = arith.cmpf oeq, %select_n3A_84, %eq3A_88 : vector<512x2048xf32>
    %jit3A_90 = arith.constant 2048 : i32
    %broadcast_in_dim3A_91 = vector.broadcast %jit3A_90 : i32 to vector<512x2048xi32>
    %select_n3A_92 = arith.select %eq3A_89, %iota3A, %broadcast_in_dim3A_91 : vector<512x2048xi1>, vector<512x2048xi32>
    %reduce_min3A_93 = arith.constant dense<2147483647> : vector<512xi32>
    %reduce_min3A_94 = vector.multi_reduction <minsi>, %select_n3A_92, %reduce_min3A_93 [1] : vector<512x2048xi32> to vector<512xi32>
    %broadcast_in_dim3A_95 = vector.shape_cast %reduce_min3A_94 : vector<512xi32> to vector<512x1xi32>
    %eq3A_96 = arith.constant 3 : i32
    %eq3A_97 = vector.broadcast %eq3A_96 : i32 to vector<512x20xi32>
    %eq3A_98 = arith.cmpi eq, %iota3A_21, %eq3A_97 : vector<512x20xi32>
    %broadcast_in_dim3A_99 = vector.shape_cast %broadcast_in_dim3A_95 : vector<512x1xi32> to vector<512x1xi32>
    %broadcast_in_dim3A_100 = vector.broadcast %broadcast_in_dim3A_99 : vector<512x1xi32> to vector<512x20xi32>
    %select_n3A_101 = arith.select %eq3A_98, %broadcast_in_dim3A_100, %select_n3A_79 : vector<512x20xi1>, vector<512x20xi32>
    %eq3A_102 = vector.broadcast %broadcast_in_dim3A_95 : vector<512x1xi32> to vector<512x2048xi32>
    %eq3A_103 = arith.cmpi eq, %iota3A, %eq3A_102 : vector<512x2048xi32>
    %jit3A_104 = arith.constant 0xFF800000 : f32
    %broadcast_in_dim3A_105 = vector.broadcast %jit3A_104 : f32 to vector<512x2048xf32>
    %select_n3A_106 = arith.select %eq3A_103, %broadcast_in_dim3A_105, %select_n3A_84 : vector<512x2048xi1>, vector<512x2048xf32>
    %reduce_max3A_107 = arith.constant dense<0xFF800000> : vector<512xf32>
    %reduce_max3A_108 = vector.multi_reduction <maximumf>, %select_n3A_106, %reduce_max3A_107 [1] : vector<512x2048xf32> to vector<512xf32>
    %broadcast_in_dim3A_109 = vector.shape_cast %reduce_max3A_108 : vector<512xf32> to vector<512x1xf32>
    %eq3A_110 = vector.broadcast %broadcast_in_dim3A_109 : vector<512x1xf32> to vector<512x2048xf32>
    %eq3A_111 = arith.cmpf oeq, %select_n3A_106, %eq3A_110 : vector<512x2048xf32>
    %jit3A_112 = arith.constant 2048 : i32
    %broadcast_in_dim3A_113 = vector.broadcast %jit3A_112 : i32 to vector<512x2048xi32>
    %select_n3A_114 = arith.select %eq3A_111, %iota3A, %broadcast_in_dim3A_113 : vector<512x2048xi1>, vector<512x2048xi32>
    %reduce_min3A_115 = arith.constant dense<2147483647> : vector<512xi32>
    %reduce_min3A_116 = vector.multi_reduction <minsi>, %select_n3A_114, %reduce_min3A_115 [1] : vector<512x2048xi32> to vector<512xi32>
    %broadcast_in_dim3A_117 = vector.shape_cast %reduce_min3A_116 : vector<512xi32> to vector<512x1xi32>
    %eq3A_118 = arith.constant 4 : i32
    %eq3A_119 = vector.broadcast %eq3A_118 : i32 to vector<512x20xi32>
    %eq3A_120 = arith.cmpi eq, %iota3A_21, %eq3A_119 : vector<512x20xi32>
    %broadcast_in_dim3A_121 = vector.shape_cast %broadcast_in_dim3A_117 : vector<512x1xi32> to vector<512x1xi32>
    %broadcast_in_dim3A_122 = vector.broadcast %broadcast_in_dim3A_121 : vector<512x1xi32> to vector<512x20xi32>
    %select_n3A_123 = arith.select %eq3A_120, %broadcast_in_dim3A_122, %select_n3A_101 : vector<512x20xi1>, vector<512x20xi32>
    %eq3A_124 = vector.broadcast %broadcast_in_dim3A_117 : vector<512x1xi32> to vector<512x2048xi32>
    %eq3A_125 = arith.cmpi eq, %iota3A, %eq3A_124 : vector<512x2048xi32>
    %jit3A_126 = arith.constant 0xFF800000 : f32
    %broadcast_in_dim3A_127 = vector.broadcast %jit3A_126 : f32 to vector<512x2048xf32>
    %select_n3A_128 = arith.select %eq3A_125, %broadcast_in_dim3A_127, %select_n3A_106 : vector<512x2048xi1>, vector<512x2048xf32>
    %reduce_max3A_129 = arith.constant dense<0xFF800000> : vector<512xf32>
    %reduce_max3A_130 = vector.multi_reduction <maximumf>, %select_n3A_128, %reduce_max3A_129 [1] : vector<512x2048xf32> to vector<512xf32>
    %broadcast_in_dim3A_131 = vector.shape_cast %reduce_max3A_130 : vector<512xf32> to vector<512x1xf32>
    %eq3A_132 = vector.broadcast %broadcast_in_dim3A_131 : vector<512x1xf32> to vector<512x2048xf32>
    %eq3A_133 = arith.cmpf oeq, %select_n3A_128, %eq3A_132 : vector<512x2048xf32>
    %jit3A_134 = arith.constant 2048 : i32
    %broadcast_in_dim3A_135 = vector.broadcast %jit3A_134 : i32 to vector<512x2048xi32>
    %select_n3A_136 = arith.select %eq3A_133, %iota3A, %broadcast_in_dim3A_135 : vector<512x2048xi1>, vector<512x2048xi32>
    %reduce_min3A_137 = arith.constant dense<2147483647> : vector<512xi32>
    %reduce_min3A_138 = vector.multi_reduction <minsi>, %select_n3A_136, %reduce_min3A_137 [1] : vector<512x2048xi32> to vector<512xi32>
    %broadcast_in_dim3A_139 = vector.shape_cast %reduce_min3A_138 : vector<512xi32> to vector<512x1xi32>
    %eq3A_140 = arith.constant 5 : i32
    %eq3A_141 = vector.broadcast %eq3A_140 : i32 to vector<512x20xi32>
    %eq3A_142 = arith.cmpi eq, %iota3A_21, %eq3A_141 : vector<512x20xi32>
    %broadcast_in_dim3A_143 = vector.shape_cast %broadcast_in_dim3A_139 : vector<512x1xi32> to vector<512x1xi32>
    %broadcast_in_dim3A_144 = vector.broadcast %broadcast_in_dim3A_143 : vector<512x1xi32> to vector<512x20xi32>
    %select_n3A_145 = arith.select %eq3A_142, %broadcast_in_dim3A_144, %select_n3A_123 : vector<512x20xi1>, vector<512x20xi32>
    %eq3A_146 = vector.broadcast %broadcast_in_dim3A_139 : vector<512x1xi32> to vector<512x2048xi32>
    %eq3A_147 = arith.cmpi eq, %iota3A, %eq3A_146 : vector<512x2048xi32>
    %jit3A_148 = arith.constant 0xFF800000 : f32
    %broadcast_in_dim3A_149 = vector.broadcast %jit3A_148 : f32 to vector<512x2048xf32>
    %select_n3A_150 = arith.select %eq3A_147, %broadcast_in_dim3A_149, %select_n3A_128 : vector<512x2048xi1>, vector<512x2048xf32>
    %reduce_max3A_151 = arith.constant dense<0xFF800000> : vector<512xf32>
    %reduce_max3A_152 = vector.multi_reduction <maximumf>, %select_n3A_150, %reduce_max3A_151 [1] : vector<512x2048xf32> to vector<512xf32>
    %broadcast_in_dim3A_153 = vector.shape_cast %reduce_max3A_152 : vector<512xf32> to vector<512x1xf32>
    %eq3A_154 = vector.broadcast %broadcast_in_dim3A_153 : vector<512x1xf32> to vector<512x2048xf32>
    %eq3A_155 = arith.cmpf oeq, %select_n3A_150, %eq3A_154 : vector<512x2048xf32>
    %jit3A_156 = arith.constant 2048 : i32
    %broadcast_in_dim3A_157 = vector.broadcast %jit3A_156 : i32 to vector<512x2048xi32>
    %select_n3A_158 = arith.select %eq3A_155, %iota3A, %broadcast_in_dim3A_157 : vector<512x2048xi1>, vector<512x2048xi32>
    %reduce_min3A_159 = arith.constant dense<2147483647> : vector<512xi32>
    %reduce_min3A_160 = vector.multi_reduction <minsi>, %select_n3A_158, %reduce_min3A_159 [1] : vector<512x2048xi32> to vector<512xi32>
    %broadcast_in_dim3A_161 = vector.shape_cast %reduce_min3A_160 : vector<512xi32> to vector<512x1xi32>
    %eq3A_162 = arith.constant 6 : i32
    %eq3A_163 = vector.broadcast %eq3A_162 : i32 to vector<512x20xi32>
    %eq3A_164 = arith.cmpi eq, %iota3A_21, %eq3A_163 : vector<512x20xi32>
    %broadcast_in_dim3A_165 = vector.shape_cast %broadcast_in_dim3A_161 : vector<512x1xi32> to vector<512x1xi32>
    %broadcast_in_dim3A_166 = vector.broadcast %broadcast_in_dim3A_165 : vector<512x1xi32> to vector<512x20xi32>
    %select_n3A_167 = arith.select %eq3A_164, %broadcast_in_dim3A_166, %select_n3A_145 : vector<512x20xi1>, vector<512x20xi32>
    %eq3A_168 = vector.broadcast %broadcast_in_dim3A_161 : vector<512x1xi32> to vector<512x2048xi32>
    %eq3A_169 = arith.cmpi eq, %iota3A, %eq3A_168 : vector<512x2048xi32>
    %jit3A_170 = arith.constant 0xFF800000 : f32
    %broadcast_in_dim3A_171 = vector.broadcast %jit3A_170 : f32 to vector<512x2048xf32>
    %select_n3A_172 = arith.select %eq3A_169, %broadcast_in_dim3A_171, %select_n3A_150 : vector<512x2048xi1>, vector<512x2048xf32>
    %reduce_max3A_173 = arith.constant dense<0xFF800000> : vector<512xf32>
    %reduce_max3A_174 = vector.multi_reduction <maximumf>, %select_n3A_172, %reduce_max3A_173 [1] : vector<512x2048xf32> to vector<512xf32>
    %broadcast_in_dim3A_175 = vector.shape_cast %reduce_max3A_174 : vector<512xf32> to vector<512x1xf32>
    %eq3A_176 = vector.broadcast %broadcast_in_dim3A_175 : vector<512x1xf32> to vector<512x2048xf32>
    %eq3A_177 = arith.cmpf oeq, %select_n3A_172, %eq3A_176 : vector<512x2048xf32>
    %jit3A_178 = arith.constant 2048 : i32
    %broadcast_in_dim3A_179 = vector.broadcast %jit3A_178 : i32 to vector<512x2048xi32>
    %select_n3A_180 = arith.select %eq3A_177, %iota3A, %broadcast_in_dim3A_179 : vector<512x2048xi1>, vector<512x2048xi32>
    %reduce_min3A_181 = arith.constant dense<2147483647> : vector<512xi32>
    %reduce_min3A_182 = vector.multi_reduction <minsi>, %select_n3A_180, %reduce_min3A_181 [1] : vector<512x2048xi32> to vector<512xi32>
    %broadcast_in_dim3A_183 = vector.shape_cast %reduce_min3A_182 : vector<512xi32> to vector<512x1xi32>
    %eq3A_184 = arith.constant 7 : i32
    %eq3A_185 = vector.broadcast %eq3A_184 : i32 to vector<512x20xi32>
    %eq3A_186 = arith.cmpi eq, %iota3A_21, %eq3A_185 : vector<512x20xi32>
    %broadcast_in_dim3A_187 = vector.shape_cast %broadcast_in_dim3A_183 : vector<512x1xi32> to vector<512x1xi32>
    %broadcast_in_dim3A_188 = vector.broadcast %broadcast_in_dim3A_187 : vector<512x1xi32> to vector<512x20xi32>
    %select_n3A_189 = arith.select %eq3A_186, %broadcast_in_dim3A_188, %select_n3A_167 : vector<512x20xi1>, vector<512x20xi32>
    %eq3A_190 = vector.broadcast %broadcast_in_dim3A_183 : vector<512x1xi32> to vector<512x2048xi32>
    %eq3A_191 = arith.cmpi eq, %iota3A, %eq3A_190 : vector<512x2048xi32>
    %jit3A_192 = arith.constant 0xFF800000 : f32
    %broadcast_in_dim3A_193 = vector.broadcast %jit3A_192 : f32 to vector<512x2048xf32>
    %select_n3A_194 = arith.select %eq3A_191, %broadcast_in_dim3A_193, %select_n3A_172 : vector<512x2048xi1>, vector<512x2048xf32>
    %reduce_max3A_195 = arith.constant dense<0xFF800000> : vector<512xf32>
    %reduce_max3A_196 = vector.multi_reduction <maximumf>, %select_n3A_194, %reduce_max3A_195 [1] : vector<512x2048xf32> to vector<512xf32>
    %broadcast_in_dim3A_197 = vector.shape_cast %reduce_max3A_196 : vector<512xf32> to vector<512x1xf32>
    %eq3A_198 = vector.broadcast %broadcast_in_dim3A_197 : vector<512x1xf32> to vector<512x2048xf32>
    %eq3A_199 = arith.cmpf oeq, %select_n3A_194, %eq3A_198 : vector<512x2048xf32>
    %jit3A_200 = arith.constant 2048 : i32
    %broadcast_in_dim3A_201 = vector.broadcast %jit3A_200 : i32 to vector<512x2048xi32>
    %select_n3A_202 = arith.select %eq3A_199, %iota3A, %broadcast_in_dim3A_201 : vector<512x2048xi1>, vector<512x2048xi32>
    %reduce_min3A_203 = arith.constant dense<2147483647> : vector<512xi32>
    %reduce_min3A_204 = vector.multi_reduction <minsi>, %select_n3A_202, %reduce_min3A_203 [1] : vector<512x2048xi32> to vector<512xi32>
    %broadcast_in_dim3A_205 = vector.shape_cast %reduce_min3A_204 : vector<512xi32> to vector<512x1xi32>
    %eq3A_206 = arith.constant 8 : i32
    %eq3A_207 = vector.broadcast %eq3A_206 : i32 to vector<512x20xi32>
    %eq3A_208 = arith.cmpi eq, %iota3A_21, %eq3A_207 : vector<512x20xi32>
    %broadcast_in_dim3A_209 = vector.shape_cast %broadcast_in_dim3A_205 : vector<512x1xi32> to vector<512x1xi32>
    %broadcast_in_dim3A_210 = vector.broadcast %broadcast_in_dim3A_209 : vector<512x1xi32> to vector<512x20xi32>
    %select_n3A_211 = arith.select %eq3A_208, %broadcast_in_dim3A_210, %select_n3A_189 : vector<512x20xi1>, vector<512x20xi32>
    %eq3A_212 = vector.broadcast %broadcast_in_dim3A_205 : vector<512x1xi32> to vector<512x2048xi32>
    %eq3A_213 = arith.cmpi eq, %iota3A, %eq3A_212 : vector<512x2048xi32>
    %jit3A_214 = arith.constant 0xFF800000 : f32
    %broadcast_in_dim3A_215 = vector.broadcast %jit3A_214 : f32 to vector<512x2048xf32>
    %select_n3A_216 = arith.select %eq3A_213, %broadcast_in_dim3A_215, %select_n3A_194 : vector<512x2048xi1>, vector<512x2048xf32>
    %reduce_max3A_217 = arith.constant dense<0xFF800000> : vector<512xf32>
    %reduce_max3A_218 = vector.multi_reduction <maximumf>, %select_n3A_216, %reduce_max3A_217 [1] : vector<512x2048xf32> to vector<512xf32>
    %broadcast_in_dim3A_219 = vector.shape_cast %reduce_max3A_218 : vector<512xf32> to vector<512x1xf32>
    %eq3A_220 = vector.broadcast %broadcast_in_dim3A_219 : vector<512x1xf32> to vector<512x2048xf32>
    %eq3A_221 = arith.cmpf oeq, %select_n3A_216, %eq3A_220 : vector<512x2048xf32>
    %jit3A_222 = arith.constant 2048 : i32
    %broadcast_in_dim3A_223 = vector.broadcast %jit3A_222 : i32 to vector<512x2048xi32>
    %select_n3A_224 = arith.select %eq3A_221, %iota3A, %broadcast_in_dim3A_223 : vector<512x2048xi1>, vector<512x2048xi32>
    %reduce_min3A_225 = arith.constant dense<2147483647> : vector<512xi32>
    %reduce_min3A_226 = vector.multi_reduction <minsi>, %select_n3A_224, %reduce_min3A_225 [1] : vector<512x2048xi32> to vector<512xi32>
    %broadcast_in_dim3A_227 = vector.shape_cast %reduce_min3A_226 : vector<512xi32> to vector<512x1xi32>
    %eq3A_228 = arith.constant 9 : i32
    %eq3A_229 = vector.broadcast %eq3A_228 : i32 to vector<512x20xi32>
    %eq3A_230 = arith.cmpi eq, %iota3A_21, %eq3A_229 : vector<512x20xi32>
    %broadcast_in_dim3A_231 = vector.shape_cast %broadcast_in_dim3A_227 : vector<512x1xi32> to vector<512x1xi32>
    %broadcast_in_dim3A_232 = vector.broadcast %broadcast_in_dim3A_231 : vector<512x1xi32> to vector<512x20xi32>
    %select_n3A_233 = arith.select %eq3A_230, %broadcast_in_dim3A_232, %select_n3A_211 : vector<512x20xi1>, vector<512x20xi32>
    %eq3A_234 = vector.broadcast %broadcast_in_dim3A_227 : vector<512x1xi32> to vector<512x2048xi32>
    %eq3A_235 = arith.cmpi eq, %iota3A, %eq3A_234 : vector<512x2048xi32>
    %jit3A_236 = arith.constant 0xFF800000 : f32
    %broadcast_in_dim3A_237 = vector.broadcast %jit3A_236 : f32 to vector<512x2048xf32>
    %select_n3A_238 = arith.select %eq3A_235, %broadcast_in_dim3A_237, %select_n3A_216 : vector<512x2048xi1>, vector<512x2048xf32>
    %reduce_max3A_239 = arith.constant dense<0xFF800000> : vector<512xf32>
    %reduce_max3A_240 = vector.multi_reduction <maximumf>, %select_n3A_238, %reduce_max3A_239 [1] : vector<512x2048xf32> to vector<512xf32>
    %broadcast_in_dim3A_241 = vector.shape_cast %reduce_max3A_240 : vector<512xf32> to vector<512x1xf32>
    %eq3A_242 = vector.broadcast %broadcast_in_dim3A_241 : vector<512x1xf32> to vector<512x2048xf32>
    %eq3A_243 = arith.cmpf oeq, %select_n3A_238, %eq3A_242 : vector<512x2048xf32>
    %jit3A_244 = arith.constant 2048 : i32
    %broadcast_in_dim3A_245 = vector.broadcast %jit3A_244 : i32 to vector<512x2048xi32>
    %select_n3A_246 = arith.select %eq3A_243, %iota3A, %broadcast_in_dim3A_245 : vector<512x2048xi1>, vector<512x2048xi32>
    %reduce_min3A_247 = arith.constant dense<2147483647> : vector<512xi32>
    %reduce_min3A_248 = vector.multi_reduction <minsi>, %select_n3A_246, %reduce_min3A_247 [1] : vector<512x2048xi32> to vector<512xi32>
    %broadcast_in_dim3A_249 = vector.shape_cast %reduce_min3A_248 : vector<512xi32> to vector<512x1xi32>
    %eq3A_250 = arith.constant 10 : i32
    %eq3A_251 = vector.broadcast %eq3A_250 : i32 to vector<512x20xi32>
    %eq3A_252 = arith.cmpi eq, %iota3A_21, %eq3A_251 : vector<512x20xi32>
    %broadcast_in_dim3A_253 = vector.shape_cast %broadcast_in_dim3A_249 : vector<512x1xi32> to vector<512x1xi32>
    %broadcast_in_dim3A_254 = vector.broadcast %broadcast_in_dim3A_253 : vector<512x1xi32> to vector<512x20xi32>
    %select_n3A_255 = arith.select %eq3A_252, %broadcast_in_dim3A_254, %select_n3A_233 : vector<512x20xi1>, vector<512x20xi32>
    %eq3A_256 = vector.broadcast %broadcast_in_dim3A_249 : vector<512x1xi32> to vector<512x2048xi32>
    %eq3A_257 = arith.cmpi eq, %iota3A, %eq3A_256 : vector<512x2048xi32>
    %jit3A_258 = arith.constant 0xFF800000 : f32
    %broadcast_in_dim3A_259 = vector.broadcast %jit3A_258 : f32 to vector<512x2048xf32>
    %select_n3A_260 = arith.select %eq3A_257, %broadcast_in_dim3A_259, %select_n3A_238 : vector<512x2048xi1>, vector<512x2048xf32>
    %reduce_max3A_261 = arith.constant dense<0xFF800000> : vector<512xf32>
    %reduce_max3A_262 = vector.multi_reduction <maximumf>, %select_n3A_260, %reduce_max3A_261 [1] : vector<512x2048xf32> to vector<512xf32>
    %broadcast_in_dim3A_263 = vector.shape_cast %reduce_max3A_262 : vector<512xf32> to vector<512x1xf32>
    %eq3A_264 = vector.broadcast %broadcast_in_dim3A_263 : vector<512x1xf32> to vector<512x2048xf32>
    %eq3A_265 = arith.cmpf oeq, %select_n3A_260, %eq3A_264 : vector<512x2048xf32>
    %jit3A_266 = arith.constant 2048 : i32
    %broadcast_in_dim3A_267 = vector.broadcast %jit3A_266 : i32 to vector<512x2048xi32>
    %select_n3A_268 = arith.select %eq3A_265, %iota3A, %broadcast_in_dim3A_267 : vector<512x2048xi1>, vector<512x2048xi32>
    %reduce_min3A_269 = arith.constant dense<2147483647> : vector<512xi32>
    %reduce_min3A_270 = vector.multi_reduction <minsi>, %select_n3A_268, %reduce_min3A_269 [1] : vector<512x2048xi32> to vector<512xi32>
    %broadcast_in_dim3A_271 = vector.shape_cast %reduce_min3A_270 : vector<512xi32> to vector<512x1xi32>
    %eq3A_272 = arith.constant 11 : i32
    %eq3A_273 = vector.broadcast %eq3A_272 : i32 to vector<512x20xi32>
    %eq3A_274 = arith.cmpi eq, %iota3A_21, %eq3A_273 : vector<512x20xi32>
    %broadcast_in_dim3A_275 = vector.shape_cast %broadcast_in_dim3A_271 : vector<512x1xi32> to vector<512x1xi32>
    %broadcast_in_dim3A_276 = vector.broadcast %broadcast_in_dim3A_275 : vector<512x1xi32> to vector<512x20xi32>
    %select_n3A_277 = arith.select %eq3A_274, %broadcast_in_dim3A_276, %select_n3A_255 : vector<512x20xi1>, vector<512x20xi32>
    %eq3A_278 = vector.broadcast %broadcast_in_dim3A_271 : vector<512x1xi32> to vector<512x2048xi32>
    %eq3A_279 = arith.cmpi eq, %iota3A, %eq3A_278 : vector<512x2048xi32>
    %jit3A_280 = arith.constant 0xFF800000 : f32
    %broadcast_in_dim3A_281 = vector.broadcast %jit3A_280 : f32 to vector<512x2048xf32>
    %select_n3A_282 = arith.select %eq3A_279, %broadcast_in_dim3A_281, %select_n3A_260 : vector<512x2048xi1>, vector<512x2048xf32>
    %reduce_max3A_283 = arith.constant dense<0xFF800000> : vector<512xf32>
    %reduce_max3A_284 = vector.multi_reduction <maximumf>, %select_n3A_282, %reduce_max3A_283 [1] : vector<512x2048xf32> to vector<512xf32>
    %broadcast_in_dim3A_285 = vector.shape_cast %reduce_max3A_284 : vector<512xf32> to vector<512x1xf32>
    %eq3A_286 = vector.broadcast %broadcast_in_dim3A_285 : vector<512x1xf32> to vector<512x2048xf32>
    %eq3A_287 = arith.cmpf oeq, %select_n3A_282, %eq3A_286 : vector<512x2048xf32>
    %jit3A_288 = arith.constant 2048 : i32
    %broadcast_in_dim3A_289 = vector.broadcast %jit3A_288 : i32 to vector<512x2048xi32>
    %select_n3A_290 = arith.select %eq3A_287, %iota3A, %broadcast_in_dim3A_289 : vector<512x2048xi1>, vector<512x2048xi32>
    %reduce_min3A_291 = arith.constant dense<2147483647> : vector<512xi32>
    %reduce_min3A_292 = vector.multi_reduction <minsi>, %select_n3A_290, %reduce_min3A_291 [1] : vector<512x2048xi32> to vector<512xi32>
    %broadcast_in_dim3A_293 = vector.shape_cast %reduce_min3A_292 : vector<512xi32> to vector<512x1xi32>
    %eq3A_294 = arith.constant 12 : i32
    %eq3A_295 = vector.broadcast %eq3A_294 : i32 to vector<512x20xi32>
    %eq3A_296 = arith.cmpi eq, %iota3A_21, %eq3A_295 : vector<512x20xi32>
    %broadcast_in_dim3A_297 = vector.shape_cast %broadcast_in_dim3A_293 : vector<512x1xi32> to vector<512x1xi32>
    %broadcast_in_dim3A_298 = vector.broadcast %broadcast_in_dim3A_297 : vector<512x1xi32> to vector<512x20xi32>
    %select_n3A_299 = arith.select %eq3A_296, %broadcast_in_dim3A_298, %select_n3A_277 : vector<512x20xi1>, vector<512x20xi32>
    %eq3A_300 = vector.broadcast %broadcast_in_dim3A_293 : vector<512x1xi32> to vector<512x2048xi32>
    %eq3A_301 = arith.cmpi eq, %iota3A, %eq3A_300 : vector<512x2048xi32>
    %jit3A_302 = arith.constant 0xFF800000 : f32
    %broadcast_in_dim3A_303 = vector.broadcast %jit3A_302 : f32 to vector<512x2048xf32>
    %select_n3A_304 = arith.select %eq3A_301, %broadcast_in_dim3A_303, %select_n3A_282 : vector<512x2048xi1>, vector<512x2048xf32>
    %reduce_max3A_305 = arith.constant dense<0xFF800000> : vector<512xf32>
    %reduce_max3A_306 = vector.multi_reduction <maximumf>, %select_n3A_304, %reduce_max3A_305 [1] : vector<512x2048xf32> to vector<512xf32>
    %broadcast_in_dim3A_307 = vector.shape_cast %reduce_max3A_306 : vector<512xf32> to vector<512x1xf32>
    %eq3A_308 = vector.broadcast %broadcast_in_dim3A_307 : vector<512x1xf32> to vector<512x2048xf32>
    %eq3A_309 = arith.cmpf oeq, %select_n3A_304, %eq3A_308 : vector<512x2048xf32>
    %jit3A_310 = arith.constant 2048 : i32
    %broadcast_in_dim3A_311 = vector.broadcast %jit3A_310 : i32 to vector<512x2048xi32>
    %select_n3A_312 = arith.select %eq3A_309, %iota3A, %broadcast_in_dim3A_311 : vector<512x2048xi1>, vector<512x2048xi32>
    %reduce_min3A_313 = arith.constant dense<2147483647> : vector<512xi32>
    %reduce_min3A_314 = vector.multi_reduction <minsi>, %select_n3A_312, %reduce_min3A_313 [1] : vector<512x2048xi32> to vector<512xi32>
    %broadcast_in_dim3A_315 = vector.shape_cast %reduce_min3A_314 : vector<512xi32> to vector<512x1xi32>
    %eq3A_316 = arith.constant 13 : i32
    %eq3A_317 = vector.broadcast %eq3A_316 : i32 to vector<512x20xi32>
    %eq3A_318 = arith.cmpi eq, %iota3A_21, %eq3A_317 : vector<512x20xi32>
    %broadcast_in_dim3A_319 = vector.shape_cast %broadcast_in_dim3A_315 : vector<512x1xi32> to vector<512x1xi32>
    %broadcast_in_dim3A_320 = vector.broadcast %broadcast_in_dim3A_319 : vector<512x1xi32> to vector<512x20xi32>
    %select_n3A_321 = arith.select %eq3A_318, %broadcast_in_dim3A_320, %select_n3A_299 : vector<512x20xi1>, vector<512x20xi32>
    %eq3A_322 = vector.broadcast %broadcast_in_dim3A_315 : vector<512x1xi32> to vector<512x2048xi32>
    %eq3A_323 = arith.cmpi eq, %iota3A, %eq3A_322 : vector<512x2048xi32>
    %jit3A_324 = arith.constant 0xFF800000 : f32
    %broadcast_in_dim3A_325 = vector.broadcast %jit3A_324 : f32 to vector<512x2048xf32>
    %select_n3A_326 = arith.select %eq3A_323, %broadcast_in_dim3A_325, %select_n3A_304 : vector<512x2048xi1>, vector<512x2048xf32>
    %reduce_max3A_327 = arith.constant dense<0xFF800000> : vector<512xf32>
    %reduce_max3A_328 = vector.multi_reduction <maximumf>, %select_n3A_326, %reduce_max3A_327 [1] : vector<512x2048xf32> to vector<512xf32>
    %broadcast_in_dim3A_329 = vector.shape_cast %reduce_max3A_328 : vector<512xf32> to vector<512x1xf32>
    %eq3A_330 = vector.broadcast %broadcast_in_dim3A_329 : vector<512x1xf32> to vector<512x2048xf32>
    %eq3A_331 = arith.cmpf oeq, %select_n3A_326, %eq3A_330 : vector<512x2048xf32>
    %jit3A_332 = arith.constant 2048 : i32
    %broadcast_in_dim3A_333 = vector.broadcast %jit3A_332 : i32 to vector<512x2048xi32>
    %select_n3A_334 = arith.select %eq3A_331, %iota3A, %broadcast_in_dim3A_333 : vector<512x2048xi1>, vector<512x2048xi32>
    %reduce_min3A_335 = arith.constant dense<2147483647> : vector<512xi32>
    %reduce_min3A_336 = vector.multi_reduction <minsi>, %select_n3A_334, %reduce_min3A_335 [1] : vector<512x2048xi32> to vector<512xi32>
    %broadcast_in_dim3A_337 = vector.shape_cast %reduce_min3A_336 : vector<512xi32> to vector<512x1xi32>
    %eq3A_338 = arith.constant 14 : i32
    %eq3A_339 = vector.broadcast %eq3A_338 : i32 to vector<512x20xi32>
    %eq3A_340 = arith.cmpi eq, %iota3A_21, %eq3A_339 : vector<512x20xi32>
    %broadcast_in_dim3A_341 = vector.shape_cast %broadcast_in_dim3A_337 : vector<512x1xi32> to vector<512x1xi32>
    %broadcast_in_dim3A_342 = vector.broadcast %broadcast_in_dim3A_341 : vector<512x1xi32> to vector<512x20xi32>
    %select_n3A_343 = arith.select %eq3A_340, %broadcast_in_dim3A_342, %select_n3A_321 : vector<512x20xi1>, vector<512x20xi32>
    %eq3A_344 = vector.broadcast %broadcast_in_dim3A_337 : vector<512x1xi32> to vector<512x2048xi32>
    %eq3A_345 = arith.cmpi eq, %iota3A, %eq3A_344 : vector<512x2048xi32>
    %jit3A_346 = arith.constant 0xFF800000 : f32
    %broadcast_in_dim3A_347 = vector.broadcast %jit3A_346 : f32 to vector<512x2048xf32>
    %select_n3A_348 = arith.select %eq3A_345, %broadcast_in_dim3A_347, %select_n3A_326 : vector<512x2048xi1>, vector<512x2048xf32>
    %reduce_max3A_349 = arith.constant dense<0xFF800000> : vector<512xf32>
    %reduce_max3A_350 = vector.multi_reduction <maximumf>, %select_n3A_348, %reduce_max3A_349 [1] : vector<512x2048xf32> to vector<512xf32>
    %broadcast_in_dim3A_351 = vector.shape_cast %reduce_max3A_350 : vector<512xf32> to vector<512x1xf32>
    %eq3A_352 = vector.broadcast %broadcast_in_dim3A_351 : vector<512x1xf32> to vector<512x2048xf32>
    %eq3A_353 = arith.cmpf oeq, %select_n3A_348, %eq3A_352 : vector<512x2048xf32>
    %jit3A_354 = arith.constant 2048 : i32
    %broadcast_in_dim3A_355 = vector.broadcast %jit3A_354 : i32 to vector<512x2048xi32>
    %select_n3A_356 = arith.select %eq3A_353, %iota3A, %broadcast_in_dim3A_355 : vector<512x2048xi1>, vector<512x2048xi32>
    %reduce_min3A_357 = arith.constant dense<2147483647> : vector<512xi32>
    %reduce_min3A_358 = vector.multi_reduction <minsi>, %select_n3A_356, %reduce_min3A_357 [1] : vector<512x2048xi32> to vector<512xi32>
    %broadcast_in_dim3A_359 = vector.shape_cast %reduce_min3A_358 : vector<512xi32> to vector<512x1xi32>
    %eq3A_360 = arith.constant 15 : i32
    %eq3A_361 = vector.broadcast %eq3A_360 : i32 to vector<512x20xi32>
    %eq3A_362 = arith.cmpi eq, %iota3A_21, %eq3A_361 : vector<512x20xi32>
    %broadcast_in_dim3A_363 = vector.shape_cast %broadcast_in_dim3A_359 : vector<512x1xi32> to vector<512x1xi32>
    %broadcast_in_dim3A_364 = vector.broadcast %broadcast_in_dim3A_363 : vector<512x1xi32> to vector<512x20xi32>
    %select_n3A_365 = arith.select %eq3A_362, %broadcast_in_dim3A_364, %select_n3A_343 : vector<512x20xi1>, vector<512x20xi32>
    %eq3A_366 = vector.broadcast %broadcast_in_dim3A_359 : vector<512x1xi32> to vector<512x2048xi32>
    %eq3A_367 = arith.cmpi eq, %iota3A, %eq3A_366 : vector<512x2048xi32>
    %jit3A_368 = arith.constant 0xFF800000 : f32
    %broadcast_in_dim3A_369 = vector.broadcast %jit3A_368 : f32 to vector<512x2048xf32>
    %select_n3A_370 = arith.select %eq3A_367, %broadcast_in_dim3A_369, %select_n3A_348 : vector<512x2048xi1>, vector<512x2048xf32>
    %reduce_max3A_371 = arith.constant dense<0xFF800000> : vector<512xf32>
    %reduce_max3A_372 = vector.multi_reduction <maximumf>, %select_n3A_370, %reduce_max3A_371 [1] : vector<512x2048xf32> to vector<512xf32>
    %broadcast_in_dim3A_373 = vector.shape_cast %reduce_max3A_372 : vector<512xf32> to vector<512x1xf32>
    %eq3A_374 = vector.broadcast %broadcast_in_dim3A_373 : vector<512x1xf32> to vector<512x2048xf32>
    %eq3A_375 = arith.cmpf oeq, %select_n3A_370, %eq3A_374 : vector<512x2048xf32>
    %jit3A_376 = arith.constant 2048 : i32
    %broadcast_in_dim3A_377 = vector.broadcast %jit3A_376 : i32 to vector<512x2048xi32>
    %select_n3A_378 = arith.select %eq3A_375, %iota3A, %broadcast_in_dim3A_377 : vector<512x2048xi1>, vector<512x2048xi32>
    %reduce_min3A_379 = arith.constant dense<2147483647> : vector<512xi32>
    %reduce_min3A_380 = vector.multi_reduction <minsi>, %select_n3A_378, %reduce_min3A_379 [1] : vector<512x2048xi32> to vector<512xi32>
    %broadcast_in_dim3A_381 = vector.shape_cast %reduce_min3A_380 : vector<512xi32> to vector<512x1xi32>
    %eq3A_382 = arith.constant 16 : i32
    %eq3A_383 = vector.broadcast %eq3A_382 : i32 to vector<512x20xi32>
    %eq3A_384 = arith.cmpi eq, %iota3A_21, %eq3A_383 : vector<512x20xi32>
    %broadcast_in_dim3A_385 = vector.shape_cast %broadcast_in_dim3A_381 : vector<512x1xi32> to vector<512x1xi32>
    %broadcast_in_dim3A_386 = vector.broadcast %broadcast_in_dim3A_385 : vector<512x1xi32> to vector<512x20xi32>
    %select_n3A_387 = arith.select %eq3A_384, %broadcast_in_dim3A_386, %select_n3A_365 : vector<512x20xi1>, vector<512x20xi32>
    %eq3A_388 = vector.broadcast %broadcast_in_dim3A_381 : vector<512x1xi32> to vector<512x2048xi32>
    %eq3A_389 = arith.cmpi eq, %iota3A, %eq3A_388 : vector<512x2048xi32>
    %jit3A_390 = arith.constant 0xFF800000 : f32
    %broadcast_in_dim3A_391 = vector.broadcast %jit3A_390 : f32 to vector<512x2048xf32>
    %select_n3A_392 = arith.select %eq3A_389, %broadcast_in_dim3A_391, %select_n3A_370 : vector<512x2048xi1>, vector<512x2048xf32>
    %reduce_max3A_393 = arith.constant dense<0xFF800000> : vector<512xf32>
    %reduce_max3A_394 = vector.multi_reduction <maximumf>, %select_n3A_392, %reduce_max3A_393 [1] : vector<512x2048xf32> to vector<512xf32>
    %broadcast_in_dim3A_395 = vector.shape_cast %reduce_max3A_394 : vector<512xf32> to vector<512x1xf32>
    %eq3A_396 = vector.broadcast %broadcast_in_dim3A_395 : vector<512x1xf32> to vector<512x2048xf32>
    %eq3A_397 = arith.cmpf oeq, %select_n3A_392, %eq3A_396 : vector<512x2048xf32>
    %jit3A_398 = arith.constant 2048 : i32
    %broadcast_in_dim3A_399 = vector.broadcast %jit3A_398 : i32 to vector<512x2048xi32>
    %select_n3A_400 = arith.select %eq3A_397, %iota3A, %broadcast_in_dim3A_399 : vector<512x2048xi1>, vector<512x2048xi32>
    %reduce_min3A_401 = arith.constant dense<2147483647> : vector<512xi32>
    %reduce_min3A_402 = vector.multi_reduction <minsi>, %select_n3A_400, %reduce_min3A_401 [1] : vector<512x2048xi32> to vector<512xi32>
    %broadcast_in_dim3A_403 = vector.shape_cast %reduce_min3A_402 : vector<512xi32> to vector<512x1xi32>
    %eq3A_404 = arith.constant 17 : i32
    %eq3A_405 = vector.broadcast %eq3A_404 : i32 to vector<512x20xi32>
    %eq3A_406 = arith.cmpi eq, %iota3A_21, %eq3A_405 : vector<512x20xi32>
    %broadcast_in_dim3A_407 = vector.shape_cast %broadcast_in_dim3A_403 : vector<512x1xi32> to vector<512x1xi32>
    %broadcast_in_dim3A_408 = vector.broadcast %broadcast_in_dim3A_407 : vector<512x1xi32> to vector<512x20xi32>
    %select_n3A_409 = arith.select %eq3A_406, %broadcast_in_dim3A_408, %select_n3A_387 : vector<512x20xi1>, vector<512x20xi32>
    %eq3A_410 = vector.broadcast %broadcast_in_dim3A_403 : vector<512x1xi32> to vector<512x2048xi32>
    %eq3A_411 = arith.cmpi eq, %iota3A, %eq3A_410 : vector<512x2048xi32>
    %jit3A_412 = arith.constant 0xFF800000 : f32
    %broadcast_in_dim3A_413 = vector.broadcast %jit3A_412 : f32 to vector<512x2048xf32>
    %select_n3A_414 = arith.select %eq3A_411, %broadcast_in_dim3A_413, %select_n3A_392 : vector<512x2048xi1>, vector<512x2048xf32>
    %reduce_max3A_415 = arith.constant dense<0xFF800000> : vector<512xf32>
    %reduce_max3A_416 = vector.multi_reduction <maximumf>, %select_n3A_414, %reduce_max3A_415 [1] : vector<512x2048xf32> to vector<512xf32>
    %broadcast_in_dim3A_417 = vector.shape_cast %reduce_max3A_416 : vector<512xf32> to vector<512x1xf32>
    %eq3A_418 = vector.broadcast %broadcast_in_dim3A_417 : vector<512x1xf32> to vector<512x2048xf32>
    %eq3A_419 = arith.cmpf oeq, %select_n3A_414, %eq3A_418 : vector<512x2048xf32>
    %jit3A_420 = arith.constant 2048 : i32
    %broadcast_in_dim3A_421 = vector.broadcast %jit3A_420 : i32 to vector<512x2048xi32>
    %select_n3A_422 = arith.select %eq3A_419, %iota3A, %broadcast_in_dim3A_421 : vector<512x2048xi1>, vector<512x2048xi32>
    %reduce_min3A_423 = arith.constant dense<2147483647> : vector<512xi32>
    %reduce_min3A_424 = vector.multi_reduction <minsi>, %select_n3A_422, %reduce_min3A_423 [1] : vector<512x2048xi32> to vector<512xi32>
    %broadcast_in_dim3A_425 = vector.shape_cast %reduce_min3A_424 : vector<512xi32> to vector<512x1xi32>
    %eq3A_426 = arith.constant 18 : i32
    %eq3A_427 = vector.broadcast %eq3A_426 : i32 to vector<512x20xi32>
    %eq3A_428 = arith.cmpi eq, %iota3A_21, %eq3A_427 : vector<512x20xi32>
    %broadcast_in_dim3A_429 = vector.shape_cast %broadcast_in_dim3A_425 : vector<512x1xi32> to vector<512x1xi32>
    %broadcast_in_dim3A_430 = vector.broadcast %broadcast_in_dim3A_429 : vector<512x1xi32> to vector<512x20xi32>
    %select_n3A_431 = arith.select %eq3A_428, %broadcast_in_dim3A_430, %select_n3A_409 : vector<512x20xi1>, vector<512x20xi32>
    %eq3A_432 = vector.broadcast %broadcast_in_dim3A_425 : vector<512x1xi32> to vector<512x2048xi32>
    %eq3A_433 = arith.cmpi eq, %iota3A, %eq3A_432 : vector<512x2048xi32>
    %jit3A_434 = arith.constant 0xFF800000 : f32
    %broadcast_in_dim3A_435 = vector.broadcast %jit3A_434 : f32 to vector<512x2048xf32>
    %select_n3A_436 = arith.select %eq3A_433, %broadcast_in_dim3A_435, %select_n3A_414 : vector<512x2048xi1>, vector<512x2048xf32>
    %reduce_max3A_437 = arith.constant dense<0xFF800000> : vector<512xf32>
    %reduce_max3A_438 = vector.multi_reduction <maximumf>, %select_n3A_436, %reduce_max3A_437 [1] : vector<512x2048xf32> to vector<512xf32>
    %broadcast_in_dim3A_439 = vector.shape_cast %reduce_max3A_438 : vector<512xf32> to vector<512x1xf32>
    %eq3A_440 = vector.broadcast %broadcast_in_dim3A_439 : vector<512x1xf32> to vector<512x2048xf32>
    %eq3A_441 = arith.cmpf oeq, %select_n3A_436, %eq3A_440 : vector<512x2048xf32>
    %jit3A_442 = arith.constant 2048 : i32
    %broadcast_in_dim3A_443 = vector.broadcast %jit3A_442 : i32 to vector<512x2048xi32>
    %select_n3A_444 = arith.select %eq3A_441, %iota3A, %broadcast_in_dim3A_443 : vector<512x2048xi1>, vector<512x2048xi32>
    %reduce_min3A_445 = arith.constant dense<2147483647> : vector<512xi32>
    %reduce_min3A_446 = vector.multi_reduction <minsi>, %select_n3A_444, %reduce_min3A_445 [1] : vector<512x2048xi32> to vector<512xi32>
    %broadcast_in_dim3A_447 = vector.shape_cast %reduce_min3A_446 : vector<512xi32> to vector<512x1xi32>
    %eq3A_448 = arith.constant 19 : i32
    %eq3A_449 = vector.broadcast %eq3A_448 : i32 to vector<512x20xi32>
    %eq3A_450 = arith.cmpi eq, %iota3A_21, %eq3A_449 : vector<512x20xi32>
    %broadcast_in_dim3A_451 = vector.shape_cast %broadcast_in_dim3A_447 : vector<512x1xi32> to vector<512x1xi32>
    %broadcast_in_dim3A_452 = vector.broadcast %broadcast_in_dim3A_451 : vector<512x1xi32> to vector<512x20xi32>
    %select_n3A_453 = arith.select %eq3A_450, %broadcast_in_dim3A_452, %select_n3A_431 : vector<512x20xi1>, vector<512x20xi32>
    %mul3A_454 = arith.constant 2048 : i32
    %mul3A_455 = arith.muli %arg0, %mul3A_454 : i32
    %add3A = vector.broadcast %mul3A_455 : i32 to vector<512x20xi32>
    %add3A_456 = arith.addi %select_n3A_453, %add3A : vector<512x20xi32>
    %swap3A = arith.constant 0 : index
    %swap3A_457 = arith.constant 0 : index
    %swap3A_458 = arith.constant 0 : index
    %swap3A_459 = vector.load %arg4[%swap3A, %swap3A_457, %swap3A_458] : memref<1x512x20xi32, #tpu.memory_space<vmem>>, vector<1x512x20xi32>
    %swap3A_460 = vector.shape_cast %swap3A_459 : vector<1x512x20xi32> to vector<512x20xi32>
    %swap3A_461 = vector.shape_cast %add3A_456 : vector<512x20xi32> to vector<1x512x20xi32>
    tpu.vector_store %arg4[%swap3A, %swap3A_457, %swap3A_458], %swap3A_461 {strides = array<i32>} : memref<1x512x20xi32, #tpu.memory_space<vmem>>, vector<1x512x20xi32>,
    return
  }
  func.func @transform_0(%arg0: i32, %arg1: i32) -> (i32, i32, i32) {
    %c0_i32 = arith.constant 0 : i32
    %c0_i32_0 = arith.constant 0 : i32
    return %arg0, %arg1, %c0_i32 : i32, i32, i32
  }
  func.func @transform_1(%arg0: i32, %arg1: i32) -> (i32, i32, i32) {
    %c0_i32 = arith.constant 0 : i32
    %c0_i32_0 = arith.constant 0 : i32
    %c0_i32_1 = arith.constant 0 : i32
    return %arg0, %c0_i32, %c0_i32_0 : i32, i32, i32
  }
  func.func @transform_2(%arg0: i32, %arg1: i32) -> (i32, i32, i32) {
    %c0_i32 = arith.constant 0 : i32
    %c0_i32_0 = arith.constant 0 : i32
    return %arg0, %arg1, %c0_i32 : i32, i32, i32
  }
}

module attributes {stable_mosaic.version = 14 : i64} {
  func.func @_edge_conv_body(%arg0: i32, %arg1: i32, %arg2: memref<1x20x512x128xf32, #tpu.memory_space<vmem>>, %arg3: memref<1x512x128xf32, #tpu.memory_space<vmem>>, %arg4: memref<256x64xf32, #tpu.memory_space<vmem>>, %arg5: memref<1x64xf32, #tpu.memory_space<vmem>>, %arg6: memref<1x64xf32, #tpu.memory_space<vmem>>, %arg7: memref<1x512x128xf32, #tpu.memory_space<vmem>>) attributes {dimension_semantics = [#tpu.dimension_semantics<arbitrary>, #tpu.dimension_semantics<arbitrary>], iteration_bounds = array<i64: 2, 4>, scalar_prefetch = 0 : i64, scratch_operands = 0 : i64, tpu.core_type = #tpu.core_type<tc>, window_params = [{transform_indices = @transform_0, window_bounds = array<i64: 1, 20, 512, 128>}, {transform_indices = @transform_1, window_bounds = array<i64: 1, 512, 128>}, {pipeline_mode = #tpu.pipeline_mode<synchronous>, transform_indices = @transform_2, window_bounds = array<i64: 256, 64>}, {pipeline_mode = #tpu.pipeline_mode<synchronous>, transform_indices = @transform_3, window_bounds = array<i64: 1, 64>}, {pipeline_mode = #tpu.pipeline_mode<synchronous>, transform_indices = @transform_4, window_bounds = array<i64: 1, 64>}, {transform_indices = @transform_5, window_bounds = array<i64: 1, 512, 128>}]} {
    %get3A = arith.constant 0 : index
    %get3A_0 = arith.constant 0 : index
    %get3A_1 = arith.constant 0 : index
    %get3A_2 = vector.load %arg3[%get3A, %get3A_0, %get3A_1] : memref<1x512x128xf32, #tpu.memory_space<vmem>>, vector<1x512x128xf32>
    %get3A_3 = vector.shape_cast %get3A_2 : vector<1x512x128xf32> to vector<512x128xf32>
    %get3A_4 = arith.constant 0 : index
    %get3A_5 = arith.constant 0 : index
    %get3A_6 = arith.constant 0 : index
    %get3A_7 = arith.constant 0 : index
    %get3A_8 = vector.load %arg2[%get3A_4, %get3A_5, %get3A_6, %get3A_7] : memref<1x20x512x128xf32, #tpu.memory_space<vmem>>, vector<1x20x512x128xf32>
    %get3A_9 = vector.shape_cast %get3A_8 : vector<1x20x512x128xf32> to vector<20x512x128xf32>
    %reshape3A = vector.shape_cast %get3A_9 : vector<20x512x128xf32> to vector<10240x128xf32>
    %broadcast_in_dim3A = vector.shape_cast %get3A_3 : vector<512x128xf32> to vector<1x512x128xf32>
    %broadcast_in_dim3A_10 = vector.shape_cast %broadcast_in_dim3A : vector<1x512x128xf32> to vector<1x512x128xf32>
    %broadcast_in_dim3A_11 = vector.broadcast %broadcast_in_dim3A_10 : vector<1x512x128xf32> to vector<20x512x128xf32>
    %reshape3A_12 = vector.shape_cast %broadcast_in_dim3A_11 : vector<20x512x128xf32> to vector<10240x128xf32>
    %sub3A = arith.subf %reshape3A, %reshape3A_12 : vector<10240x128xf32>
    %concatenate3A = tpu.concatenate %sub3A, %reshape3A_12 in 1 : vector<10240x128xf32>, vector<10240x128xf32> -> vector<10240x256xf32>
    %get3A_13 = arith.constant 0 : index
    %get3A_14 = arith.constant 0 : index
    %get3A_15 = vector.load %arg4[%get3A_13, %get3A_14] : memref<256x64xf32, #tpu.memory_space<vmem>>, vector<256x64xf32>
    %dot_general3A = arith.constant dense<0.000000e+00> : vector<10240x64xf32>
    %dot_general3A_16 = tpu.matmul %concatenate3A, %get3A_15, %dot_general3A {dimension_numbers = #tpu.dot_dimension_numbers<[1], [0], [0], [1], [0, 0, 1, 1], [], []>, transpose_lhs_hint = false} : vector<10240x256xf32>, vector<256x64xf32>, vector<10240x64xf32> -> vector<10240x64xf32>
    %get3A_17 = arith.constant 0 : index
    %get3A_18 = arith.constant 0 : index
    %get3A_19 = vector.load %arg5[%get3A_17, %get3A_18] : memref<1x64xf32, #tpu.memory_space<vmem>>, vector<1x64xf32>
    %mul3A = vector.broadcast %get3A_19 : vector<1x64xf32> to vector<10240x64xf32>
    %mul3A_20 = arith.mulf %dot_general3A_16, %mul3A : vector<10240x64xf32>
    %get3A_21 = arith.constant 0 : index
    %get3A_22 = arith.constant 0 : index
    %get3A_23 = vector.load %arg6[%get3A_21, %get3A_22] : memref<1x64xf32, #tpu.memory_space<vmem>>, vector<1x64xf32>
    %add3A = vector.broadcast %get3A_23 : vector<1x64xf32> to vector<10240x64xf32>
    %add3A_24 = arith.addf %mul3A_20, %add3A : vector<10240x64xf32>
    %ge3A = arith.constant 0.000000e+00 : f32
    %ge3A_25 = vector.broadcast %ge3A : f32 to vector<10240x64xf32>
    %ge3A_26 = arith.cmpf oge, %add3A_24, %ge3A_25 : vector<10240x64xf32>
    %mul3A_27 = arith.constant 2.000000e-01 : f32
    %mul3A_28 = vector.broadcast %mul3A_27 : f32 to vector<10240x64xf32>
    %mul3A_29 = arith.mulf %mul3A_28, %add3A_24 : vector<10240x64xf32>
    %select_n3A = arith.select %ge3A_26, %add3A_24, %mul3A_29 : vector<10240x64xi1>, vector<10240x64xf32>
    %reshape3A_30 = vector.shape_cast %select_n3A : vector<10240x64xf32> to vector<20x512x64xf32>
    %reduce_max3A = arith.constant dense<0xFF800000> : vector<512x64xf32>
    %reduce_max3A_31 = vector.multi_reduction <maximumf>, %reshape3A_30, %reduce_max3A [0] : vector<20x512x64xf32> to vector<512x64xf32>
    %jit3A = arith.constant 0 : i32
    %convert_element_type3A = arith.sitofp %jit3A : i32 to f32
    %pad3A = vector.broadcast %convert_element_type3A : f32 to vector<512x64xf32>
    %pad3A_32 = tpu.concatenate %reduce_max3A_31, %pad3A in 1 : vector<512x64xf32>, vector<512x64xf32> -> vector<512x128xf32>
    %swap3A = arith.constant 0 : index
    %swap3A_33 = arith.constant 0 : index
    %swap3A_34 = arith.constant 0 : index
    %swap3A_35 = vector.load %arg7[%swap3A, %swap3A_33, %swap3A_34] : memref<1x512x128xf32, #tpu.memory_space<vmem>>, vector<1x512x128xf32>
    %swap3A_36 = vector.shape_cast %swap3A_35 : vector<1x512x128xf32> to vector<512x128xf32>
    %swap3A_37 = vector.shape_cast %pad3A_32 : vector<512x128xf32> to vector<1x512x128xf32>
    tpu.vector_store %arg7[%swap3A, %swap3A_33, %swap3A_34], %swap3A_37 {strides = array<i32>} : memref<1x512x128xf32, #tpu.memory_space<vmem>>, vector<1x512x128xf32>,
    return
  }
  func.func @transform_0(%arg0: i32, %arg1: i32) -> (i32, i32, i32, i32) {
    %c0_i32 = arith.constant 0 : i32
    %c0_i32_0 = arith.constant 0 : i32
    %c0_i32_1 = arith.constant 0 : i32
    return %arg0, %c0_i32, %arg1, %c0_i32_0 : i32, i32, i32, i32
  }
  func.func @transform_1(%arg0: i32, %arg1: i32) -> (i32, i32, i32) {
    %c0_i32 = arith.constant 0 : i32
    %c0_i32_0 = arith.constant 0 : i32
    return %arg0, %arg1, %c0_i32 : i32, i32, i32
  }
  func.func @transform_2(%arg0: i32, %arg1: i32) -> (i32, i32) {
    %c0_i32 = arith.constant 0 : i32
    %c0_i32_0 = arith.constant 0 : i32
    %c0_i32_1 = arith.constant 0 : i32
    return %c0_i32, %c0_i32_0 : i32, i32
  }
  func.func @transform_3(%arg0: i32, %arg1: i32) -> (i32, i32) {
    %c0_i32 = arith.constant 0 : i32
    %c0_i32_0 = arith.constant 0 : i32
    %c0_i32_1 = arith.constant 0 : i32
    return %c0_i32, %c0_i32_0 : i32, i32
  }
  func.func @transform_4(%arg0: i32, %arg1: i32) -> (i32, i32) {
    %c0_i32 = arith.constant 0 : i32
    %c0_i32_0 = arith.constant 0 : i32
    %c0_i32_1 = arith.constant 0 : i32
    return %c0_i32, %c0_i32_0 : i32, i32
  }
  func.func @transform_5(%arg0: i32, %arg1: i32) -> (i32, i32, i32) {
    %c0_i32 = arith.constant 0 : i32
    %c0_i32_0 = arith.constant 0 : i32
    return %arg0, %arg1, %c0_i32 : i32, i32, i32
  }
}

module attributes {stable_mosaic.version = 14 : i64} {
  func.func @_edge_conv_body(%arg0: i32, %arg1: i32, %arg2: memref<1x20x512x128xf32, #tpu.memory_space<vmem>>, %arg3: memref<1x512x128xf32, #tpu.memory_space<vmem>>, %arg4: memref<256x128xf32, #tpu.memory_space<vmem>>, %arg5: memref<1x128xf32, #tpu.memory_space<vmem>>, %arg6: memref<1x128xf32, #tpu.memory_space<vmem>>, %arg7: memref<1x512x128xf32, #tpu.memory_space<vmem>>) attributes {dimension_semantics = [#tpu.dimension_semantics<arbitrary>, #tpu.dimension_semantics<arbitrary>], iteration_bounds = array<i64: 2, 4>, scalar_prefetch = 0 : i64, scratch_operands = 0 : i64, tpu.core_type = #tpu.core_type<tc>, window_params = [{transform_indices = @transform_0, window_bounds = array<i64: 1, 20, 512, 128>}, {transform_indices = @transform_1, window_bounds = array<i64: 1, 512, 128>}, {pipeline_mode = #tpu.pipeline_mode<synchronous>, transform_indices = @transform_2, window_bounds = array<i64: 256, 128>}, {pipeline_mode = #tpu.pipeline_mode<synchronous>, transform_indices = @transform_3, window_bounds = array<i64: 1, 128>}, {pipeline_mode = #tpu.pipeline_mode<synchronous>, transform_indices = @transform_4, window_bounds = array<i64: 1, 128>}, {transform_indices = @transform_5, window_bounds = array<i64: 1, 512, 128>}]} {
    %get3A = arith.constant 0 : index
    %get3A_0 = arith.constant 0 : index
    %get3A_1 = arith.constant 0 : index
    %get3A_2 = vector.load %arg3[%get3A, %get3A_0, %get3A_1] : memref<1x512x128xf32, #tpu.memory_space<vmem>>, vector<1x512x128xf32>
    %get3A_3 = vector.shape_cast %get3A_2 : vector<1x512x128xf32> to vector<512x128xf32>
    %get3A_4 = arith.constant 0 : index
    %get3A_5 = arith.constant 0 : index
    %get3A_6 = arith.constant 0 : index
    %get3A_7 = arith.constant 0 : index
    %get3A_8 = vector.load %arg2[%get3A_4, %get3A_5, %get3A_6, %get3A_7] : memref<1x20x512x128xf32, #tpu.memory_space<vmem>>, vector<1x20x512x128xf32>
    %get3A_9 = vector.shape_cast %get3A_8 : vector<1x20x512x128xf32> to vector<20x512x128xf32>
    %reshape3A = vector.shape_cast %get3A_9 : vector<20x512x128xf32> to vector<10240x128xf32>
    %broadcast_in_dim3A = vector.shape_cast %get3A_3 : vector<512x128xf32> to vector<1x512x128xf32>
    %broadcast_in_dim3A_10 = vector.shape_cast %broadcast_in_dim3A : vector<1x512x128xf32> to vector<1x512x128xf32>
    %broadcast_in_dim3A_11 = vector.broadcast %broadcast_in_dim3A_10 : vector<1x512x128xf32> to vector<20x512x128xf32>
    %reshape3A_12 = vector.shape_cast %broadcast_in_dim3A_11 : vector<20x512x128xf32> to vector<10240x128xf32>
    %sub3A = arith.subf %reshape3A, %reshape3A_12 : vector<10240x128xf32>
    %concatenate3A = tpu.concatenate %sub3A, %reshape3A_12 in 1 : vector<10240x128xf32>, vector<10240x128xf32> -> vector<10240x256xf32>
    %get3A_13 = arith.constant 0 : index
    %get3A_14 = arith.constant 0 : index
    %get3A_15 = vector.load %arg4[%get3A_13, %get3A_14] : memref<256x128xf32, #tpu.memory_space<vmem>>, vector<256x128xf32>
    %dot_general3A = arith.constant dense<0.000000e+00> : vector<10240x128xf32>
    %dot_general3A_16 = tpu.matmul %concatenate3A, %get3A_15, %dot_general3A {dimension_numbers = #tpu.dot_dimension_numbers<[1], [0], [0], [1], [0, 0, 1, 1], [], []>, transpose_lhs_hint = false} : vector<10240x256xf32>, vector<256x128xf32>, vector<10240x128xf32> -> vector<10240x128xf32>
    %get3A_17 = arith.constant 0 : index
    %get3A_18 = arith.constant 0 : index
    %get3A_19 = vector.load %arg5[%get3A_17, %get3A_18] : memref<1x128xf32, #tpu.memory_space<vmem>>, vector<1x128xf32>
    %mul3A = vector.broadcast %get3A_19 : vector<1x128xf32> to vector<10240x128xf32>
    %mul3A_20 = arith.mulf %dot_general3A_16, %mul3A : vector<10240x128xf32>
    %get3A_21 = arith.constant 0 : index
    %get3A_22 = arith.constant 0 : index
    %get3A_23 = vector.load %arg6[%get3A_21, %get3A_22] : memref<1x128xf32, #tpu.memory_space<vmem>>, vector<1x128xf32>
    %add3A = vector.broadcast %get3A_23 : vector<1x128xf32> to vector<10240x128xf32>
    %add3A_24 = arith.addf %mul3A_20, %add3A : vector<10240x128xf32>
    %ge3A = arith.constant 0.000000e+00 : f32
    %ge3A_25 = vector.broadcast %ge3A : f32 to vector<10240x128xf32>
    %ge3A_26 = arith.cmpf oge, %add3A_24, %ge3A_25 : vector<10240x128xf32>
    %mul3A_27 = arith.constant 2.000000e-01 : f32
    %mul3A_28 = vector.broadcast %mul3A_27 : f32 to vector<10240x128xf32>
    %mul3A_29 = arith.mulf %mul3A_28, %add3A_24 : vector<10240x128xf32>
    %select_n3A = arith.select %ge3A_26, %add3A_24, %mul3A_29 : vector<10240x128xi1>, vector<10240x128xf32>
    %reshape3A_30 = vector.shape_cast %select_n3A : vector<10240x128xf32> to vector<20x512x128xf32>
    %reduce_max3A = arith.constant dense<0xFF800000> : vector<512x128xf32>
    %reduce_max3A_31 = vector.multi_reduction <maximumf>, %reshape3A_30, %reduce_max3A [0] : vector<20x512x128xf32> to vector<512x128xf32>
    %swap3A = arith.constant 0 : index
    %swap3A_32 = arith.constant 0 : index
    %swap3A_33 = arith.constant 0 : index
    %swap3A_34 = vector.load %arg7[%swap3A, %swap3A_32, %swap3A_33] : memref<1x512x128xf32, #tpu.memory_space<vmem>>, vector<1x512x128xf32>
    %swap3A_35 = vector.shape_cast %swap3A_34 : vector<1x512x128xf32> to vector<512x128xf32>
    %swap3A_36 = vector.shape_cast %reduce_max3A_31 : vector<512x128xf32> to vector<1x512x128xf32>
    tpu.vector_store %arg7[%swap3A, %swap3A_32, %swap3A_33], %swap3A_36 {strides = array<i32>} : memref<1x512x128xf32, #tpu.memory_space<vmem>>, vector<1x512x128xf32>,
    return
  }
  func.func @transform_0(%arg0: i32, %arg1: i32) -> (i32, i32, i32, i32) {
    %c0_i32 = arith.constant 0 : i32
    %c0_i32_0 = arith.constant 0 : i32
    %c0_i32_1 = arith.constant 0 : i32
    return %arg0, %c0_i32, %arg1, %c0_i32_0 : i32, i32, i32, i32
  }
  func.func @transform_1(%arg0: i32, %arg1: i32) -> (i32, i32, i32) {
    %c0_i32 = arith.constant 0 : i32
    %c0_i32_0 = arith.constant 0 : i32
    return %arg0, %arg1, %c0_i32 : i32, i32, i32
  }
  func.func @transform_2(%arg0: i32, %arg1: i32) -> (i32, i32) {
    %c0_i32 = arith.constant 0 : i32
    %c0_i32_0 = arith.constant 0 : i32
    %c0_i32_1 = arith.constant 0 : i32
    return %c0_i32, %c0_i32_0 : i32, i32
  }
  func.func @transform_3(%arg0: i32, %arg1: i32) -> (i32, i32) {
    %c0_i32 = arith.constant 0 : i32
    %c0_i32_0 = arith.constant 0 : i32
    %c0_i32_1 = arith.constant 0 : i32
    return %c0_i32, %c0_i32_0 : i32, i32
  }
  func.func @transform_4(%arg0: i32, %arg1: i32) -> (i32, i32) {
    %c0_i32 = arith.constant 0 : i32
    %c0_i32_0 = arith.constant 0 : i32
    %c0_i32_1 = arith.constant 0 : i32
    return %c0_i32, %c0_i32_0 : i32, i32
  }
  func.func @transform_5(%arg0: i32, %arg1: i32) -> (i32, i32, i32) {
    %c0_i32 = arith.constant 0 : i32
    %c0_i32_0 = arith.constant 0 : i32
    return %arg0, %arg1, %c0_i32 : i32, i32, i32
  }
}

module attributes {stable_mosaic.version = 14 : i64} {
  func.func @_edge_conv_body(%arg0: i32, %arg1: i32, %arg2: memref<1x20x512x128xf32, #tpu.memory_space<vmem>>, %arg3: memref<1x512x128xf32, #tpu.memory_space<vmem>>, %arg4: memref<256x256xf32, #tpu.memory_space<vmem>>, %arg5: memref<1x256xf32, #tpu.memory_space<vmem>>, %arg6: memref<1x256xf32, #tpu.memory_space<vmem>>, %arg7: memref<1x512x256xf32, #tpu.memory_space<vmem>>) attributes {dimension_semantics = [#tpu.dimension_semantics<arbitrary>, #tpu.dimension_semantics<arbitrary>], iteration_bounds = array<i64: 2, 4>, scalar_prefetch = 0 : i64, scratch_operands = 0 : i64, tpu.core_type = #tpu.core_type<tc>, window_params = [{transform_indices = @transform_0, window_bounds = array<i64: 1, 20, 512, 128>}, {transform_indices = @transform_1, window_bounds = array<i64: 1, 512, 128>}, {pipeline_mode = #tpu.pipeline_mode<synchronous>, transform_indices = @transform_2, window_bounds = array<i64: 256, 256>}, {pipeline_mode = #tpu.pipeline_mode<synchronous>, transform_indices = @transform_3, window_bounds = array<i64: 1, 256>}, {pipeline_mode = #tpu.pipeline_mode<synchronous>, transform_indices = @transform_4, window_bounds = array<i64: 1, 256>}, {transform_indices = @transform_5, window_bounds = array<i64: 1, 512, 256>}]} {
    %get3A = arith.constant 0 : index
    %get3A_0 = arith.constant 0 : index
    %get3A_1 = arith.constant 0 : index
    %get3A_2 = vector.load %arg3[%get3A, %get3A_0, %get3A_1] : memref<1x512x128xf32, #tpu.memory_space<vmem>>, vector<1x512x128xf32>
    %get3A_3 = vector.shape_cast %get3A_2 : vector<1x512x128xf32> to vector<512x128xf32>
    %get3A_4 = arith.constant 0 : index
    %get3A_5 = arith.constant 0 : index
    %get3A_6 = arith.constant 0 : index
    %get3A_7 = arith.constant 0 : index
    %get3A_8 = vector.load %arg2[%get3A_4, %get3A_5, %get3A_6, %get3A_7] : memref<1x20x512x128xf32, #tpu.memory_space<vmem>>, vector<1x20x512x128xf32>
    %get3A_9 = vector.shape_cast %get3A_8 : vector<1x20x512x128xf32> to vector<20x512x128xf32>
    %reshape3A = vector.shape_cast %get3A_9 : vector<20x512x128xf32> to vector<10240x128xf32>
    %broadcast_in_dim3A = vector.shape_cast %get3A_3 : vector<512x128xf32> to vector<1x512x128xf32>
    %broadcast_in_dim3A_10 = vector.shape_cast %broadcast_in_dim3A : vector<1x512x128xf32> to vector<1x512x128xf32>
    %broadcast_in_dim3A_11 = vector.broadcast %broadcast_in_dim3A_10 : vector<1x512x128xf32> to vector<20x512x128xf32>
    %reshape3A_12 = vector.shape_cast %broadcast_in_dim3A_11 : vector<20x512x128xf32> to vector<10240x128xf32>
    %sub3A = arith.subf %reshape3A, %reshape3A_12 : vector<10240x128xf32>
    %concatenate3A = tpu.concatenate %sub3A, %reshape3A_12 in 1 : vector<10240x128xf32>, vector<10240x128xf32> -> vector<10240x256xf32>
    %get3A_13 = arith.constant 0 : index
    %get3A_14 = arith.constant 0 : index
    %get3A_15 = vector.load %arg4[%get3A_13, %get3A_14] : memref<256x256xf32, #tpu.memory_space<vmem>>, vector<256x256xf32>
    %dot_general3A = arith.constant dense<0.000000e+00> : vector<10240x256xf32>
    %dot_general3A_16 = tpu.matmul %concatenate3A, %get3A_15, %dot_general3A {dimension_numbers = #tpu.dot_dimension_numbers<[1], [0], [0], [1], [0, 0, 1, 1], [], []>, transpose_lhs_hint = false} : vector<10240x256xf32>, vector<256x256xf32>, vector<10240x256xf32> -> vector<10240x256xf32>
    %get3A_17 = arith.constant 0 : index
    %get3A_18 = arith.constant 0 : index
    %get3A_19 = vector.load %arg5[%get3A_17, %get3A_18] : memref<1x256xf32, #tpu.memory_space<vmem>>, vector<1x256xf32>
    %mul3A = vector.broadcast %get3A_19 : vector<1x256xf32> to vector<10240x256xf32>
    %mul3A_20 = arith.mulf %dot_general3A_16, %mul3A : vector<10240x256xf32>
    %get3A_21 = arith.constant 0 : index
    %get3A_22 = arith.constant 0 : index
    %get3A_23 = vector.load %arg6[%get3A_21, %get3A_22] : memref<1x256xf32, #tpu.memory_space<vmem>>, vector<1x256xf32>
    %add3A = vector.broadcast %get3A_23 : vector<1x256xf32> to vector<10240x256xf32>
    %add3A_24 = arith.addf %mul3A_20, %add3A : vector<10240x256xf32>
    %ge3A = arith.constant 0.000000e+00 : f32
    %ge3A_25 = vector.broadcast %ge3A : f32 to vector<10240x256xf32>
    %ge3A_26 = arith.cmpf oge, %add3A_24, %ge3A_25 : vector<10240x256xf32>
    %mul3A_27 = arith.constant 2.000000e-01 : f32
    %mul3A_28 = vector.broadcast %mul3A_27 : f32 to vector<10240x256xf32>
    %mul3A_29 = arith.mulf %mul3A_28, %add3A_24 : vector<10240x256xf32>
    %select_n3A = arith.select %ge3A_26, %add3A_24, %mul3A_29 : vector<10240x256xi1>, vector<10240x256xf32>
    %reshape3A_30 = vector.shape_cast %select_n3A : vector<10240x256xf32> to vector<20x512x256xf32>
    %reduce_max3A = arith.constant dense<0xFF800000> : vector<512x256xf32>
    %reduce_max3A_31 = vector.multi_reduction <maximumf>, %reshape3A_30, %reduce_max3A [0] : vector<20x512x256xf32> to vector<512x256xf32>
    %swap3A = arith.constant 0 : index
    %swap3A_32 = arith.constant 0 : index
    %swap3A_33 = arith.constant 0 : index
    %swap3A_34 = vector.load %arg7[%swap3A, %swap3A_32, %swap3A_33] : memref<1x512x256xf32, #tpu.memory_space<vmem>>, vector<1x512x256xf32>
    %swap3A_35 = vector.shape_cast %swap3A_34 : vector<1x512x256xf32> to vector<512x256xf32>
    %swap3A_36 = vector.shape_cast %reduce_max3A_31 : vector<512x256xf32> to vector<1x512x256xf32>
    tpu.vector_store %arg7[%swap3A, %swap3A_32, %swap3A_33], %swap3A_36 {strides = array<i32>} : memref<1x512x256xf32, #tpu.memory_space<vmem>>, vector<1x512x256xf32>,
    return
  }
  func.func @transform_0(%arg0: i32, %arg1: i32) -> (i32, i32, i32, i32) {
    %c0_i32 = arith.constant 0 : i32
    %c0_i32_0 = arith.constant 0 : i32
    %c0_i32_1 = arith.constant 0 : i32
    return %arg0, %c0_i32, %arg1, %c0_i32_0 : i32, i32, i32, i32
  }
  func.func @transform_1(%arg0: i32, %arg1: i32) -> (i32, i32, i32) {
    %c0_i32 = arith.constant 0 : i32
    %c0_i32_0 = arith.constant 0 : i32
    return %arg0, %arg1, %c0_i32 : i32, i32, i32
  }
  func.func @transform_2(%arg0: i32, %arg1: i32) -> (i32, i32) {
    %c0_i32 = arith.constant 0 : i32
    %c0_i32_0 = arith.constant 0 : i32
    %c0_i32_1 = arith.constant 0 : i32
    return %c0_i32, %c0_i32_0 : i32, i32
  }
  func.func @transform_3(%arg0: i32, %arg1: i32) -> (i32, i32) {
    %c0_i32 = arith.constant 0 : i32
    %c0_i32_0 = arith.constant 0 : i32
    %c0_i32_1 = arith.constant 0 : i32
    return %c0_i32, %c0_i32_0 : i32, i32
  }
  func.func @transform_4(%arg0: i32, %arg1: i32) -> (i32, i32) {
    %c0_i32 = arith.constant 0 : i32
    %c0_i32_0 = arith.constant 0 : i32
    %c0_i32_1 = arith.constant 0 : i32
    return %c0_i32, %c0_i32_0 : i32, i32
  }
  func.func @transform_5(%arg0: i32, %arg1: i32) -> (i32, i32, i32) {
    %c0_i32 = arith.constant 0 : i32
    %c0_i32_0 = arith.constant 0 : i32
    return %arg0, %arg1, %c0_i32 : i32, i32, i32
  }
}

module attributes {stable_mosaic.version = 14 : i64} {
  func.func @_global_feat_body(%arg0: i32, %arg1: memref<1x2048x128xf32, #tpu.memory_space<vmem>>, %arg2: memref<1x2048x128xf32, #tpu.memory_space<vmem>>, %arg3: memref<1x2048x128xf32, #tpu.memory_space<vmem>>, %arg4: memref<1x2048x256xf32, #tpu.memory_space<vmem>>, %arg5: memref<512x1024xf32, #tpu.memory_space<vmem>>, %arg6: memref<1x1024xf32, #tpu.memory_space<vmem>>, %arg7: memref<1x1024xf32, #tpu.memory_space<vmem>>, %arg8: memref<1x1x2048xf32, #tpu.memory_space<vmem>>) attributes {dimension_semantics = [#tpu.dimension_semantics<arbitrary>], iteration_bounds = array<i64: 2>, scalar_prefetch = 0 : i64, scratch_operands = 0 : i64, tpu.core_type = #tpu.core_type<tc>, window_params = [{transform_indices = @transform_0, window_bounds = array<i64: 1, 2048, 128>}, {transform_indices = @transform_1, window_bounds = array<i64: 1, 2048, 128>}, {transform_indices = @transform_2, window_bounds = array<i64: 1, 2048, 128>}, {transform_indices = @transform_3, window_bounds = array<i64: 1, 2048, 256>}, {pipeline_mode = #tpu.pipeline_mode<synchronous>, transform_indices = @transform_4, window_bounds = array<i64: 512, 1024>}, {pipeline_mode = #tpu.pipeline_mode<synchronous>, transform_indices = @transform_5, window_bounds = array<i64: 1, 1024>}, {pipeline_mode = #tpu.pipeline_mode<synchronous>, transform_indices = @transform_6, window_bounds = array<i64: 1, 1024>}, {transform_indices = @transform_7, window_bounds = array<i64: 1, 1, 2048>}]} {
    %get3A = arith.constant 0 : index
    %get3A_0 = arith.constant 0 : index
    %get3A_1 = arith.constant 0 : index
    %get3A_2 = vector.load %arg1[%get3A, %get3A_0, %get3A_1] : memref<1x2048x128xf32, #tpu.memory_space<vmem>>, vector<1x2048x128xf32>
    %get3A_3 = vector.shape_cast %get3A_2 : vector<1x2048x128xf32> to vector<2048x128xf32>
    %slice3A = vector.extract_strided_slice %get3A_3 {offsets = [0, 0], sizes = [2048, 64], strides = [1, 1]} : vector<2048x128xf32> to vector<2048x64xf32>
    %get3A_4 = arith.constant 0 : index
    %get3A_5 = arith.constant 0 : index
    %get3A_6 = arith.constant 0 : index
    %get3A_7 = vector.load %arg2[%get3A_4, %get3A_5, %get3A_6] : memref<1x2048x128xf32, #tpu.memory_space<vmem>>, vector<1x2048x128xf32>
    %get3A_8 = vector.shape_cast %get3A_7 : vector<1x2048x128xf32> to vector<2048x128xf32>
    %slice3A_9 = vector.extract_strided_slice %get3A_8 {offsets = [0, 0], sizes = [2048, 64], strides = [1, 1]} : vector<2048x128xf32> to vector<2048x64xf32>
    %get3A_10 = arith.constant 0 : index
    %get3A_11 = arith.constant 0 : index
    %get3A_12 = arith.constant 0 : index
    %get3A_13 = vector.load %arg3[%get3A_10, %get3A_11, %get3A_12] : memref<1x2048x128xf32, #tpu.memory_space<vmem>>, vector<1x2048x128xf32>
    %get3A_14 = vector.shape_cast %get3A_13 : vector<1x2048x128xf32> to vector<2048x128xf32>
    %get3A_15 = arith.constant 0 : index
    %get3A_16 = arith.constant 0 : index
    %get3A_17 = arith.constant 0 : index
    %get3A_18 = vector.load %arg4[%get3A_15, %get3A_16, %get3A_17] : memref<1x2048x256xf32, #tpu.memory_space<vmem>>, vector<1x2048x256xf32>
    %get3A_19 = vector.shape_cast %get3A_18 : vector<1x2048x256xf32> to vector<2048x256xf32>
    %concatenate3A = tpu.concatenate %slice3A, %slice3A_9, %get3A_14, %get3A_19 in 1 : vector<2048x64xf32>, vector<2048x64xf32>, vector<2048x128xf32>, vector<2048x256xf32> -> vector<2048x512xf32>
    %get3A_20 = arith.constant 0 : index
    %get3A_21 = arith.constant 0 : index
    %get3A_22 = vector.load %arg5[%get3A_20, %get3A_21] : memref<512x1024xf32, #tpu.memory_space<vmem>>, vector<512x1024xf32>
    %dot_general3A = arith.constant dense<0.000000e+00> : vector<2048x1024xf32>
    %dot_general3A_23 = tpu.matmul %concatenate3A, %get3A_22, %dot_general3A {dimension_numbers = #tpu.dot_dimension_numbers<[1], [0], [0], [1], [0, 0, 1, 1], [], []>, transpose_lhs_hint = false} : vector<2048x512xf32>, vector<512x1024xf32>, vector<2048x1024xf32> -> vector<2048x1024xf32>
    %get3A_24 = arith.constant 0 : index
    %get3A_25 = arith.constant 0 : index
    %get3A_26 = vector.load %arg6[%get3A_24, %get3A_25] : memref<1x1024xf32, #tpu.memory_space<vmem>>, vector<1x1024xf32>
    %mul3A = vector.broadcast %get3A_26 : vector<1x1024xf32> to vector<2048x1024xf32>
    %mul3A_27 = arith.mulf %dot_general3A_23, %mul3A : vector<2048x1024xf32>
    %get3A_28 = arith.constant 0 : index
    %get3A_29 = arith.constant 0 : index
    %get3A_30 = vector.load %arg7[%get3A_28, %get3A_29] : memref<1x1024xf32, #tpu.memory_space<vmem>>, vector<1x1024xf32>
    %add3A = vector.broadcast %get3A_30 : vector<1x1024xf32> to vector<2048x1024xf32>
    %add3A_31 = arith.addf %mul3A_27, %add3A : vector<2048x1024xf32>
    %ge3A = arith.constant 0.000000e+00 : f32
    %ge3A_32 = vector.broadcast %ge3A : f32 to vector<2048x1024xf32>
    %ge3A_33 = arith.cmpf oge, %add3A_31, %ge3A_32 : vector<2048x1024xf32>
    %mul3A_34 = arith.constant 2.000000e-01 : f32
    %mul3A_35 = vector.broadcast %mul3A_34 : f32 to vector<2048x1024xf32>
    %mul3A_36 = arith.mulf %mul3A_35, %add3A_31 : vector<2048x1024xf32>
    %select_n3A = arith.select %ge3A_33, %add3A_31, %mul3A_36 : vector<2048x1024xi1>, vector<2048x1024xf32>
    %reduce_max3A = arith.constant dense<0xFF800000> : vector<1024xf32>
    %reduce_max3A_37 = vector.multi_reduction <maximumf>, %select_n3A, %reduce_max3A [0] : vector<2048x1024xf32> to vector<1024xf32>
    %broadcast_in_dim3A = vector.shape_cast %reduce_max3A_37 : vector<1024xf32> to vector<1x1024xf32>
    %reduce_sum3A = arith.constant dense<0.000000e+00> : vector<1024xf32>
    %reduce_sum3A_38 = vector.multi_reduction <add>, %select_n3A, %reduce_sum3A [0] : vector<2048x1024xf32> to vector<1024xf32>
    %broadcast_in_dim3A_39 = vector.shape_cast %reduce_sum3A_38 : vector<1024xf32> to vector<1x1024xf32>
    %mul3A_40 = arith.constant 4.8828125E-4 : f32
    %mul3A_41 = vector.broadcast %mul3A_40 : f32 to vector<1x1024xf32>
    %mul3A_42 = arith.mulf %broadcast_in_dim3A_39, %mul3A_41 : vector<1x1024xf32>
    %concatenate3A_43 = tpu.concatenate %broadcast_in_dim3A, %mul3A_42 in 1 : vector<1x1024xf32>, vector<1x1024xf32> -> vector<1x2048xf32>
    %swap3A = arith.constant 0 : index
    %swap3A_44 = arith.constant 0 : index
    %swap3A_45 = arith.constant 0 : index
    %swap3A_46 = vector.load %arg8[%swap3A, %swap3A_44, %swap3A_45] : memref<1x1x2048xf32, #tpu.memory_space<vmem>>, vector<1x1x2048xf32>
    %swap3A_47 = vector.shape_cast %swap3A_46 : vector<1x1x2048xf32> to vector<1x2048xf32>
    %swap3A_48 = vector.shape_cast %concatenate3A_43 : vector<1x2048xf32> to vector<1x1x2048xf32>
    tpu.vector_store %arg8[%swap3A, %swap3A_44, %swap3A_45], %swap3A_48 {strides = array<i32>} : memref<1x1x2048xf32, #tpu.memory_space<vmem>>, vector<1x1x2048xf32>,
    return
  }
  func.func @transform_0(%arg0: i32) -> (i32, i32, i32) {
    %c0_i32 = arith.constant 0 : i32
    %c0_i32_0 = arith.constant 0 : i32
    %c0_i32_1 = arith.constant 0 : i32
    return %arg0, %c0_i32, %c0_i32_0 : i32, i32, i32
  }
  func.func @transform_1(%arg0: i32) -> (i32, i32, i32) {
    %c0_i32 = arith.constant 0 : i32
    %c0_i32_0 = arith.constant 0 : i32
    %c0_i32_1 = arith.constant 0 : i32
    return %arg0, %c0_i32, %c0_i32_0 : i32, i32, i32
  }
  func.func @transform_2(%arg0: i32) -> (i32, i32, i32) {
    %c0_i32 = arith.constant 0 : i32
    %c0_i32_0 = arith.constant 0 : i32
    %c0_i32_1 = arith.constant 0 : i32
    return %arg0, %c0_i32, %c0_i32_0 : i32, i32, i32
  }
  func.func @transform_3(%arg0: i32) -> (i32, i32, i32) {
    %c0_i32 = arith.constant 0 : i32
    %c0_i32_0 = arith.constant 0 : i32
    %c0_i32_1 = arith.constant 0 : i32
    return %arg0, %c0_i32, %c0_i32_0 : i32, i32, i32
  }
  func.func @transform_4(%arg0: i32) -> (i32, i32) {
    %c0_i32 = arith.constant 0 : i32
    %c0_i32_0 = arith.constant 0 : i32
    %c0_i32_1 = arith.constant 0 : i32
    return %c0_i32, %c0_i32_0 : i32, i32
  }
  func.func @transform_5(%arg0: i32) -> (i32, i32) {
    %c0_i32 = arith.constant 0 : i32
    %c0_i32_0 = arith.constant 0 : i32
    %c0_i32_1 = arith.constant 0 : i32
    return %c0_i32, %c0_i32_0 : i32, i32
  }
  func.func @transform_6(%arg0: i32) -> (i32, i32) {
    %c0_i32 = arith.constant 0 : i32
    %c0_i32_0 = arith.constant 0 : i32
    %c0_i32_1 = arith.constant 0 : i32
    return %c0_i32, %c0_i32_0 : i32, i32
  }
  func.func @transform_7(%arg0: i32) -> (i32, i32, i32) {
    %c0_i32 = arith.constant 0 : i32
    %c0_i32_0 = arith.constant 0 : i32
    %c0_i32_1 = arith.constant 0 : i32
    return %arg0, %c0_i32, %c0_i32_0 : i32, i32, i32
  }
}

module attributes {stable_mosaic.version = 14 : i64} {
  func.func @_mlp_body(%arg0: memref<4x2048xf32, #tpu.memory_space<vmem>>, %arg1: memref<2048x512xf32, #tpu.memory_space<vmem>>, %arg2: memref<1x512xf32, #tpu.memory_space<vmem>>, %arg3: memref<1x512xf32, #tpu.memory_space<vmem>>, %arg4: memref<512x256xf32, #tpu.memory_space<vmem>>, %arg5: memref<1x256xf32, #tpu.memory_space<vmem>>, %arg6: memref<1x256xf32, #tpu.memory_space<vmem>>, %arg7: memref<256x40xf32, #tpu.memory_space<vmem>>, %arg8: memref<1x40xf32, #tpu.memory_space<vmem>>, %arg9: memref<4x40xf32, #tpu.memory_space<vmem>>) attributes {dimension_semantics = [], scalar_prefetch = 0 : i64, scratch_operands = 0 : i64, tpu.core_type = #tpu.core_type<tc>} {
    %get3A = arith.constant 0 : index
    %get3A_0 = arith.constant 0 : index
    %get3A_1 = vector.load %arg0[%get3A, %get3A_0] : memref<4x2048xf32, #tpu.memory_space<vmem>>, vector<4x2048xf32>
    %get3A_2 = arith.constant 0 : index
    %get3A_3 = arith.constant 0 : index
    %get3A_4 = vector.load %arg1[%get3A_2, %get3A_3] : memref<2048x512xf32, #tpu.memory_space<vmem>>, vector<2048x512xf32>
    %dot_general3A = arith.constant dense<0.000000e+00> : vector<4x512xf32>
    %dot_general3A_5 = tpu.matmul %get3A_1, %get3A_4, %dot_general3A {dimension_numbers = #tpu.dot_dimension_numbers<[1], [0], [0], [1], [0, 0, 1, 1], [], []>, transpose_lhs_hint = false} : vector<4x2048xf32>, vector<2048x512xf32>, vector<4x512xf32> -> vector<4x512xf32>
    %get3A_6 = arith.constant 0 : index
    %get3A_7 = arith.constant 0 : index
    %get3A_8 = vector.load %arg2[%get3A_6, %get3A_7] : memref<1x512xf32, #tpu.memory_space<vmem>>, vector<1x512xf32>
    %mul3A = vector.broadcast %get3A_8 : vector<1x512xf32> to vector<4x512xf32>
    %mul3A_9 = arith.mulf %dot_general3A_5, %mul3A : vector<4x512xf32>
    %get3A_10 = arith.constant 0 : index
    %get3A_11 = arith.constant 0 : index
    %get3A_12 = vector.load %arg3[%get3A_10, %get3A_11] : memref<1x512xf32, #tpu.memory_space<vmem>>, vector<1x512xf32>
    %add3A = vector.broadcast %get3A_12 : vector<1x512xf32> to vector<4x512xf32>
    %add3A_13 = arith.addf %mul3A_9, %add3A : vector<4x512xf32>
    %ge3A = arith.constant 0.000000e+00 : f32
    %ge3A_14 = vector.broadcast %ge3A : f32 to vector<4x512xf32>
    %ge3A_15 = arith.cmpf oge, %add3A_13, %ge3A_14 : vector<4x512xf32>
    %mul3A_16 = arith.constant 2.000000e-01 : f32
    %mul3A_17 = vector.broadcast %mul3A_16 : f32 to vector<4x512xf32>
    %mul3A_18 = arith.mulf %mul3A_17, %add3A_13 : vector<4x512xf32>
    %select_n3A = arith.select %ge3A_15, %add3A_13, %mul3A_18 : vector<4x512xi1>, vector<4x512xf32>
    %get3A_19 = arith.constant 0 : index
    %get3A_20 = arith.constant 0 : index
    %get3A_21 = vector.load %arg4[%get3A_19, %get3A_20] : memref<512x256xf32, #tpu.memory_space<vmem>>, vector<512x256xf32>
    %dot_general3A_22 = arith.constant dense<0.000000e+00> : vector<4x256xf32>
    %dot_general3A_23 = tpu.matmul %select_n3A, %get3A_21, %dot_general3A_22 {dimension_numbers = #tpu.dot_dimension_numbers<[1], [0], [0], [1], [0, 0, 1, 1], [], []>, transpose_lhs_hint = false} : vector<4x512xf32>, vector<512x256xf32>, vector<4x256xf32> -> vector<4x256xf32>
    %get3A_24 = arith.constant 0 : index
    %get3A_25 = arith.constant 0 : index
    %get3A_26 = vector.load %arg5[%get3A_24, %get3A_25] : memref<1x256xf32, #tpu.memory_space<vmem>>, vector<1x256xf32>
    %mul3A_27 = vector.broadcast %get3A_26 : vector<1x256xf32> to vector<4x256xf32>
    %mul3A_28 = arith.mulf %dot_general3A_23, %mul3A_27 : vector<4x256xf32>
    %get3A_29 = arith.constant 0 : index
    %get3A_30 = arith.constant 0 : index
    %get3A_31 = vector.load %arg6[%get3A_29, %get3A_30] : memref<1x256xf32, #tpu.memory_space<vmem>>, vector<1x256xf32>
    %add3A_32 = vector.broadcast %get3A_31 : vector<1x256xf32> to vector<4x256xf32>
    %add3A_33 = arith.addf %mul3A_28, %add3A_32 : vector<4x256xf32>
    %ge3A_34 = arith.constant 0.000000e+00 : f32
    %ge3A_35 = vector.broadcast %ge3A_34 : f32 to vector<4x256xf32>
    %ge3A_36 = arith.cmpf oge, %add3A_33, %ge3A_35 : vector<4x256xf32>
    %mul3A_37 = arith.constant 2.000000e-01 : f32
    %mul3A_38 = vector.broadcast %mul3A_37 : f32 to vector<4x256xf32>
    %mul3A_39 = arith.mulf %mul3A_38, %add3A_33 : vector<4x256xf32>
    %select_n3A_40 = arith.select %ge3A_36, %add3A_33, %mul3A_39 : vector<4x256xi1>, vector<4x256xf32>
    %get3A_41 = arith.constant 0 : index
    %get3A_42 = arith.constant 0 : index
    %get3A_43 = vector.load %arg7[%get3A_41, %get3A_42] : memref<256x40xf32, #tpu.memory_space<vmem>>, vector<256x40xf32>
    %dot_general3A_44 = arith.constant dense<0.000000e+00> : vector<4x40xf32>
    %dot_general3A_45 = tpu.matmul %select_n3A_40, %get3A_43, %dot_general3A_44 {dimension_numbers = #tpu.dot_dimension_numbers<[1], [0], [0], [1], [0, 0, 1, 1], [], []>, transpose_lhs_hint = false} : vector<4x256xf32>, vector<256x40xf32>, vector<4x40xf32> -> vector<4x40xf32>
    %get3A_46 = arith.constant 0 : index
    %get3A_47 = arith.constant 0 : index
    %get3A_48 = vector.load %arg8[%get3A_46, %get3A_47] : memref<1x40xf32, #tpu.memory_space<vmem>>, vector<1x40xf32>
    %add3A_49 = vector.broadcast %get3A_48 : vector<1x40xf32> to vector<4x40xf32>
    %add3A_50 = arith.addf %dot_general3A_45, %add3A_49 : vector<4x40xf32>
    %swap3A = arith.constant 0 : index
    %swap3A_51 = arith.constant 0 : index
    %swap3A_52 = vector.load %arg9[%swap3A, %swap3A_51] : memref<4x40xf32, #tpu.memory_space<vmem>>, vector<4x40xf32>
    tpu.vector_store %arg9[%swap3A, %swap3A_51], %add3A_50 {strides = array<i32>} : memref<4x40xf32, #tpu.memory_space<vmem>>, vector<4x40xf32>,
    return
  }
}

</mosaic_0001>

<sc_bundles>
// kernel: kernel.29.cloned.1.call-start
scs
__scs_entry_jumppad:
0x0: {  	(pc) =	sbr.rel $0x88, $3  }
0x1: {  	(tag) =	ssettag $0x0;
	lr =	simm.s32 $0x1  }
0x2: {  	[smem:$0x3F89] =	sst lr;
	_ =	strace $0xD0000000  }
0x3: {  	_ = 	snop  }
0x4: {  	_ = 	snop  }
0x5: {  	_ = 	snop  }
0x6: {  	_ = 	snop  }
0x7: {  	_ = 	snop  }
__scs_overlays_trampoline_lowered:
0x8: {  	[smem:$0x3F98] =	sst s0  }
0x9: {  	[smem:$0x3F99] =	sst s1  }
0xa: {  	[smem:$0x3F9A] =	sst s2  }
0xb: {  	[smem:$0x3F9B] =	sst s3  }
0xc: {  	[smem:$0x3F9C] =	sst s4  }
0xd: {  	[smem:$0x3F9D] =	sst s5  }
0xe: {  	[smem:$0x3F9E] =	sst s6  }
0xf: {  	[smem:$0x3F9F] =	sst s7  }
0x10: {  	[smem:$0x3FA0] =	sst s8  }
0x11: {  	[smem:$0x3FA1] =	sst s9;
	s0 =	simm.s32 @!p0 $0x0  }
0x12: {  	s1 =	sld [smem:$0x3F87];
	s0 =	simm.s32 @p0 $0x1  }
0x13: {  	[smem:$0x3FA2] =	sst s0;
	s0 =	simm.s32 @!p1 $0x0  }
0x14: {  	s2 =	sld [smem:$0x3F86];
	s0 =	simm.s32 @p1 $0x1  }
0x15: {  	[smem:$0x3FA3] =	sst s0;
	s0 =	simm.s32 @!p2 $0x0  }
0x16: {  	s3 =	sld [smem:$0x3FDB];
	s0 =	simm.s32 @p2 $0x1  }
0x17: {  	s4 =	simm.s32 $0x1BF5;
	[smem:$0x3FA5] =	sst s0  }
0x18: {  	s0 =	sld [smem:$0x3F88];
	_ =	swait.ge [sflag:s4], $0x0  }
0x19: {  	s7 =	sld [smem:$0x3F89]  }
0x1a: {  	s8 =	sadd.s32 $0xFFFFE003, lr  }
0x1b: {  	s9 =	sadd.s32 $0xFFFFFEF7, lr;
	s5 =	simm.s32 $0xFFFFFFFF;
	p2 =	slt.u32 s8, $0xFFFFF086  }
0x1c: {  	p1 =	slt.u32 s9, $0xF7A;
	s5 =	simm.s32 @!p2 $0x0  }
0x1d: {  	s5 =	simm.s32 @p1 $0x1;
	p0 =	seq.s32 s7, s2  }
0x1e: {  	s7 =	smul.u32 @!p0 $0xF7A, s2;
	p2 =	seq.s32 @!p0 s5, $0x0  }
0x1f: {  	s9 =	smul.u32 $0xF7A, s1;
	s8 =	simm.s32 @!p0 $0x1BF5;
	p2 =	por !p2, p0  }
0x20: {  	[sflag:s8] =	ssyncset.s32 @!p0 $0xFFFFF086;
	s6 =	sadd.s32 @!p0 s3, s7;
	s7 =	simm.s32 @!p0 $0x108  }
0x21: {  	s3 =	sadd.s32 s3, s9;
	s6 =	sadd.s32 @!p0 $0x88, s6;
	s7 =	simm.s32 @p2 $0x1082  }
0x22: {  	[simem:s7], [sflag:s8] =	dma.local @!p0 [hbm:s6], $0xF7A  }
0x23: {  	s9 =	sor.u32 $0xD0000000, s2;
	s6 =	simm.s32 $0x108;
	_ =	swait.ge @!p0 [sflag:s8], $0x0  }
0x24: {  	s3 =	sadd.s32 $0x88, s3;
	s6 =	simm.s32 @!p1 $0x1082;
	[sflag:s4] =	ssyncset.s32 $0xFFFFF086  }
0x25: {  	[simem:s6], [sflag:s4] =	dma.local [hbm:s3], $0xF7A  }
0x26: {  	[smem:$0x3F89] =	sst s1;
	(tag) =	ssettag s2;
	_ =	strace s9  }
0x27: {  	s1 =	sld [smem:$0x3F99]  }
0x28: {  	s2 =	sld [smem:$0x3F9A]  }
0x29: {  	s4 =	sld [smem:$0x3F9C]  }
0x2a: {  	p0 =	seq.s32 s5, $0x0;
	s5 =	sld [smem:$0x3F9D]  }
0x2b: {  	s6 =	sld [smem:$0x3F9E]  }
0x2c: {  	s7 =	sld [smem:$0x3F9F]  }
0x2d: {  	s3 =	simm.s32 $0x108;
	s8 =	sld [smem:$0x3FA0]  }
0x2e: {  	s3 =	simm.s32 @!p0 $0x1082;
	s9 =	sld [smem:$0x3FA1]  }
0x2f: {  	lr =	sadd.s32 s0, s3;
	s0 =	sld [smem:$0x3F98]  }
0x30: {  	s3 =	sld [smem:$0x3F9B]  }
0x31: {  	[smem:$0x3FA4] =	sst s10  }
0x32: {  	s10 =	sld [smem:$0x3FA2];
	_ =	sdelay $0x3  }
0x33: {  	p0 =	seq.s32 s10, $0x1;
	s10 =	sld [smem:$0x3FA4];
	_ =	sdelay $0x3  }
0x34: {  	[smem:$0x3FA4] =	sst s10  }
0x35: {  	s10 =	sld [smem:$0x3FA3];
	_ =	sdelay $0x3  }
0x36: {  	p1 =	seq.s32 s10, $0x1;
	s10 =	sld [smem:$0x3FA4];
	_ =	sdelay $0x3  }
0x37: {  	[smem:$0x3FA4] =	sst s10  }
0x38: {  	s10 =	sld [smem:$0x3FA5]  }
0x39: {  	_ = 	snop;
	(pc) =	sbr.ind lr, $3  }
0x3a: {  	_ = 	snop  }
0x3b: {  	_ = 	snop  }
0x3c: {  	p2 =	seq.s32 s10, $0x1;
	s10 =	sld [smem:$0x3FA4]  }
0x3d: {  	_ =	shalt  }
0x3e: {  	_ =	shalt  }
0x3f: {  	_ =	shalt  }
0x40: {  	_ =	shalt  }
0x41: {  	_ =	shalt  }
0x42: {  	_ =	shalt  }
0x43: {  	_ =	shalt  }
0x44: {  	_ =	shalt  }
0x45: {  	_ =	shalt  }
0x46: {  	_ =	shalt  }
0x47: {  	_ =	shalt  }
0x48: {  	_ =	shalt  }
0x49: {  	_ =	shalt  }
0x4a: {  	_ =	shalt  }
0x4b: {  	_ =	shalt  }
0x4c: {  	_ =	shalt  }
0x4d: {  	_ =	shalt  }
0x4e: {  	_ =	shalt  }
0x4f: {  	_ =	shalt  }
0x50: {  	_ =	shalt  }
0x51: {  	_ =	shalt  }
0x52: {  	_ =	shalt  }
0x53: {  	_ =	shalt  }
0x54: {  	_ =	shalt  }
0x55: {  	_ =	shalt  }
0x56: {  	_ =	shalt  }
0x57: {  	_ =	shalt  }
0x58: {  	_ =	shalt  }
0x59: {  	_ =	shalt  }
0x5a: {  	_ =	shalt  }
0x5b: {  	_ =	shalt  }
0x5c: {  	_ =	shalt  }
0x5d: {  	_ =	shalt  }
0x5e: {  	_ =	shalt  }
0x5f: {  	_ =	shalt  }
0x60: {  	_ =	shalt  }
0x61: {  	_ =	shalt  }
0x62: {  	_ =	shalt  }
0x63: {  	_ =	shalt  }
0x64: {  	_ =	shalt  }
0x65: {  	_ =	shalt  }
0x66: {  	_ =	shalt  }
0x67: {  	_ =	shalt  }
0x68: {  	_ =	shalt  }
0x69: {  	_ =	shalt  }
0x6a: {  	_ =	shalt  }
0x6b: {  	_ =	shalt  }
0x6c: {  	_ =	shalt  }
0x6d: {  	_ =	shalt  }
0x6e: {  	_ =	shalt  }
0x6f: {  	_ =	shalt  }
0x70: {  	_ =	shalt  }
0x71: {  	_ =	shalt  }
0x72: {  	_ =	shalt  }
0x73: {  	_ =	shalt  }
0x74: {  	_ =	shalt  }
0x75: {  	_ =	shalt  }
0x76: {  	_ =	shalt  }
0x77: {  	_ =	shalt  }
0x78: {  	_ =	shalt  }
0x79: {  	_ =	shalt  }
0x7a: {  	_ =	shalt  }
0x7b: {  	_ =	shalt  }
0x7c: {  	_ =	shalt  }
0x7d: {  	_ =	shalt  }
0x7e: {  	_ =	shalt  }
0x7f: {  	_ =	shalt  }
0x80: {  	_ =	shalt  }
0x81: {  	_ =	shalt  }
0x82: {  	_ =	shalt  }
0x83: {  	_ =	shalt  }
0x84: {  	_ =	shalt  }
0x85: {  	_ =	shalt  }
0x86: {  	_ =	shalt  }
0x87: {  	_ =	shalt  }
.Lfunc_end0:
.L_simem_size_0:
called_computation_lowered:
.L_overlay_start_0:
0x88: {  	s2 =	sld [smem:$0x3FD9]  }
0x89: {  	s3 =	sld [smem:$0x3FFE];
	_ =	sdelay $0x1  }
0x8a: {  	s1 =	srdreg.scid  }
0x8b: {  	s0 =	sand.u32 $0x1, s1  }
0x8c: {  	s16 =	sshll.u32 s0, $0xA;
	s2 =	sadd.s32 s3, s2  }
0x8d: {  	s2 =	sadd.s32 s2, s16  }
0x8e: {  	[smem:$0x3FB0] =	sst s2  }
0x8f: {  	_ = 	snop  }
0x90: {  	(tm) =	ssettm $0x1  }
0x91: {  	s17 =	sld [smem:$0x3FFB];
	_ =	sdelay $0x3  }
0x92: {  	_ =	strace s17  }
0x93: {  	s2 =	sld [smem:$0x3FFC];
	_ =	sdelay $0x3  }
0x94: {  	_ =	strace s2  }
0x95: {  	s2 =	sld [smem:$0x3FFD];
	_ =	sdelay $0x3  }
0x96: {  	_ =	strace s2  }
0x97: {  	_ =	strace $0x8FFFFFFF  }
0x98: {  	s18 =	sld [smem:$0x3FDB];
	_ =	sdelay $0x1  }
0x99: {  	s19 =	simm.s32 $_scs_section_size  }
0x9a: {  	s4 =	simm.s32 $_size__tile_overlayer_lowered;
	s5 =	simm.s32 $_tile_overlayer_lowered  }
0x9b: {  	s22 =	simm.s32 $0x1BFF;
	s21 =	sshll.u32 s5, $0x1;
	s2 =	sadd.s32 s19, s18  }
0x9c: {  	s6 =	simm.s32 $0x0;
	s20 =	sshll.u32 s4, $0x1;
	s4 =	sadd.s32 s21, s2  }
0x9d: {  	[timem:s6], [sflag:s22] =	dma.local [hbm:s4], s20  }
0x9e: {  	_ =	swait.ge [sflag:s22], s20  }
0x9f: {  	s3 =	ssub.s32 $0x0, s20;
	[sflag:s22] =	ssyncset.done $0x0  }
0xa0: {  	[sflag:s22] =	ssyncadd.s32 s3;
	_ =	sdelay $0x1  }
0xa1: {  	s23 =	simm.s32 $0x1B8B  }
0xa2: {  	_ =	swait.ge [sflag:s23], $0x1  }
0xa3: {  	[sflag:s23] =	ssyncset.done $0x0  }
0xa4: {  	s25 =	simm.s32 $0x1B8E;
	s24 =	sld [smem:$0x3FFE];
	[sflag:s23] =	ssyncadd.s32 $0xFFFFFFFF  }
0xa5: {  	s26 =	simm.s32 $execute0_lowered;
	[smem:$0x3FD2] =	sst s25  }
0xa6: {  	s4 =	sshll.u32 s26, $0x1;
	_ =	strace $0x80000046;
	[dreg:$0x1] =	wrdreg $0xFFFFFFFF  }
0xa7: {  	s28 =	simm.s32 $_size_execute0_lowered;
	s2 =	sadd.s32 s2, s4;
	[dreg:$0x0] =	wrdreg $0x0  }
0xa8: {  	s4 =	sshll.u32 s28, $0x1;
	[dreg:$0x2] =	wrdreg s2  }
0xa9: {  	[dreg:$0x3] =	wrdreg s4  }
0xaa: {  	[dreg:$0x4] =	wrdreg $0xC0  }
0xab: {  	_ =	task [dreg:s6], $0x5FFFF  }
0xac: {  	[dreg:$0x1] =	wrdreg $0xFFFFFFFF  }
0xad: {  	[dreg:$0x0] =	wrdreg $0x60  }
0xae: {  	[dreg:$0x2] =	wrdreg s24  }
0xaf: {  	[dreg:$0x3] =	wrdreg $0xA  }
0xb0: {  	_ =	task.clear_ibuf [dreg:s6], $0x4FFFF;
	_ =	strace $0x90000046  }
0xb1: {  	s29 =	simm.s32 $0xA;
	_ =	strace $0x80000048  }
0xb2: {  	_ =	swait.ge [sflag:s29], $0x1  }
0xb3: {  	[sflag:s29] =	ssyncadd.s32 $0xFFFFFFFF  }
0xb4: {  	_ =	strace $0x90000048  }
0xb5: {  	_ =	sfence  }
0xb6: {  	s30 =	sld [smem:$0x0];
	_ =	sdelay $0x2  }
0xb7: {  	s31 =	sshll.u32 s1, $0xD;
	s1 =	sshrl.u32 s1, $0x2  }
0xb8: {  	s3 =	sand.u32 $0x4000, s31;
	s1 =	sadd.s32 s1, s30  }
0xb9: {  	s0 =	sor.u32 s3, s0;
	s1 =	sshll.u32 s1, $0x11  }
0xba: {  	s0 =	sor.u32 s1, s0  }
0xbb: {  	s0 =	sadd.s32 $0x8F2B, s0  }
0xbc: {  	[sflag:s0] =	ssyncadd.remote.s32 $0x1  }
0xbd: {  	_ =	sfence.sel $0xFFFF  }
0xbe: {  	[dreg:$0x0] =	wrdreg $0xFFFFFFFF;
	(pc) =	sbr.abs _section_cstart, $3  }
0xbf: {  	[dreg:$0x1] =	wrdreg $0xFFFFFFFF  }
0xc0: {  	_ =	task.clear_ibuf [dreg:s6], $0x2FFFF;
	_ =	strace $0x9FFFFFFF  }
0xc1: {  	(tm) =	ssettm $0x7FFFFFFF  }
tec
execute0_lowered:
.L_overlay_start_1:
0x0: {  	(tag) =	ssettag $0x1  }
0x1: {  	s4 =	rddreg [dreg:$0x0]  }
0x2: {  	s0 =	rddreg [dreg:$0x1];
	s2 =	simm.s32 $0x0;
	s1 =	stileid.u32  }
0x3: {  	s3 =	srdreg.scid;
	s10 =	simm.s32 $0x0;
	s6 =	smul.u32 $0x1400, s1  }
0x4: {  	[smem:$0x7FF] =	sst s2;
	s5 =	sand.u32 $0x1, s3;
	s8 =	smul.u32 $0x14000, s1  }
0x5: {  	s3 =	sadd.s32 $0x7C00, s4;
	s7 =	smul.u32 $0xA00, s5;
	s9 =	ssub.s32 $0x2, s5  }
0x6: {  	_ =	strace $0x80000047;
	s5 =	smul.u32 $0xA000, s5;
	s31 =	sshrl.u32 s9, $0x1  }
0x7: {  	s8 =	sadd.s32 s8, s4;
	s6 =	sadd.s32 s7, s6;
	s7 =	ssub.s32 s9, s31  }
0x8: {  	s5 =	sadd.s32 s5, s8;
	s8 =	simm.s32 $0x80;
	s6 =	sshrl.u32 s6, $0x3  }
0x9: {  	s9 =	simm.s32 $0x1;
	s5 =	sadd.s32 $0x2A400, s5;
	s6 =	sadd.s32 s6, s4  }
0xa: {  	s4 =	smax.u32 s7, $0x1;
	s7 =	simm.s32 $0x2;
	s6 =	sadd.s32 $0x27C00, s6  }
.LBB2_1:
0xb: {  	s11 =	sadd.s32 $0x0, s6  }
0xc: {  	[tilespmem:s2], [sflag:$0x2] =	stream.linear.gather [hbm4b:s11+s2], $0x80, $0x38;
	[tilespmem:$0x4080] =	vst v63  }
0xd: {  	_ =	swait.ge [sflag:s7], $0x80  }
0xe: {  	[sflag:s7] =	ssyncset.done $0x0  }
0xf: {  	[sflag:s7] =	ssyncadd.s32 $0xFFFFFF80  }
0x10: {  	[tilespmem:s8], [sflag:$0x1] =	stream.indirect.gather [hbm4b:s3+s8], $0x80, s2, s8, $0xb8;
	[tilespmem:$0x4080] =	vst v63  }
0x11: {  	_ =	swait.ge [sflag:s9], $0x4000  }
0x12: {  	[sflag:s9] =	ssyncset.done $0x0  }
0x13: {  	[sflag:s9] =	ssyncadd.s32 $0xFFFFC000  }
0x14: {  	[hbm4b:s5+s2] =	stream.linear.scatter [tilespmem:s8], [sflag:$0x2], $0x4000, $0x38;
	[tilespmem:$0x4080] =	vst v63  }
0x15: {  	s12 =	simm.s32 $0x10;
	_ =	swait.ge [sflag:s7], $0x4000  }
0x16: {  	s13 =	simm.s32 $0x20;
	s11 =	sadd.s32 $0x800, s5;
	[sflag:s7] =	ssyncset.done $0x0  }
.LBB2_2:
0x17: {  	s14 =	sadd.s32 s12, s6  }
0x18: {  	[sflag:s7] =	ssyncadd.s32 $0xFFFFC000;
	s12 =	smov.u32 s13;
	s15 =	sadd.s32 $0x10, s13  }
0x19: {  	[tilespmem:s2], [sflag:$0x2] =	stream.linear.gather [hbm4b:s14+s2], $0x80, $0x38;
	[tilespmem:$0x4080] =	vst v63  }
0x1a: {  	p0 =	sne.s32 s13, $0x130;
	_ =	swait.ge [sflag:s7], $0x80  }
0x1b: {  	[sflag:s7] =	ssyncset.done $0x0  }
0x1c: {  	[sflag:s7] =	ssyncadd.s32 $0xFFFFFF80  }
0x1d: {  	[tilespmem:s8], [sflag:$0x1] =	stream.indirect.gather [hbm4b:s3+s8], $0x80, s2, s8, $0xb8;
	[tilespmem:$0x4080] =	vst v63  }
0x1e: {  	_ =	swait.ge [sflag:s9], $0x4000  }
.Ltmp0:
0x1f: {  	[sflag:s9] =	ssyncset.done $0x0;
	(pc) =	sbr.rel @p0 .LBB2_2-.Ltmp0, $4  }
0x20: {  	[sflag:s9] =	ssyncadd.s32 $0xFFFFC000  }
0x21: {  	[hbm4b:s11+s2] =	stream.linear.scatter [tilespmem:s8], [sflag:$0x2], $0x4000, $0x38;
	[tilespmem:$0x4080] =	vst v63  }
0x22: {  	_ =	swait.ge [sflag:s7], $0x4000  }
0x23: {  	s13 =	smov.u32 s15;
	s11 =	sadd.s32 $0x800, s11;
	[sflag:s7] =	ssyncset.done $0x0  }
0x24: {  	s12 =	sadd.s32 s12, s6;
	[sflag:s7] =	ssyncadd.s32 $0xFFFFC000  }
0x25: {  	[tilespmem:s2], [sflag:$0x2] =	stream.linear.gather [hbm4b:s12+s2], $0x80, $0x38;
	[tilespmem:$0x4080] =	vst v63  }
0x26: {  	_ =	swait.ge [sflag:s7], $0x80  }
0x27: {  	[sflag:s7] =	ssyncset.done $0x0  }
0x28: {  	[sflag:s7] =	ssyncadd.s32 $0xFFFFFF80  }
0x29: {  	[tilespmem:s8], [sflag:$0x1] =	stream.indirect.gather [hbm4b:s3+s8], $0x80, s2, s8, $0xb8;
	[tilespmem:$0x4080] =	vst v63  }
0x2a: {  	s10 =	sadd.s32 $0x1, s10;
	_ =	swait.ge [sflag:s9], $0x4000  }
0x2b: {  	p0 =	sne.s32 s10, s4;
	[sflag:s9] =	ssyncset.done $0x0  }
.Ltmp1:
0x2c: {  	[sflag:s9] =	ssyncadd.s32 $0xFFFFC000;
	(pc) =	sbr.rel @p0 .LBB2_1-.Ltmp1, $4  }
0x2d: {  	[hbm4b:s11+s2] =	stream.linear.scatter [tilespmem:s8], [sflag:$0x2], $0x4000, $0x38;
	[tilespmem:$0x4080] =	vst v63  }
0x2e: {  	_ =	swait.ge [sflag:s7], $0x4000  }
0x2f: {  	[sflag:s7] =	ssyncset.done $0x0  }
0x30: {  	[sflag:s7] =	ssyncadd.s32 $0xFFFFC000  }
0x31: {  	_ =	sfence.sel $0x180000  }
0x32: {  	[bflag:$0x0] =	sbarrier.arrive $0xFFFF  }
0x33: {  	p0 =	sne.s32 s1, $0x0;
	_ =	strace $0x90000047  }
0x34: {  	s0 =	sadd.s32 @!p0 $0x100000, s0;
	[bflag:$0x2] =	sbarrier.arrive $0xFFFF  }
0x35: {  	[sflag:s0] =	ssyncadd.tile.s32 @!p0 $0x1;
	_ =	shalt  }
.Lfunc_end2:
_tile_overlayer_lowered:
.L_overlay_start_2:
0x36: {  	(tag) =	ssettag $0x2  }
0x37: {  	s0 =	rddreg [dreg:$0x0];
	s2 =	stileid.u32  }
0x38: {  	s1 =	rddreg [dreg:$0x1];
	p0 =	sne.s32 s2, $0x0  }
0x39: {  	s3 =	rddreg [dreg:$0x2];
	[bflag:$0x3] =	sbarrier.arrive $0xFFFF;
	s2 =	simm.s32 @!p0 $0x1C02  }
0x3a: {  	[timem:s3], [sflag:s2] =	dma.local @!p0 [hbm:s0], s1  }
0x3b: {  	s0 =	simm.s32 @!p0 $0x2  }
0x3c: {  	_ =	swait.ge @!p0 [sflag:s0], s1  }
0x3d: {  	s1 =	ssub.s32 @!p0 $0x0, s1;
	[sflag:s0] =	ssyncset.done @!p0 $0x0  }
0x3e: {  	[sflag:s0] =	ssyncadd.s32 @!p0 s1  }
0x3f: {  	[bflag:$0x3] =	sbarrier.arrive $0xFFFF  }
0x40: {  	_ =	shalt  }

// kernel: kernel.32.cloned.1.call-start
scs
__scs_entry_jumppad:
0x0: {  	(pc) =	sbr.rel $0x88, $3  }
0x1: {  	(tag) =	ssettag $0x0;
	lr =	simm.s32 $0x1  }
0x2: {  	[smem:$0x3F89] =	sst lr;
	_ =	strace $0xD0000000  }
0x3: {  	_ = 	snop  }
0x4: {  	_ = 	snop  }
0x5: {  	_ = 	snop  }
0x6: {  	_ = 	snop  }
0x7: {  	_ = 	snop  }
__scs_overlays_trampoline_lowered:
0x8: {  	[smem:$0x3F98] =	sst s0  }
0x9: {  	[smem:$0x3F99] =	sst s1  }
0xa: {  	[smem:$0x3F9A] =	sst s2  }
0xb: {  	[smem:$0x3F9B] =	sst s3  }
0xc: {  	[smem:$0x3F9C] =	sst s4  }
0xd: {  	[smem:$0x3F9D] =	sst s5  }
0xe: {  	[smem:$0x3F9E] =	sst s6  }
0xf: {  	[smem:$0x3F9F] =	sst s7  }
0x10: {  	[smem:$0x3FA0] =	sst s8  }
0x11: {  	[smem:$0x3FA1] =	sst s9;
	s0 =	simm.s32 @!p0 $0x0  }
0x12: {  	s1 =	sld [smem:$0x3F87];
	s0 =	simm.s32 @p0 $0x1  }
0x13: {  	[smem:$0x3FA2] =	sst s0;
	s0 =	simm.s32 @!p1 $0x0  }
0x14: {  	s2 =	sld [smem:$0x3F86];
	s0 =	simm.s32 @p1 $0x1  }
0x15: {  	[smem:$0x3FA3] =	sst s0;
	s0 =	simm.s32 @!p2 $0x0  }
0x16: {  	s3 =	sld [smem:$0x3FDB];
	s0 =	simm.s32 @p2 $0x1  }
0x17: {  	s4 =	simm.s32 $0x1BF5;
	[smem:$0x3FA5] =	sst s0  }
0x18: {  	s0 =	sld [smem:$0x3F88];
	_ =	swait.ge [sflag:s4], $0x0  }
0x19: {  	s7 =	sld [smem:$0x3F89]  }
0x1a: {  	s8 =	sadd.s32 $0xFFFFE003, lr  }
0x1b: {  	s9 =	sadd.s32 $0xFFFFFEF7, lr;
	s5 =	simm.s32 $0xFFFFFFFF;
	p2 =	slt.u32 s8, $0xFFFFF086  }
0x1c: {  	p1 =	slt.u32 s9, $0xF7A;
	s5 =	simm.s32 @!p2 $0x0  }
0x1d: {  	s5 =	simm.s32 @p1 $0x1;
	p0 =	seq.s32 s7, s2  }
0x1e: {  	s7 =	smul.u32 @!p0 $0xF7A, s2;
	p2 =	seq.s32 @!p0 s5, $0x0  }
0x1f: {  	s9 =	smul.u32 $0xF7A, s1;
	s8 =	simm.s32 @!p0 $0x1BF5;
	p2 =	por !p2, p0  }
0x20: {  	[sflag:s8] =	ssyncset.s32 @!p0 $0xFFFFF086;
	s6 =	sadd.s32 @!p0 s3, s7;
	s7 =	simm.s32 @!p0 $0x108  }
0x21: {  	s3 =	sadd.s32 s3, s9;
	s6 =	sadd.s32 @!p0 $0x88, s6;
	s7 =	simm.s32 @p2 $0x1082  }
0x22: {  	[simem:s7], [sflag:s8] =	dma.local @!p0 [hbm:s6], $0xF7A  }
0x23: {  	s9 =	sor.u32 $0xD0000000, s2;
	s6 =	simm.s32 $0x108;
	_ =	swait.ge @!p0 [sflag:s8], $0x0  }
0x24: {  	s3 =	sadd.s32 $0x88, s3;
	s6 =	simm.s32 @!p1 $0x1082;
	[sflag:s4] =	ssyncset.s32 $0xFFFFF086  }
0x25: {  	[simem:s6], [sflag:s4] =	dma.local [hbm:s3], $0xF7A  }
0x26: {  	[smem:$0x3F89] =	sst s1;
	(tag) =	ssettag s2;
	_ =	strace s9  }
0x27: {  	s1 =	sld [smem:$0x3F99]  }
0x28: {  	s2 =	sld [smem:$0x3F9A]  }
0x29: {  	s4 =	sld [smem:$0x3F9C]  }
0x2a: {  	p0 =	seq.s32 s5, $0x0;
	s5 =	sld [smem:$0x3F9D]  }
0x2b: {  	s6 =	sld [smem:$0x3F9E]  }
0x2c: {  	s7 =	sld [smem:$0x3F9F]  }
0x2d: {  	s3 =	simm.s32 $0x108;
	s8 =	sld [smem:$0x3FA0]  }
0x2e: {  	s3 =	simm.s32 @!p0 $0x1082;
	s9 =	sld [smem:$0x3FA1]  }
0x2f: {  	lr =	sadd.s32 s0, s3;
	s0 =	sld [smem:$0x3F98]  }
0x30: {  	s3 =	sld [smem:$0x3F9B]  }
0x31: {  	[smem:$0x3FA4] =	sst s10  }
0x32: {  	s10 =	sld [smem:$0x3FA2];
	_ =	sdelay $0x3  }
0x33: {  	p0 =	seq.s32 s10, $0x1;
	s10 =	sld [smem:$0x3FA4];
	_ =	sdelay $0x3  }
0x34: {  	[smem:$0x3FA4] =	sst s10  }
0x35: {  	s10 =	sld [smem:$0x3FA3];
	_ =	sdelay $0x3  }
0x36: {  	p1 =	seq.s32 s10, $0x1;
	s10 =	sld [smem:$0x3FA4];
	_ =	sdelay $0x3  }
0x37: {  	[smem:$0x3FA4] =	sst s10  }
0x38: {  	s10 =	sld [smem:$0x3FA5]  }
0x39: {  	_ = 	snop;
	(pc) =	sbr.ind lr, $3  }
0x3a: {  	_ = 	snop  }
0x3b: {  	_ = 	snop  }
0x3c: {  	p2 =	seq.s32 s10, $0x1;
	s10 =	sld [smem:$0x3FA4]  }
0x3d: {  	_ =	shalt  }
0x3e: {  	_ =	shalt  }
0x3f: {  	_ =	shalt  }
0x40: {  	_ =	shalt  }
0x41: {  	_ =	shalt  }
0x42: {  	_ =	shalt  }
0x43: {  	_ =	shalt  }
0x44: {  	_ =	shalt  }
0x45: {  	_ =	shalt  }
0x46: {  	_ =	shalt  }
0x47: {  	_ =	shalt  }
0x48: {  	_ =	shalt  }
0x49: {  	_ =	shalt  }
0x4a: {  	_ =	shalt  }
0x4b: {  	_ =	shalt  }
0x4c: {  	_ =	shalt  }
0x4d: {  	_ =	shalt  }
0x4e: {  	_ =	shalt  }
0x4f: {  	_ =	shalt  }
0x50: {  	_ =	shalt  }
0x51: {  	_ =	shalt  }
0x52: {  	_ =	shalt  }
0x53: {  	_ =	shalt  }
0x54: {  	_ =	shalt  }
0x55: {  	_ =	shalt  }
0x56: {  	_ =	shalt  }
0x57: {  	_ =	shalt  }
0x58: {  	_ =	shalt  }
0x59: {  	_ =	shalt  }
0x5a: {  	_ =	shalt  }
0x5b: {  	_ =	shalt  }
0x5c: {  	_ =	shalt  }
0x5d: {  	_ =	shalt  }
0x5e: {  	_ =	shalt  }
0x5f: {  	_ =	shalt  }
0x60: {  	_ =	shalt  }
0x61: {  	_ =	shalt  }
0x62: {  	_ =	shalt  }
0x63: {  	_ =	shalt  }
0x64: {  	_ =	shalt  }
0x65: {  	_ =	shalt  }
0x66: {  	_ =	shalt  }
0x67: {  	_ =	shalt  }
0x68: {  	_ =	shalt  }
0x69: {  	_ =	shalt  }
0x6a: {  	_ =	shalt  }
0x6b: {  	_ =	shalt  }
0x6c: {  	_ =	shalt  }
0x6d: {  	_ =	shalt  }
0x6e: {  	_ =	shalt  }
0x6f: {  	_ =	shalt  }
0x70: {  	_ =	shalt  }
0x71: {  	_ =	shalt  }
0x72: {  	_ =	shalt  }
0x73: {  	_ =	shalt  }
0x74: {  	_ =	shalt  }
0x75: {  	_ =	shalt  }
0x76: {  	_ =	shalt  }
0x77: {  	_ =	shalt  }
0x78: {  	_ =	shalt  }
0x79: {  	_ =	shalt  }
0x7a: {  	_ =	shalt  }
0x7b: {  	_ =	shalt  }
0x7c: {  	_ =	shalt  }
0x7d: {  	_ =	shalt  }
0x7e: {  	_ =	shalt  }
0x7f: {  	_ =	shalt  }
0x80: {  	_ =	shalt  }
0x81: {  	_ =	shalt  }
0x82: {  	_ =	shalt  }
0x83: {  	_ =	shalt  }
0x84: {  	_ =	shalt  }
0x85: {  	_ =	shalt  }
0x86: {  	_ =	shalt  }
0x87: {  	_ =	shalt  }
.Lfunc_end0:
.L_simem_size_0:
called_computation.1_lowered:
.L_overlay_start_0:
0x88: {  	s2 =	sld [smem:$0x3FD9]  }
0x89: {  	s3 =	sld [smem:$0x3FFE];
	_ =	sdelay $0x1  }
0x8a: {  	s1 =	srdreg.scid  }
0x8b: {  	s0 =	sand.u32 $0x1, s1  }
0x8c: {  	s17 =	sshll.u32 s0, $0xA;
	s2 =	sadd.s32 s3, s2  }
0x8d: {  	s2 =	sadd.s32 s2, s17  }
0x8e: {  	[smem:$0x3FB0] =	sst s2  }
0x8f: {  	_ = 	snop  }
0x90: {  	(tm) =	ssettm $0x1  }
0x91: {  	s18 =	sld [smem:$0x3FFB];
	_ =	sdelay $0x3  }
0x92: {  	_ =	strace s18  }
0x93: {  	s2 =	sld [smem:$0x3FFC];
	_ =	sdelay $0x3  }
0x94: {  	_ =	strace s2  }
0x95: {  	s2 =	sld [smem:$0x3FFD];
	_ =	sdelay $0x3  }
0x96: {  	_ =	strace s2  }
0x97: {  	_ =	strace $0x8FFFFFFF  }
0x98: {  	s19 =	sld [smem:$0x3FDB];
	_ =	sdelay $0x1  }
0x99: {  	s20 =	simm.s32 $_scs_section_size  }
0x9a: {  	s4 =	simm.s32 $_size__tile_overlayer_lowered;
	s5 =	simm.s32 $_tile_overlayer_lowered  }
0x9b: {  	s6 =	simm.s32 $0x1BFF;
	s21 =	sshll.u32 s5, $0x1;
	s3 =	sadd.s32 s20, s19  }
0x9c: {  	s22 =	simm.s32 $0x0;
	s4 =	sshll.u32 s4, $0x1;
	s5 =	sadd.s32 s21, s3  }
0x9d: {  	[timem:s22], [sflag:s6] =	dma.local [hbm:s5], s4  }
0x9e: {  	_ =	swait.ge [sflag:s6], s4  }
0x9f: {  	s4 =	ssub.s32 $0x0, s4;
	[sflag:s6] =	ssyncset.done $0x0  }
0xa0: {  	[sflag:s6] =	ssyncadd.s32 s4;
	_ =	sdelay $0x1  }
0xa1: {  	s23 =	simm.s32 $0x1B8B  }
0xa2: {  	_ =	swait.ge [sflag:s23], $0x1  }
0xa3: {  	[sflag:s23] =	ssyncset.done $0x0  }
0xa4: {  	[sflag:s23] =	ssyncadd.s32 $0xFFFFFFFF  }
0xa5: {  	s4 =	sld [smem:$0x0]  }
0xa6: {  	s5 =	sand.u32 $0xFFFFFFFE, s1  }
0xa7: {  	p0 =	sne.s32 s1, s5  }
0xa8: {  	s5 =	sshll.u32 @p0 s5, $0xE  }
0xa9: {  	s5 =	sadd.s32 @p0 $0x11B8D, s5;
	s6 =	sshll.u32 @p0 s4, $0x11  }
0xaa: {  	s5 =	sor.u32 @p0 s6, s5  }
0xab: {  	[sflag:s5] =	ssyncadd.remote.s32 @p0 $0x1;
	_ =	sdelay $0x1  }
0xac: {  	s5 =	simm.s32 @p0 $0x1B8D  }
0xad: {  	_ =	swait.eq @p0 [sflag:s5], $0x1  }
0xae: {  	[sflag:s5] =	ssyncadd.s32 @p0 $0xFFFFFFFF  }
0xaf: {  	s6 =	sshll.u32 @!p0 s1, $0xE  }
0xb0: {  	s6 =	sor.u32 @!p0 $0x4000, s6;
	s5 =	simm.s32 @!p0 $0x1B8D  }
0xb1: {  	s4 =	sshll.u32 @!p0 s4, $0x11;
	s6 =	sadd.s32 @!p0 $0x11B8D, s6;
	_ =	swait.eq @!p0 [sflag:s5], $0x1  }
0xb2: {  	s4 =	sor.u32 @!p0 s4, s6;
	[sflag:s5] =	ssyncadd.s32 @!p0 $0xFFFFFFFF  }
0xb3: {  	s25 =	simm.s32 $0x1B8E;
	s24 =	sld [smem:$0x3FFE];
	[sflag:s4] =	ssyncadd.remote.s32 @!p0 $0x1  }
0xb4: {  	s26 =	simm.s32 $execute0_lowered;
	[smem:$0x3FD2] =	sst s25  }
0xb5: {  	s5 =	sshll.u32 s26, $0x1;
	_ =	strace $0x80000049;
	[dreg:$0x1] =	wrdreg $0xFFFFFFFF  }
0xb6: {  	s28 =	simm.s32 $_size_execute0_lowered;
	s3 =	sadd.s32 s3, s5;
	[dreg:$0x0] =	wrdreg $0x0  }
0xb7: {  	s5 =	sshll.u32 s28, $0x1;
	[dreg:$0x2] =	wrdreg s3  }
0xb8: {  	[dreg:$0x3] =	wrdreg s5  }
0xb9: {  	[dreg:$0x4] =	wrdreg $0xC0  }
0xba: {  	_ =	task [dreg:s22], $0x5FFFF  }
0xbb: {  	[dreg:$0x1] =	wrdreg $0xFFFFFFFF  }
0xbc: {  	[dreg:$0x0] =	wrdreg $0x60  }
0xbd: {  	[dreg:$0x2] =	wrdreg s24  }
0xbe: {  	[dreg:$0x3] =	wrdreg $0x9  }
0xbf: {  	_ =	task.clear_ibuf [dreg:s22], $0x4FFFF;
	_ =	strace $0x90000049  }
0xc0: {  	s29 =	simm.s32 $0x9;
	_ =	strace $0x8000004B  }
0xc1: {  	_ =	swait.ge [sflag:s29], $0x1  }
0xc2: {  	[sflag:s29] =	ssyncadd.s32 $0xFFFFFFFF  }
0xc3: {  	_ =	strace $0x9000004B  }
0xc4: {  	_ =	sfence  }
0xc5: {  	s30 =	sld [smem:$0x0];
	_ =	sdelay $0x2  }
0xc6: {  	s31 =	sshll.u32 s1, $0xD;
	s1 =	sshrl.u32 s1, $0x2  }
0xc7: {  	s4 =	sand.u32 $0x4000, s31;
	s1 =	sadd.s32 s1, s30  }
0xc8: {  	s0 =	sor.u32 s4, s0;
	s1 =	sshll.u32 s1, $0x11  }
0xc9: {  	s0 =	sor.u32 s1, s0  }
0xca: {  	s0 =	sadd.s32 $0x8F2B, s0  }
0xcb: {  	[sflag:s0] =	ssyncadd.remote.s32 $0x1  }
0xcc: {  	_ =	sfence.sel $0xFFFF  }
0xcd: {  	[dreg:$0x0] =	wrdreg $0xFFFFFFFF;
	(pc) =	sbr.abs _section_cstart, $3  }
0xce: {  	[dreg:$0x1] =	wrdreg $0xFFFFFFFF  }
0xcf: {  	_ =	task.clear_ibuf [dreg:s22], $0x2FFFF;
	_ =	strace $0x9FFFFFFF  }
0xd0: {  	(tm) =	ssettm $0x7FFFFFFF  }
0xd1: {  	_ =	shalt  }
tec
execute0_lowered:
.L_overlay_start_1:
0x0: {  	(tag) =	ssettag $0x1  }
0x1: {  	s4 =	rddreg [dreg:$0x0]  }
0x2: {  	s0 =	rddreg [dreg:$0x1];
	s2 =	simm.s32 $0x0;
	s1 =	stileid.u32  }
0x3: {  	s3 =	srdreg.scid;
	s10 =	simm.s32 $0x0;
	s6 =	smul.u32 $0x1400, s1  }
0x4: {  	[smem:$0x7FF] =	sst s2;
	s5 =	sand.u32 $0x1, s3;
	s8 =	smul.u32 $0x14000, s1  }
0x5: {  	s3 =	sadd.s32 $0x17C00, s4;
	s7 =	smul.u32 $0xA00, s5;
	s9 =	ssub.s32 $0x2, s5  }
0x6: {  	_ =	strace $0x8000004A;
	s5 =	smul.u32 $0xA000, s5;
	s31 =	sshrl.u32 s9, $0x1  }
0x7: {  	s8 =	sadd.s32 s8, s4;
	s6 =	sadd.s32 s7, s6;
	s7 =	ssub.s32 s9, s31  }
0x8: {  	s5 =	sadd.s32 s5, s8;
	s8 =	simm.s32 $0x80;
	s6 =	sshrl.u32 s6, $0x3  }
0x9: {  	s9 =	simm.s32 $0x1;
	s5 =	sadd.s32 $0x16CC00, s5;
	s6 =	sadd.s32 s6, s4  }
0xa: {  	s4 =	smax.u32 s7, $0x1;
	s7 =	simm.s32 $0x2;
	s6 =	sadd.s32 $0x16A400, s6  }
.LBB2_1:
0xb: {  	s11 =	sadd.s32 $0x0, s6  }
0xc: {  	[tilespmem:s2], [sflag:$0x2] =	stream.linear.gather [hbm4b:s11+s2], $0x80, $0x38;
	[tilespmem:$0x4080] =	vst v63  }
0xd: {  	_ =	swait.ge [sflag:s7], $0x80  }
0xe: {  	[sflag:s7] =	ssyncset.done $0x0  }
0xf: {  	[sflag:s7] =	ssyncadd.s32 $0xFFFFFF80  }
0x10: {  	[tilespmem:s8], [sflag:$0x1] =	stream.indirect.gather [hbm4b:s3+s8], $0x80, s2, s8, $0xb8;
	[tilespmem:$0x4080] =	vst v63  }
0x11: {  	_ =	swait.ge [sflag:s9], $0x4000  }
0x12: {  	[sflag:s9] =	ssyncset.done $0x0  }
0x13: {  	[sflag:s9] =	ssyncadd.s32 $0xFFFFC000  }
0x14: {  	[hbm4b:s5+s2] =	stream.linear.scatter [tilespmem:s8], [sflag:$0x2], $0x4000, $0x38;
	[tilespmem:$0x4080] =	vst v63  }
0x15: {  	s12 =	simm.s32 $0x10;
	_ =	swait.ge [sflag:s7], $0x4000  }
0x16: {  	s13 =	simm.s32 $0x20;
	s11 =	sadd.s32 $0x800, s5;
	[sflag:s7] =	ssyncset.done $0x0  }
.LBB2_2:
0x17: {  	s14 =	sadd.s32 s12, s6  }
0x18: {  	[sflag:s7] =	ssyncadd.s32 $0xFFFFC000;
	s12 =	smov.u32 s13;
	s15 =	sadd.s32 $0x10, s13  }
0x19: {  	[tilespmem:s2], [sflag:$0x2] =	stream.linear.gather [hbm4b:s14+s2], $0x80, $0x38;
	[tilespmem:$0x4080] =	vst v63  }
0x1a: {  	p0 =	sne.s32 s13, $0x130;
	_ =	swait.ge [sflag:s7], $0x80  }
0x1b: {  	[sflag:s7] =	ssyncset.done $0x0  }
0x1c: {  	[sflag:s7] =	ssyncadd.s32 $0xFFFFFF80  }
0x1d: {  	[tilespmem:s8], [sflag:$0x1] =	stream.indirect.gather [hbm4b:s3+s8], $0x80, s2, s8, $0xb8;
	[tilespmem:$0x4080] =	vst v63  }
0x1e: {  	_ =	swait.ge [sflag:s9], $0x4000  }
.Ltmp0:
0x1f: {  	[sflag:s9] =	ssyncset.done $0x0;
	(pc) =	sbr.rel @p0 .LBB2_2-.Ltmp0, $4  }
0x20: {  	[sflag:s9] =	ssyncadd.s32 $0xFFFFC000  }
0x21: {  	[hbm4b:s11+s2] =	stream.linear.scatter [tilespmem:s8], [sflag:$0x2], $0x4000, $0x38;
	[tilespmem:$0x4080] =	vst v63  }
0x22: {  	_ =	swait.ge [sflag:s7], $0x4000  }
0x23: {  	s13 =	smov.u32 s15;
	s11 =	sadd.s32 $0x800, s11;
	[sflag:s7] =	ssyncset.done $0x0  }
0x24: {  	s12 =	sadd.s32 s12, s6;
	[sflag:s7] =	ssyncadd.s32 $0xFFFFC000  }
0x25: {  	[tilespmem:s2], [sflag:$0x2] =	stream.linear.gather [hbm4b:s12+s2], $0x80, $0x38;
	[tilespmem:$0x4080] =	vst v63  }
0x26: {  	_ =	swait.ge [sflag:s7], $0x80  }
0x27: {  	[sflag:s7] =	ssyncset.done $0x0  }
0x28: {  	[sflag:s7] =	ssyncadd.s32 $0xFFFFFF80  }
0x29: {  	[tilespmem:s8], [sflag:$0x1] =	stream.indirect.gather [hbm4b:s3+s8], $0x80, s2, s8, $0xb8;
	[tilespmem:$0x4080] =	vst v63  }
0x2a: {  	s10 =	sadd.s32 $0x1, s10;
	_ =	swait.ge [sflag:s9], $0x4000  }
0x2b: {  	p0 =	sne.s32 s10, s4;
	[sflag:s9] =	ssyncset.done $0x0  }
.Ltmp1:
0x2c: {  	[sflag:s9] =	ssyncadd.s32 $0xFFFFC000;
	(pc) =	sbr.rel @p0 .LBB2_1-.Ltmp1, $4  }
0x2d: {  	[hbm4b:s11+s2] =	stream.linear.scatter [tilespmem:s8], [sflag:$0x2], $0x4000, $0x38;
	[tilespmem:$0x4080] =	vst v63  }
0x2e: {  	_ =	swait.ge [sflag:s7], $0x4000  }
0x2f: {  	[sflag:s7] =	ssyncset.done $0x0  }
0x30: {  	[sflag:s7] =	ssyncadd.s32 $0xFFFFC000  }
0x31: {  	_ =	sfence.sel $0x180000  }
0x32: {  	[bflag:$0x0] =	sbarrier.arrive $0xFFFF  }
0x33: {  	p0 =	sne.s32 s1, $0x0;
	_ =	strace $0x9000004A  }
0x34: {  	s0 =	sadd.s32 @!p0 $0x100000, s0;
	[bflag:$0x2] =	sbarrier.arrive $0xFFFF  }
0x35: {  	[sflag:s0] =	ssyncadd.tile.s32 @!p0 $0x1;
	_ =	shalt  }
.Lfunc_end2:
_tile_overlayer_lowered:
.L_overlay_start_2:
0x36: {  	(tag) =	ssettag $0x2  }
0x37: {  	s0 =	rddreg [dreg:$0x0];
	s2 =	stileid.u32  }
0x38: {  	s1 =	rddreg [dreg:$0x1];
	p0 =	sne.s32 s2, $0x0  }
0x39: {  	s3 =	rddreg [dreg:$0x2];
	[bflag:$0x3] =	sbarrier.arrive $0xFFFF;
	s2 =	simm.s32 @!p0 $0x1C02  }
0x3a: {  	[timem:s3], [sflag:s2] =	dma.local @!p0 [hbm:s0], s1  }
0x3b: {  	s0 =	simm.s32 @!p0 $0x2  }
0x3c: {  	_ =	swait.ge @!p0 [sflag:s0], s1  }
0x3d: {  	s1 =	ssub.s32 @!p0 $0x0, s1;
	[sflag:s0] =	ssyncset.done @!p0 $0x0  }
0x3e: {  	[sflag:s0] =	ssyncadd.s32 @!p0 s1  }
0x3f: {  	[bflag:$0x3] =	sbarrier.arrive $0xFFFF  }
0x40: {  	_ =	shalt  }

// kernel: kernel.35.cloned.1.call-start
scs
__scs_entry_jumppad:
0x0: {  	(pc) =	sbr.rel $0x88, $3  }
0x1: {  	(tag) =	ssettag $0x0;
	lr =	simm.s32 $0x1  }
0x2: {  	[smem:$0x3F89] =	sst lr;
	_ =	strace $0xD0000000  }
0x3: {  	_ = 	snop  }
0x4: {  	_ = 	snop  }
0x5: {  	_ = 	snop  }
0x6: {  	_ = 	snop  }
0x7: {  	_ = 	snop  }
__scs_overlays_trampoline_lowered:
0x8: {  	[smem:$0x3F98] =	sst s0  }
0x9: {  	[smem:$0x3F99] =	sst s1  }
0xa: {  	[smem:$0x3F9A] =	sst s2  }
0xb: {  	[smem:$0x3F9B] =	sst s3  }
0xc: {  	[smem:$0x3F9C] =	sst s4  }
0xd: {  	[smem:$0x3F9D] =	sst s5  }
0xe: {  	[smem:$0x3F9E] =	sst s6  }
0xf: {  	[smem:$0x3F9F] =	sst s7  }
0x10: {  	[smem:$0x3FA0] =	sst s8  }
0x11: {  	[smem:$0x3FA1] =	sst s9;
	s0 =	simm.s32 @!p0 $0x0  }
0x12: {  	s1 =	sld [smem:$0x3F87];
	s0 =	simm.s32 @p0 $0x1  }
0x13: {  	[smem:$0x3FA2] =	sst s0;
	s0 =	simm.s32 @!p1 $0x0  }
0x14: {  	s2 =	sld [smem:$0x3F86];
	s0 =	simm.s32 @p1 $0x1  }
0x15: {  	[smem:$0x3FA3] =	sst s0;
	s0 =	simm.s32 @!p2 $0x0  }
0x16: {  	s3 =	sld [smem:$0x3FDB];
	s0 =	simm.s32 @p2 $0x1  }
0x17: {  	s4 =	simm.s32 $0x1BF5;
	[smem:$0x3FA5] =	sst s0  }
0x18: {  	s0 =	sld [smem:$0x3F88];
	_ =	swait.ge [sflag:s4], $0x0  }
0x19: {  	s7 =	sld [smem:$0x3F89]  }
0x1a: {  	s8 =	sadd.s32 $0xFFFFE003, lr  }
0x1b: {  	s9 =	sadd.s32 $0xFFFFFEF7, lr;
	s5 =	simm.s32 $0xFFFFFFFF;
	p2 =	slt.u32 s8, $0xFFFFF086  }
0x1c: {  	p1 =	slt.u32 s9, $0xF7A;
	s5 =	simm.s32 @!p2 $0x0  }
0x1d: {  	s5 =	simm.s32 @p1 $0x1;
	p0 =	seq.s32 s7, s2  }
0x1e: {  	s7 =	smul.u32 @!p0 $0xF7A, s2;
	p2 =	seq.s32 @!p0 s5, $0x0  }
0x1f: {  	s9 =	smul.u32 $0xF7A, s1;
	s8 =	simm.s32 @!p0 $0x1BF5;
	p2 =	por !p2, p0  }
0x20: {  	[sflag:s8] =	ssyncset.s32 @!p0 $0xFFFFF086;
	s6 =	sadd.s32 @!p0 s3, s7;
	s7 =	simm.s32 @!p0 $0x108  }
0x21: {  	s3 =	sadd.s32 s3, s9;
	s6 =	sadd.s32 @!p0 $0x88, s6;
	s7 =	simm.s32 @p2 $0x1082  }
0x22: {  	[simem:s7], [sflag:s8] =	dma.local @!p0 [hbm:s6], $0xF7A  }
0x23: {  	s9 =	sor.u32 $0xD0000000, s2;
	s6 =	simm.s32 $0x108;
	_ =	swait.ge @!p0 [sflag:s8], $0x0  }
0x24: {  	s3 =	sadd.s32 $0x88, s3;
	s6 =	simm.s32 @!p1 $0x1082;
	[sflag:s4] =	ssyncset.s32 $0xFFFFF086  }
0x25: {  	[simem:s6], [sflag:s4] =	dma.local [hbm:s3], $0xF7A  }
0x26: {  	[smem:$0x3F89] =	sst s1;
	(tag) =	ssettag s2;
	_ =	strace s9  }
0x27: {  	s1 =	sld [smem:$0x3F99]  }
0x28: {  	s2 =	sld [smem:$0x3F9A]  }
0x29: {  	s4 =	sld [smem:$0x3F9C]  }
0x2a: {  	p0 =	seq.s32 s5, $0x0;
	s5 =	sld [smem:$0x3F9D]  }
0x2b: {  	s6 =	sld [smem:$0x3F9E]  }
0x2c: {  	s7 =	sld [smem:$0x3F9F]  }
0x2d: {  	s3 =	simm.s32 $0x108;
	s8 =	sld [smem:$0x3FA0]  }
0x2e: {  	s3 =	simm.s32 @!p0 $0x1082;
	s9 =	sld [smem:$0x3FA1]  }
0x2f: {  	lr =	sadd.s32 s0, s3;
	s0 =	sld [smem:$0x3F98]  }
0x30: {  	s3 =	sld [smem:$0x3F9B]  }
0x31: {  	[smem:$0x3FA4] =	sst s10  }
0x32: {  	s10 =	sld [smem:$0x3FA2];
	_ =	sdelay $0x3  }
0x33: {  	p0 =	seq.s32 s10, $0x1;
	s10 =	sld [smem:$0x3FA4];
	_ =	sdelay $0x3  }
0x34: {  	[smem:$0x3FA4] =	sst s10  }
0x35: {  	s10 =	sld [smem:$0x3FA3];
	_ =	sdelay $0x3  }
0x36: {  	p1 =	seq.s32 s10, $0x1;
	s10 =	sld [smem:$0x3FA4];
	_ =	sdelay $0x3  }
0x37: {  	[smem:$0x3FA4] =	sst s10  }
0x38: {  	s10 =	sld [smem:$0x3FA5]  }
0x39: {  	_ = 	snop;
	(pc) =	sbr.ind lr, $3  }
0x3a: {  	_ = 	snop  }
0x3b: {  	_ = 	snop  }
0x3c: {  	p2 =	seq.s32 s10, $0x1;
	s10 =	sld [smem:$0x3FA4]  }
0x3d: {  	_ =	shalt  }
0x3e: {  	_ =	shalt  }
0x3f: {  	_ =	shalt  }
0x40: {  	_ =	shalt  }
0x41: {  	_ =	shalt  }
0x42: {  	_ =	shalt  }
0x43: {  	_ =	shalt  }
0x44: {  	_ =	shalt  }
0x45: {  	_ =	shalt  }
0x46: {  	_ =	shalt  }
0x47: {  	_ =	shalt  }
0x48: {  	_ =	shalt  }
0x49: {  	_ =	shalt  }
0x4a: {  	_ =	shalt  }
0x4b: {  	_ =	shalt  }
0x4c: {  	_ =	shalt  }
0x4d: {  	_ =	shalt  }
0x4e: {  	_ =	shalt  }
0x4f: {  	_ =	shalt  }
0x50: {  	_ =	shalt  }
0x51: {  	_ =	shalt  }
0x52: {  	_ =	shalt  }
0x53: {  	_ =	shalt  }
0x54: {  	_ =	shalt  }
0x55: {  	_ =	shalt  }
0x56: {  	_ =	shalt  }
0x57: {  	_ =	shalt  }
0x58: {  	_ =	shalt  }
0x59: {  	_ =	shalt  }
0x5a: {  	_ =	shalt  }
0x5b: {  	_ =	shalt  }
0x5c: {  	_ =	shalt  }
0x5d: {  	_ =	shalt  }
0x5e: {  	_ =	shalt  }
0x5f: {  	_ =	shalt  }
0x60: {  	_ =	shalt  }
0x61: {  	_ =	shalt  }
0x62: {  	_ =	shalt  }
0x63: {  	_ =	shalt  }
0x64: {  	_ =	shalt  }
0x65: {  	_ =	shalt  }
0x66: {  	_ =	shalt  }
0x67: {  	_ =	shalt  }
0x68: {  	_ =	shalt  }
0x69: {  	_ =	shalt  }
0x6a: {  	_ =	shalt  }
0x6b: {  	_ =	shalt  }
0x6c: {  	_ =	shalt  }
0x6d: {  	_ =	shalt  }
0x6e: {  	_ =	shalt  }
0x6f: {  	_ =	shalt  }
0x70: {  	_ =	shalt  }
0x71: {  	_ =	shalt  }
0x72: {  	_ =	shalt  }
0x73: {  	_ =	shalt  }
0x74: {  	_ =	shalt  }
0x75: {  	_ =	shalt  }
0x76: {  	_ =	shalt  }
0x77: {  	_ =	shalt  }
0x78: {  	_ =	shalt  }
0x79: {  	_ =	shalt  }
0x7a: {  	_ =	shalt  }
0x7b: {  	_ =	shalt  }
0x7c: {  	_ =	shalt  }
0x7d: {  	_ =	shalt  }
0x7e: {  	_ =	shalt  }
0x7f: {  	_ =	shalt  }
0x80: {  	_ =	shalt  }
0x81: {  	_ =	shalt  }
0x82: {  	_ =	shalt  }
0x83: {  	_ =	shalt  }
0x84: {  	_ =	shalt  }
0x85: {  	_ =	shalt  }
0x86: {  	_ =	shalt  }
0x87: {  	_ =	shalt  }
.Lfunc_end0:
.L_simem_size_0:
called_computation.2_lowered:
.L_overlay_start_0:
0x88: {  	s2 =	sld [smem:$0x3FD9]  }
0x89: {  	s3 =	sld [smem:$0x3FFE];
	_ =	sdelay $0x1  }
0x8a: {  	s1 =	srdreg.scid  }
0x8b: {  	s0 =	sand.u32 $0x1, s1  }
0x8c: {  	s17 =	sshll.u32 s0, $0xA;
	s2 =	sadd.s32 s3, s2  }
0x8d: {  	s2 =	sadd.s32 s2, s17  }
0x8e: {  	[smem:$0x3FB0] =	sst s2  }
0x8f: {  	_ = 	snop  }
0x90: {  	(tm) =	ssettm $0x1  }
0x91: {  	s18 =	sld [smem:$0x3FFB];
	_ =	sdelay $0x3  }
0x92: {  	_ =	strace s18  }
0x93: {  	s2 =	sld [smem:$0x3FFC];
	_ =	sdelay $0x3  }
0x94: {  	_ =	strace s2  }
0x95: {  	s2 =	sld [smem:$0x3FFD];
	_ =	sdelay $0x3  }
0x96: {  	_ =	strace s2  }
0x97: {  	_ =	strace $0x8FFFFFFF  }
0x98: {  	s19 =	sld [smem:$0x3FDB];
	_ =	sdelay $0x1  }
0x99: {  	s20 =	simm.s32 $_scs_section_size  }
0x9a: {  	s4 =	simm.s32 $_size__tile_overlayer_lowered;
	s5 =	simm.s32 $_tile_overlayer_lowered  }
0x9b: {  	s6 =	simm.s32 $0x1BFF;
	s21 =	sshll.u32 s5, $0x1;
	s3 =	sadd.s32 s20, s19  }
0x9c: {  	s22 =	simm.s32 $0x0;
	s4 =	sshll.u32 s4, $0x1;
	s5 =	sadd.s32 s21, s3  }
0x9d: {  	[timem:s22], [sflag:s6] =	dma.local [hbm:s5], s4  }
0x9e: {  	_ =	swait.ge [sflag:s6], s4  }
0x9f: {  	s4 =	ssub.s32 $0x0, s4;
	[sflag:s6] =	ssyncset.done $0x0  }
0xa0: {  	[sflag:s6] =	ssyncadd.s32 s4;
	_ =	sdelay $0x1  }
0xa1: {  	s23 =	simm.s32 $0x1B8B  }
0xa2: {  	_ =	swait.ge [sflag:s23], $0x1  }
0xa3: {  	[sflag:s23] =	ssyncset.done $0x0  }
0xa4: {  	[sflag:s23] =	ssyncadd.s32 $0xFFFFFFFF  }
0xa5: {  	s4 =	sld [smem:$0x0]  }
0xa6: {  	s5 =	sand.u32 $0xFFFFFFFE, s1  }
0xa7: {  	p0 =	sne.s32 s1, s5  }
0xa8: {  	s5 =	sshll.u32 @p0 s5, $0xE  }
0xa9: {  	s5 =	sadd.s32 @p0 $0x11B8D, s5;
	s6 =	sshll.u32 @p0 s4, $0x11  }
0xaa: {  	s5 =	sor.u32 @p0 s6, s5  }
0xab: {  	[sflag:s5] =	ssyncadd.remote.s32 @p0 $0x1;
	_ =	sdelay $0x1  }
0xac: {  	s5 =	simm.s32 @p0 $0x1B8D  }
0xad: {  	_ =	swait.eq @p0 [sflag:s5], $0x1  }
0xae: {  	[sflag:s5] =	ssyncadd.s32 @p0 $0xFFFFFFFF  }
0xaf: {  	s6 =	sshll.u32 @!p0 s1, $0xE  }
0xb0: {  	s6 =	sor.u32 @!p0 $0x4000, s6;
	s5 =	simm.s32 @!p0 $0x1B8D  }
0xb1: {  	s4 =	sshll.u32 @!p0 s4, $0x11;
	s6 =	sadd.s32 @!p0 $0x11B8D, s6;
	_ =	swait.eq @!p0 [sflag:s5], $0x1  }
0xb2: {  	s4 =	sor.u32 @!p0 s4, s6;
	[sflag:s5] =	ssyncadd.s32 @!p0 $0xFFFFFFFF  }
0xb3: {  	s25 =	simm.s32 $0x1B8E;
	s24 =	sld [smem:$0x3FFE];
	[sflag:s4] =	ssyncadd.remote.s32 @!p0 $0x1  }
0xb4: {  	s26 =	simm.s32 $execute0_lowered;
	[smem:$0x3FD2] =	sst s25  }
0xb5: {  	s5 =	sshll.u32 s26, $0x1;
	_ =	strace $0x8000004C;
	[dreg:$0x1] =	wrdreg $0xFFFFFFFF  }
0xb6: {  	s28 =	simm.s32 $_size_execute0_lowered;
	s3 =	sadd.s32 s3, s5;
	[dreg:$0x0] =	wrdreg $0x0  }
0xb7: {  	s5 =	sshll.u32 s28, $0x1;
	[dreg:$0x2] =	wrdreg s3  }
0xb8: {  	[dreg:$0x3] =	wrdreg s5  }
0xb9: {  	[dreg:$0x4] =	wrdreg $0xC0  }
0xba: {  	_ =	task [dreg:s22], $0x5FFFF  }
0xbb: {  	[dreg:$0x1] =	wrdreg $0xFFFFFFFF  }
0xbc: {  	[dreg:$0x0] =	wrdreg $0x60  }
0xbd: {  	[dreg:$0x2] =	wrdreg s24  }
0xbe: {  	[dreg:$0x3] =	wrdreg $0xA  }
0xbf: {  	_ =	task.clear_ibuf [dreg:s22], $0x4FFFF;
	_ =	strace $0x9000004C  }
0xc0: {  	s29 =	simm.s32 $0xA;
	_ =	strace $0x8000004E  }
0xc1: {  	_ =	swait.ge [sflag:s29], $0x1  }
0xc2: {  	[sflag:s29] =	ssyncadd.s32 $0xFFFFFFFF  }
0xc3: {  	_ =	strace $0x9000004E  }
0xc4: {  	_ =	sfence  }
0xc5: {  	s30 =	sld [smem:$0x0];
	_ =	sdelay $0x2  }
0xc6: {  	s31 =	sshll.u32 s1, $0xD;
	s1 =	sshrl.u32 s1, $0x2  }
0xc7: {  	s4 =	sand.u32 $0x4000, s31;
	s1 =	sadd.s32 s1, s30  }
0xc8: {  	s0 =	sor.u32 s4, s0;
	s1 =	sshll.u32 s1, $0x11  }
0xc9: {  	s0 =	sor.u32 s1, s0  }
0xca: {  	s0 =	sadd.s32 $0x8F2B, s0  }
0xcb: {  	[sflag:s0] =	ssyncadd.remote.s32 $0x1  }
0xcc: {  	_ =	sfence.sel $0xFFFF  }
0xcd: {  	[dreg:$0x0] =	wrdreg $0xFFFFFFFF;
	(pc) =	sbr.abs _section_cstart, $3  }
0xce: {  	[dreg:$0x1] =	wrdreg $0xFFFFFFFF  }
0xcf: {  	_ =	task.clear_ibuf [dreg:s22], $0x2FFFF;
	_ =	strace $0x9FFFFFFF  }
0xd0: {  	(tm) =	ssettm $0x7FFFFFFF  }
0xd1: {  	_ =	shalt  }
tec
execute0_lowered:
.L_overlay_start_1:
0x0: {  	(tag) =	ssettag $0x1  }
0x1: {  	s4 =	rddreg [dreg:$0x0]  }
0x2: {  	s0 =	rddreg [dreg:$0x1];
	s2 =	simm.s32 $0x0;
	s1 =	stileid.u32  }
0x3: {  	s3 =	srdreg.scid;
	s10 =	simm.s32 $0x0;
	s6 =	smul.u32 $0x1400, s1  }
0x4: {  	[smem:$0x7FF] =	sst s2;
	s5 =	sand.u32 $0x1, s3;
	s8 =	smul.u32 $0x14000, s1  }
0x5: {  	s3 =	sadd.s32 $0x7C00, s4;
	s7 =	smul.u32 $0xA00, s5;
	s9 =	ssub.s32 $0x2, s5  }
0x6: {  	_ =	strace $0x8000004D;
	s5 =	smul.u32 $0xA000, s5;
	s31 =	sshrl.u32 s9, $0x1  }
0x7: {  	s8 =	sadd.s32 s8, s4;
	s6 =	sadd.s32 s7, s6;
	s7 =	ssub.s32 s9, s31  }
0x8: {  	s5 =	sadd.s32 s5, s8;
	s8 =	simm.s32 $0x80;
	s6 =	sshrl.u32 s6, $0x3  }
0x9: {  	s9 =	simm.s32 $0x1;
	s5 =	sadd.s32 $0x2A400, s5;
	s6 =	sadd.s32 s6, s4  }
0xa: {  	s4 =	smax.u32 s7, $0x1;
	s7 =	simm.s32 $0x2;
	s6 =	sadd.s32 $0x27C00, s6  }
.LBB2_1:
0xb: {  	s11 =	sadd.s32 $0x0, s6  }
0xc: {  	[tilespmem:s2], [sflag:$0x2] =	stream.linear.gather [hbm4b:s11+s2], $0x80, $0x38;
	[tilespmem:$0x4080] =	vst v63  }
0xd: {  	_ =	swait.ge [sflag:s7], $0x80  }
0xe: {  	[sflag:s7] =	ssyncset.done $0x0  }
0xf: {  	[sflag:s7] =	ssyncadd.s32 $0xFFFFFF80  }
0x10: {  	[tilespmem:s8], [sflag:$0x1] =	stream.indirect.gather [hbm4b:s3+s8], $0x80, s2, s8, $0xb8;
	[tilespmem:$0x4080] =	vst v63  }
0x11: {  	_ =	swait.ge [sflag:s9], $0x4000  }
0x12: {  	[sflag:s9] =	ssyncset.done $0x0  }
0x13: {  	[sflag:s9] =	ssyncadd.s32 $0xFFFFC000  }
0x14: {  	[hbm4b:s5+s2] =	stream.linear.scatter [tilespmem:s8], [sflag:$0x2], $0x4000, $0x38;
	[tilespmem:$0x4080] =	vst v63  }
0x15: {  	s12 =	simm.s32 $0x10;
	_ =	swait.ge [sflag:s7], $0x4000  }
0x16: {  	s13 =	simm.s32 $0x20;
	s11 =	sadd.s32 $0x800, s5;
	[sflag:s7] =	ssyncset.done $0x0  }
.LBB2_2:
0x17: {  	s14 =	sadd.s32 s12, s6  }
0x18: {  	[sflag:s7] =	ssyncadd.s32 $0xFFFFC000;
	s12 =	smov.u32 s13;
	s15 =	sadd.s32 $0x10, s13  }
0x19: {  	[tilespmem:s2], [sflag:$0x2] =	stream.linear.gather [hbm4b:s14+s2], $0x80, $0x38;
	[tilespmem:$0x4080] =	vst v63  }
0x1a: {  	p0 =	sne.s32 s13, $0x130;
	_ =	swait.ge [sflag:s7], $0x80  }
0x1b: {  	[sflag:s7] =	ssyncset.done $0x0  }
0x1c: {  	[sflag:s7] =	ssyncadd.s32 $0xFFFFFF80  }
0x1d: {  	[tilespmem:s8], [sflag:$0x1] =	stream.indirect.gather [hbm4b:s3+s8], $0x80, s2, s8, $0xb8;
	[tilespmem:$0x4080] =	vst v63  }
0x1e: {  	_ =	swait.ge [sflag:s9], $0x4000  }
.Ltmp0:
0x1f: {  	[sflag:s9] =	ssyncset.done $0x0;
	(pc) =	sbr.rel @p0 .LBB2_2-.Ltmp0, $4  }
0x20: {  	[sflag:s9] =	ssyncadd.s32 $0xFFFFC000  }
0x21: {  	[hbm4b:s11+s2] =	stream.linear.scatter [tilespmem:s8], [sflag:$0x2], $0x4000, $0x38;
	[tilespmem:$0x4080] =	vst v63  }
0x22: {  	_ =	swait.ge [sflag:s7], $0x4000  }
0x23: {  	s13 =	smov.u32 s15;
	s11 =	sadd.s32 $0x800, s11;
	[sflag:s7] =	ssyncset.done $0x0  }
0x24: {  	s12 =	sadd.s32 s12, s6;
	[sflag:s7] =	ssyncadd.s32 $0xFFFFC000  }
0x25: {  	[tilespmem:s2], [sflag:$0x2] =	stream.linear.gather [hbm4b:s12+s2], $0x80, $0x38;
	[tilespmem:$0x4080] =	vst v63  }
0x26: {  	_ =	swait.ge [sflag:s7], $0x80  }
0x27: {  	[sflag:s7] =	ssyncset.done $0x0  }
0x28: {  	[sflag:s7] =	ssyncadd.s32 $0xFFFFFF80  }
0x29: {  	[tilespmem:s8], [sflag:$0x1] =	stream.indirect.gather [hbm4b:s3+s8], $0x80, s2, s8, $0xb8;
	[tilespmem:$0x4080] =	vst v63  }
0x2a: {  	s10 =	sadd.s32 $0x1, s10;
	_ =	swait.ge [sflag:s9], $0x4000  }
0x2b: {  	p0 =	sne.s32 s10, s4;
	[sflag:s9] =	ssyncset.done $0x0  }
.Ltmp1:
0x2c: {  	[sflag:s9] =	ssyncadd.s32 $0xFFFFC000;
	(pc) =	sbr.rel @p0 .LBB2_1-.Ltmp1, $4  }
0x2d: {  	[hbm4b:s11+s2] =	stream.linear.scatter [tilespmem:s8], [sflag:$0x2], $0x4000, $0x38;
	[tilespmem:$0x4080] =	vst v63  }
0x2e: {  	_ =	swait.ge [sflag:s7], $0x4000  }
0x2f: {  	[sflag:s7] =	ssyncset.done $0x0  }
0x30: {  	[sflag:s7] =	ssyncadd.s32 $0xFFFFC000  }
0x31: {  	_ =	sfence.sel $0x180000  }
0x32: {  	[bflag:$0x0] =	sbarrier.arrive $0xFFFF  }
0x33: {  	p0 =	sne.s32 s1, $0x0;
	_ =	strace $0x9000004D  }
0x34: {  	s0 =	sadd.s32 @!p0 $0x100000, s0;
	[bflag:$0x2] =	sbarrier.arrive $0xFFFF  }
0x35: {  	[sflag:s0] =	ssyncadd.tile.s32 @!p0 $0x1;
	_ =	shalt  }
.Lfunc_end2:
_tile_overlayer_lowered:
.L_overlay_start_2:
0x36: {  	(tag) =	ssettag $0x2  }
0x37: {  	s0 =	rddreg [dreg:$0x0];
	s2 =	stileid.u32  }
0x38: {  	s1 =	rddreg [dreg:$0x1];
	p0 =	sne.s32 s2, $0x0  }
0x39: {  	s3 =	rddreg [dreg:$0x2];
	[bflag:$0x3] =	sbarrier.arrive $0xFFFF;
	s2 =	simm.s32 @!p0 $0x1C02  }
0x3a: {  	[timem:s3], [sflag:s2] =	dma.local @!p0 [hbm:s0], s1  }
0x3b: {  	s0 =	simm.s32 @!p0 $0x2  }
0x3c: {  	_ =	swait.ge @!p0 [sflag:s0], s1  }
0x3d: {  	s1 =	ssub.s32 @!p0 $0x0, s1;
	[sflag:s0] =	ssyncset.done @!p0 $0x0  }
0x3e: {  	[sflag:s0] =	ssyncadd.s32 @!p0 s1  }
0x3f: {  	[bflag:$0x3] =	sbarrier.arrive $0xFFFF  }
0x40: {  	_ =	shalt  }

// kernel: kernel.38.cloned.1.call-start
scs
__scs_entry_jumppad:
0x0: {  	(pc) =	sbr.rel $0x88, $3  }
0x1: {  	(tag) =	ssettag $0x0;
	lr =	simm.s32 $0x1  }
0x2: {  	[smem:$0x3F89] =	sst lr;
	_ =	strace $0xD0000000  }
0x3: {  	_ = 	snop  }
0x4: {  	_ = 	snop  }
0x5: {  	_ = 	snop  }
0x6: {  	_ = 	snop  }
0x7: {  	_ = 	snop  }
__scs_overlays_trampoline_lowered:
0x8: {  	[smem:$0x3F98] =	sst s0  }
0x9: {  	[smem:$0x3F99] =	sst s1  }
0xa: {  	[smem:$0x3F9A] =	sst s2  }
0xb: {  	[smem:$0x3F9B] =	sst s3  }
0xc: {  	[smem:$0x3F9C] =	sst s4  }
0xd: {  	[smem:$0x3F9D] =	sst s5  }
0xe: {  	[smem:$0x3F9E] =	sst s6  }
0xf: {  	[smem:$0x3F9F] =	sst s7  }
0x10: {  	[smem:$0x3FA0] =	sst s8  }
0x11: {  	[smem:$0x3FA1] =	sst s9;
	s0 =	simm.s32 @!p0 $0x0  }
0x12: {  	s1 =	sld [smem:$0x3F87];
	s0 =	simm.s32 @p0 $0x1  }
0x13: {  	[smem:$0x3FA2] =	sst s0;
	s0 =	simm.s32 @!p1 $0x0  }
0x14: {  	s2 =	sld [smem:$0x3F86];
	s0 =	simm.s32 @p1 $0x1  }
0x15: {  	[smem:$0x3FA3] =	sst s0;
	s0 =	simm.s32 @!p2 $0x0  }
0x16: {  	s3 =	sld [smem:$0x3FDB];
	s0 =	simm.s32 @p2 $0x1  }
0x17: {  	s4 =	simm.s32 $0x1BF5;
	[smem:$0x3FA5] =	sst s0  }
0x18: {  	s0 =	sld [smem:$0x3F88];
	_ =	swait.ge [sflag:s4], $0x0  }
0x19: {  	s7 =	sld [smem:$0x3F89]  }
0x1a: {  	s8 =	sadd.s32 $0xFFFFE003, lr  }
0x1b: {  	s9 =	sadd.s32 $0xFFFFFEF7, lr;
	s5 =	simm.s32 $0xFFFFFFFF;
	p2 =	slt.u32 s8, $0xFFFFF086  }
0x1c: {  	p1 =	slt.u32 s9, $0xF7A;
	s5 =	simm.s32 @!p2 $0x0  }
0x1d: {  	s5 =	simm.s32 @p1 $0x1;
	p0 =	seq.s32 s7, s2  }
0x1e: {  	s7 =	smul.u32 @!p0 $0xF7A, s2;
	p2 =	seq.s32 @!p0 s5, $0x0  }
0x1f: {  	s9 =	smul.u32 $0xF7A, s1;
	s8 =	simm.s32 @!p0 $0x1BF5;
	p2 =	por !p2, p0  }
0x20: {  	[sflag:s8] =	ssyncset.s32 @!p0 $0xFFFFF086;
	s6 =	sadd.s32 @!p0 s3, s7;
	s7 =	simm.s32 @!p0 $0x108  }
0x21: {  	s3 =	sadd.s32 s3, s9;
	s6 =	sadd.s32 @!p0 $0x88, s6;
	s7 =	simm.s32 @p2 $0x1082  }
0x22: {  	[simem:s7], [sflag:s8] =	dma.local @!p0 [hbm:s6], $0xF7A  }
0x23: {  	s9 =	sor.u32 $0xD0000000, s2;
	s6 =	simm.s32 $0x108;
	_ =	swait.ge @!p0 [sflag:s8], $0x0  }
0x24: {  	s3 =	sadd.s32 $0x88, s3;
	s6 =	simm.s32 @!p1 $0x1082;
	[sflag:s4] =	ssyncset.s32 $0xFFFFF086  }
0x25: {  	[simem:s6], [sflag:s4] =	dma.local [hbm:s3], $0xF7A  }
0x26: {  	[smem:$0x3F89] =	sst s1;
	(tag) =	ssettag s2;
	_ =	strace s9  }
0x27: {  	s1 =	sld [smem:$0x3F99]  }
0x28: {  	s2 =	sld [smem:$0x3F9A]  }
0x29: {  	s4 =	sld [smem:$0x3F9C]  }
0x2a: {  	p0 =	seq.s32 s5, $0x0;
	s5 =	sld [smem:$0x3F9D]  }
0x2b: {  	s6 =	sld [smem:$0x3F9E]  }
0x2c: {  	s7 =	sld [smem:$0x3F9F]  }
0x2d: {  	s3 =	simm.s32 $0x108;
	s8 =	sld [smem:$0x3FA0]  }
0x2e: {  	s3 =	simm.s32 @!p0 $0x1082;
	s9 =	sld [smem:$0x3FA1]  }
0x2f: {  	lr =	sadd.s32 s0, s3;
	s0 =	sld [smem:$0x3F98]  }
0x30: {  	s3 =	sld [smem:$0x3F9B]  }
0x31: {  	[smem:$0x3FA4] =	sst s10  }
0x32: {  	s10 =	sld [smem:$0x3FA2];
	_ =	sdelay $0x3  }
0x33: {  	p0 =	seq.s32 s10, $0x1;
	s10 =	sld [smem:$0x3FA4];
	_ =	sdelay $0x3  }
0x34: {  	[smem:$0x3FA4] =	sst s10  }
0x35: {  	s10 =	sld [smem:$0x3FA3];
	_ =	sdelay $0x3  }
0x36: {  	p1 =	seq.s32 s10, $0x1;
	s10 =	sld [smem:$0x3FA4];
	_ =	sdelay $0x3  }
0x37: {  	[smem:$0x3FA4] =	sst s10  }
0x38: {  	s10 =	sld [smem:$0x3FA5]  }
0x39: {  	_ = 	snop;
	(pc) =	sbr.ind lr, $3  }
0x3a: {  	_ = 	snop  }
0x3b: {  	_ = 	snop  }
0x3c: {  	p2 =	seq.s32 s10, $0x1;
	s10 =	sld [smem:$0x3FA4]  }
0x3d: {  	_ =	shalt  }
0x3e: {  	_ =	shalt  }
0x3f: {  	_ =	shalt  }
0x40: {  	_ =	shalt  }
0x41: {  	_ =	shalt  }
0x42: {  	_ =	shalt  }
0x43: {  	_ =	shalt  }
0x44: {  	_ =	shalt  }
0x45: {  	_ =	shalt  }
0x46: {  	_ =	shalt  }
0x47: {  	_ =	shalt  }
0x48: {  	_ =	shalt  }
0x49: {  	_ =	shalt  }
0x4a: {  	_ =	shalt  }
0x4b: {  	_ =	shalt  }
0x4c: {  	_ =	shalt  }
0x4d: {  	_ =	shalt  }
0x4e: {  	_ =	shalt  }
0x4f: {  	_ =	shalt  }
0x50: {  	_ =	shalt  }
0x51: {  	_ =	shalt  }
0x52: {  	_ =	shalt  }
0x53: {  	_ =	shalt  }
0x54: {  	_ =	shalt  }
0x55: {  	_ =	shalt  }
0x56: {  	_ =	shalt  }
0x57: {  	_ =	shalt  }
0x58: {  	_ =	shalt  }
0x59: {  	_ =	shalt  }
0x5a: {  	_ =	shalt  }
0x5b: {  	_ =	shalt  }
0x5c: {  	_ =	shalt  }
0x5d: {  	_ =	shalt  }
0x5e: {  	_ =	shalt  }
0x5f: {  	_ =	shalt  }
0x60: {  	_ =	shalt  }
0x61: {  	_ =	shalt  }
0x62: {  	_ =	shalt  }
0x63: {  	_ =	shalt  }
0x64: {  	_ =	shalt  }
0x65: {  	_ =	shalt  }
0x66: {  	_ =	shalt  }
0x67: {  	_ =	shalt  }
0x68: {  	_ =	shalt  }
0x69: {  	_ =	shalt  }
0x6a: {  	_ =	shalt  }
0x6b: {  	_ =	shalt  }
0x6c: {  	_ =	shalt  }
0x6d: {  	_ =	shalt  }
0x6e: {  	_ =	shalt  }
0x6f: {  	_ =	shalt  }
0x70: {  	_ =	shalt  }
0x71: {  	_ =	shalt  }
0x72: {  	_ =	shalt  }
0x73: {  	_ =	shalt  }
0x74: {  	_ =	shalt  }
0x75: {  	_ =	shalt  }
0x76: {  	_ =	shalt  }
0x77: {  	_ =	shalt  }
0x78: {  	_ =	shalt  }
0x79: {  	_ =	shalt  }
0x7a: {  	_ =	shalt  }
0x7b: {  	_ =	shalt  }
0x7c: {  	_ =	shalt  }
0x7d: {  	_ =	shalt  }
0x7e: {  	_ =	shalt  }
0x7f: {  	_ =	shalt  }
0x80: {  	_ =	shalt  }
0x81: {  	_ =	shalt  }
0x82: {  	_ =	shalt  }
0x83: {  	_ =	shalt  }
0x84: {  	_ =	shalt  }
0x85: {  	_ =	shalt  }
0x86: {  	_ =	shalt  }
0x87: {  	_ =	shalt  }
.Lfunc_end0:
.L_simem_size_0:
called_computation.3_lowered:
.L_overlay_start_0:
0x88: {  	s2 =	sld [smem:$0x3FD9]  }
0x89: {  	s3 =	sld [smem:$0x3FFE];
	_ =	sdelay $0x1  }
0x8a: {  	s1 =	srdreg.scid  }
0x8b: {  	s0 =	sand.u32 $0x1, s1  }
0x8c: {  	s17 =	sshll.u32 s0, $0xA;
	s2 =	sadd.s32 s3, s2  }
0x8d: {  	s2 =	sadd.s32 s2, s17  }
0x8e: {  	[smem:$0x3FB0] =	sst s2  }
0x8f: {  	_ = 	snop  }
0x90: {  	(tm) =	ssettm $0x1  }
0x91: {  	s18 =	sld [smem:$0x3FFB];
	_ =	sdelay $0x3  }
0x92: {  	_ =	strace s18  }
0x93: {  	s2 =	sld [smem:$0x3FFC];
	_ =	sdelay $0x3  }
0x94: {  	_ =	strace s2  }
0x95: {  	s2 =	sld [smem:$0x3FFD];
	_ =	sdelay $0x3  }
0x96: {  	_ =	strace s2  }
0x97: {  	_ =	strace $0x8FFFFFFF  }
0x98: {  	s19 =	sld [smem:$0x3FDB];
	_ =	sdelay $0x1  }
0x99: {  	s20 =	simm.s32 $_scs_section_size  }
0x9a: {  	s4 =	simm.s32 $_size__tile_overlayer_lowered;
	s5 =	simm.s32 $_tile_overlayer_lowered  }
0x9b: {  	s6 =	simm.s32 $0x1BFF;
	s21 =	sshll.u32 s5, $0x1;
	s3 =	sadd.s32 s20, s19  }
0x9c: {  	s22 =	simm.s32 $0x0;
	s4 =	sshll.u32 s4, $0x1;
	s5 =	sadd.s32 s21, s3  }
0x9d: {  	[timem:s22], [sflag:s6] =	dma.local [hbm:s5], s4  }
0x9e: {  	_ =	swait.ge [sflag:s6], s4  }
0x9f: {  	s4 =	ssub.s32 $0x0, s4;
	[sflag:s6] =	ssyncset.done $0x0  }
0xa0: {  	[sflag:s6] =	ssyncadd.s32 s4;
	_ =	sdelay $0x1  }
0xa1: {  	s23 =	simm.s32 $0x1B8B  }
0xa2: {  	_ =	swait.ge [sflag:s23], $0x1  }
0xa3: {  	[sflag:s23] =	ssyncset.done $0x0  }
0xa4: {  	[sflag:s23] =	ssyncadd.s32 $0xFFFFFFFF  }
0xa5: {  	s4 =	sld [smem:$0x0]  }
0xa6: {  	s5 =	sand.u32 $0xFFFFFFFE, s1  }
0xa7: {  	p0 =	sne.s32 s1, s5  }
0xa8: {  	s5 =	sshll.u32 @p0 s5, $0xE  }
0xa9: {  	s5 =	sadd.s32 @p0 $0x11B8D, s5;
	s6 =	sshll.u32 @p0 s4, $0x11  }
0xaa: {  	s5 =	sor.u32 @p0 s6, s5  }
0xab: {  	[sflag:s5] =	ssyncadd.remote.s32 @p0 $0x1;
	_ =	sdelay $0x1  }
0xac: {  	s5 =	simm.s32 @p0 $0x1B8D  }
0xad: {  	_ =	swait.eq @p0 [sflag:s5], $0x1  }
0xae: {  	[sflag:s5] =	ssyncadd.s32 @p0 $0xFFFFFFFF  }
0xaf: {  	s6 =	sshll.u32 @!p0 s1, $0xE  }
0xb0: {  	s6 =	sor.u32 @!p0 $0x4000, s6;
	s5 =	simm.s32 @!p0 $0x1B8D  }
0xb1: {  	s4 =	sshll.u32 @!p0 s4, $0x11;
	s6 =	sadd.s32 @!p0 $0x11B8D, s6;
	_ =	swait.eq @!p0 [sflag:s5], $0x1  }
0xb2: {  	s4 =	sor.u32 @!p0 s4, s6;
	[sflag:s5] =	ssyncadd.s32 @!p0 $0xFFFFFFFF  }
0xb3: {  	s25 =	simm.s32 $0x1B8E;
	s24 =	sld [smem:$0x3FFE];
	[sflag:s4] =	ssyncadd.remote.s32 @!p0 $0x1  }
0xb4: {  	s26 =	simm.s32 $execute0_lowered;
	[smem:$0x3FD2] =	sst s25  }
0xb5: {  	s5 =	sshll.u32 s26, $0x1;
	_ =	strace $0x8000004F;
	[dreg:$0x1] =	wrdreg $0xFFFFFFFF  }
0xb6: {  	s28 =	simm.s32 $_size_execute0_lowered;
	s3 =	sadd.s32 s3, s5;
	[dreg:$0x0] =	wrdreg $0x0  }
0xb7: {  	s5 =	sshll.u32 s28, $0x1;
	[dreg:$0x2] =	wrdreg s3  }
0xb8: {  	[dreg:$0x3] =	wrdreg s5  }
0xb9: {  	[dreg:$0x4] =	wrdreg $0xC0  }
0xba: {  	_ =	task [dreg:s22], $0x5FFFF  }
0xbb: {  	[dreg:$0x1] =	wrdreg $0xFFFFFFFF  }
0xbc: {  	[dreg:$0x0] =	wrdreg $0x60  }
0xbd: {  	[dreg:$0x2] =	wrdreg s24  }
0xbe: {  	[dreg:$0x3] =	wrdreg $0x9  }
0xbf: {  	_ =	task.clear_ibuf [dreg:s22], $0x4FFFF;
	_ =	strace $0x9000004F  }
0xc0: {  	s29 =	simm.s32 $0x9;
	_ =	strace $0x80000051  }
0xc1: {  	_ =	swait.ge [sflag:s29], $0x1  }
0xc2: {  	[sflag:s29] =	ssyncadd.s32 $0xFFFFFFFF  }
0xc3: {  	_ =	strace $0x90000051  }
0xc4: {  	_ =	sfence  }
0xc5: {  	s30 =	sld [smem:$0x0];
	_ =	sdelay $0x2  }
0xc6: {  	s31 =	sshll.u32 s1, $0xD;
	s1 =	sshrl.u32 s1, $0x2  }
0xc7: {  	s4 =	sand.u32 $0x4000, s31;
	s1 =	sadd.s32 s1, s30  }
0xc8: {  	s0 =	sor.u32 s4, s0;
	s1 =	sshll.u32 s1, $0x11  }
0xc9: {  	s0 =	sor.u32 s1, s0  }
0xca: {  	s0 =	sadd.s32 $0x8F2B, s0  }
0xcb: {  	[sflag:s0] =	ssyncadd.remote.s32 $0x1  }
0xcc: {  	_ =	sfence.sel $0xFFFF  }
0xcd: {  	[dreg:$0x0] =	wrdreg $0xFFFFFFFF;
	(pc) =	sbr.abs _section_cstart, $3  }
0xce: {  	[dreg:$0x1] =	wrdreg $0xFFFFFFFF  }
0xcf: {  	_ =	task.clear_ibuf [dreg:s22], $0x2FFFF;
	_ =	strace $0x9FFFFFFF  }
0xd0: {  	(tm) =	ssettm $0x7FFFFFFF  }
0xd1: {  	_ =	shalt  }
tec
execute0_lowered:
.L_overlay_start_1:
0x0: {  	(tag) =	ssettag $0x1  }
0x1: {  	s4 =	rddreg [dreg:$0x0]  }
0x2: {  	s0 =	rddreg [dreg:$0x1];
	s2 =	simm.s32 $0x0;
	s1 =	stileid.u32  }
0x3: {  	s3 =	srdreg.scid;
	s10 =	simm.s32 $0x0;
	s6 =	smul.u32 $0x1400, s1  }
0x4: {  	[smem:$0x7FF] =	sst s2;
	s5 =	sand.u32 $0x1, s3;
	s8 =	smul.u32 $0x14000, s1  }
0x5: {  	s3 =	sadd.s32 $0x17C00, s4;
	s7 =	smul.u32 $0xA00, s5;
	s9 =	ssub.s32 $0x2, s5  }
0x6: {  	_ =	strace $0x80000050;
	s5 =	smul.u32 $0xA000, s5;
	s31 =	sshrl.u32 s9, $0x1  }
0x7: {  	s8 =	sadd.s32 s8, s4;
	s6 =	sadd.s32 s7, s6;
	s7 =	ssub.s32 s9, s31  }
0x8: {  	s5 =	sadd.s32 s5, s8;
	s8 =	simm.s32 $0x80;
	s6 =	sshrl.u32 s6, $0x3  }
0x9: {  	s9 =	simm.s32 $0x1;
	s5 =	sadd.s32 $0x16CC00, s5;
	s6 =	sadd.s32 s6, s4  }
0xa: {  	s4 =	smax.u32 s7, $0x1;
	s7 =	simm.s32 $0x2;
	s6 =	sadd.s32 $0x16A400, s6  }
.LBB2_1:
0xb: {  	s11 =	sadd.s32 $0x0, s6  }
0xc: {  	[tilespmem:s2], [sflag:$0x2] =	stream.linear.gather [hbm4b:s11+s2], $0x80, $0x38;
	[tilespmem:$0x4080] =	vst v63  }
0xd: {  	_ =	swait.ge [sflag:s7], $0x80  }
0xe: {  	[sflag:s7] =	ssyncset.done $0x0  }
0xf: {  	[sflag:s7] =	ssyncadd.s32 $0xFFFFFF80  }
0x10: {  	[tilespmem:s8], [sflag:$0x1] =	stream.indirect.gather [hbm4b:s3+s8], $0x80, s2, s8, $0xb8;
	[tilespmem:$0x4080] =	vst v63  }
0x11: {  	_ =	swait.ge [sflag:s9], $0x4000  }
0x12: {  	[sflag:s9] =	ssyncset.done $0x0  }
0x13: {  	[sflag:s9] =	ssyncadd.s32 $0xFFFFC000  }
0x14: {  	[hbm4b:s5+s2] =	stream.linear.scatter [tilespmem:s8], [sflag:$0x2], $0x4000, $0x38;
	[tilespmem:$0x4080] =	vst v63  }
0x15: {  	s12 =	simm.s32 $0x10;
	_ =	swait.ge [sflag:s7], $0x4000  }
0x16: {  	s13 =	simm.s32 $0x20;
	s11 =	sadd.s32 $0x800, s5;
	[sflag:s7] =	ssyncset.done $0x0  }
.LBB2_2:
0x17: {  	s14 =	sadd.s32 s12, s6  }
0x18: {  	[sflag:s7] =	ssyncadd.s32 $0xFFFFC000;
	s12 =	smov.u32 s13;
	s15 =	sadd.s32 $0x10, s13  }
0x19: {  	[tilespmem:s2], [sflag:$0x2] =	stream.linear.gather [hbm4b:s14+s2], $0x80, $0x38;
	[tilespmem:$0x4080] =	vst v63  }
0x1a: {  	p0 =	sne.s32 s13, $0x130;
	_ =	swait.ge [sflag:s7], $0x80  }
0x1b: {  	[sflag:s7] =	ssyncset.done $0x0  }
0x1c: {  	[sflag:s7] =	ssyncadd.s32 $0xFFFFFF80  }
0x1d: {  	[tilespmem:s8], [sflag:$0x1] =	stream.indirect.gather [hbm4b:s3+s8], $0x80, s2, s8, $0xb8;
	[tilespmem:$0x4080] =	vst v63  }
0x1e: {  	_ =	swait.ge [sflag:s9], $0x4000  }
.Ltmp0:
0x1f: {  	[sflag:s9] =	ssyncset.done $0x0;
	(pc) =	sbr.rel @p0 .LBB2_2-.Ltmp0, $4  }
0x20: {  	[sflag:s9] =	ssyncadd.s32 $0xFFFFC000  }
0x21: {  	[hbm4b:s11+s2] =	stream.linear.scatter [tilespmem:s8], [sflag:$0x2], $0x4000, $0x38;
	[tilespmem:$0x4080] =	vst v63  }
0x22: {  	_ =	swait.ge [sflag:s7], $0x4000  }
0x23: {  	s13 =	smov.u32 s15;
	s11 =	sadd.s32 $0x800, s11;
	[sflag:s7] =	ssyncset.done $0x0  }
0x24: {  	s12 =	sadd.s32 s12, s6;
	[sflag:s7] =	ssyncadd.s32 $0xFFFFC000  }
0x25: {  	[tilespmem:s2], [sflag:$0x2] =	stream.linear.gather [hbm4b:s12+s2], $0x80, $0x38;
	[tilespmem:$0x4080] =	vst v63  }
0x26: {  	_ =	swait.ge [sflag:s7], $0x80  }
0x27: {  	[sflag:s7] =	ssyncset.done $0x0  }
0x28: {  	[sflag:s7] =	ssyncadd.s32 $0xFFFFFF80  }
0x29: {  	[tilespmem:s8], [sflag:$0x1] =	stream.indirect.gather [hbm4b:s3+s8], $0x80, s2, s8, $0xb8;
	[tilespmem:$0x4080] =	vst v63  }
0x2a: {  	s10 =	sadd.s32 $0x1, s10;
	_ =	swait.ge [sflag:s9], $0x4000  }
0x2b: {  	p0 =	sne.s32 s10, s4;
	[sflag:s9] =	ssyncset.done $0x0  }
.Ltmp1:
0x2c: {  	[sflag:s9] =	ssyncadd.s32 $0xFFFFC000;
	(pc) =	sbr.rel @p0 .LBB2_1-.Ltmp1, $4  }
0x2d: {  	[hbm4b:s11+s2] =	stream.linear.scatter [tilespmem:s8], [sflag:$0x2], $0x4000, $0x38;
	[tilespmem:$0x4080] =	vst v63  }
0x2e: {  	_ =	swait.ge [sflag:s7], $0x4000  }
0x2f: {  	[sflag:s7] =	ssyncset.done $0x0  }
0x30: {  	[sflag:s7] =	ssyncadd.s32 $0xFFFFC000  }
0x31: {  	_ =	sfence.sel $0x180000  }
0x32: {  	[bflag:$0x0] =	sbarrier.arrive $0xFFFF  }
0x33: {  	p0 =	sne.s32 s1, $0x0;
	_ =	strace $0x90000050  }
0x34: {  	s0 =	sadd.s32 @!p0 $0x100000, s0;
	[bflag:$0x2] =	sbarrier.arrive $0xFFFF  }
0x35: {  	[sflag:s0] =	ssyncadd.tile.s32 @!p0 $0x1;
	_ =	shalt  }
.Lfunc_end2:
_tile_overlayer_lowered:
.L_overlay_start_2:
0x36: {  	(tag) =	ssettag $0x2  }
0x37: {  	s0 =	rddreg [dreg:$0x0];
	s2 =	stileid.u32  }
0x38: {  	s1 =	rddreg [dreg:$0x1];
	p0 =	sne.s32 s2, $0x0  }
0x39: {  	s3 =	rddreg [dreg:$0x2];
	[bflag:$0x3] =	sbarrier.arrive $0xFFFF;
	s2 =	simm.s32 @!p0 $0x1C02  }
0x3a: {  	[timem:s3], [sflag:s2] =	dma.local @!p0 [hbm:s0], s1  }
0x3b: {  	s0 =	simm.s32 @!p0 $0x2  }
0x3c: {  	_ =	swait.ge @!p0 [sflag:s0], s1  }
0x3d: {  	s1 =	ssub.s32 @!p0 $0x0, s1;
	[sflag:s0] =	ssyncset.done @!p0 $0x0  }
0x3e: {  	[sflag:s0] =	ssyncadd.s32 @!p0 s1  }
0x3f: {  	[bflag:$0x3] =	sbarrier.arrive $0xFFFF  }
0x40: {  	_ =	shalt  }

// kernel: kernel.41.cloned.1.call-start
scs
__scs_entry_jumppad:
0x0: {  	(pc) =	sbr.rel $0x88, $3  }
0x1: {  	(tag) =	ssettag $0x0;
	lr =	simm.s32 $0x1  }
0x2: {  	[smem:$0x3F89] =	sst lr;
	_ =	strace $0xD0000000  }
0x3: {  	_ = 	snop  }
0x4: {  	_ = 	snop  }
0x5: {  	_ = 	snop  }
0x6: {  	_ = 	snop  }
0x7: {  	_ = 	snop  }
__scs_overlays_trampoline_lowered:
0x8: {  	[smem:$0x3F98] =	sst s0  }
0x9: {  	[smem:$0x3F99] =	sst s1  }
0xa: {  	[smem:$0x3F9A] =	sst s2  }
0xb: {  	[smem:$0x3F9B] =	sst s3  }
0xc: {  	[smem:$0x3F9C] =	sst s4  }
0xd: {  	[smem:$0x3F9D] =	sst s5  }
0xe: {  	[smem:$0x3F9E] =	sst s6  }
0xf: {  	[smem:$0x3F9F] =	sst s7  }
0x10: {  	[smem:$0x3FA0] =	sst s8  }
0x11: {  	[smem:$0x3FA1] =	sst s9;
	s0 =	simm.s32 @!p0 $0x0  }
0x12: {  	s1 =	sld [smem:$0x3F87];
	s0 =	simm.s32 @p0 $0x1  }
0x13: {  	[smem:$0x3FA2] =	sst s0;
	s0 =	simm.s32 @!p1 $0x0  }
0x14: {  	s2 =	sld [smem:$0x3F86];
	s0 =	simm.s32 @p1 $0x1  }
0x15: {  	[smem:$0x3FA3] =	sst s0;
	s0 =	simm.s32 @!p2 $0x0  }
0x16: {  	s3 =	sld [smem:$0x3FDB];
	s0 =	simm.s32 @p2 $0x1  }
0x17: {  	s4 =	simm.s32 $0x1BF5;
	[smem:$0x3FA5] =	sst s0  }
0x18: {  	s0 =	sld [smem:$0x3F88];
	_ =	swait.ge [sflag:s4], $0x0  }
0x19: {  	s7 =	sld [smem:$0x3F89]  }
0x1a: {  	s8 =	sadd.s32 $0xFFFFE003, lr  }
0x1b: {  	s9 =	sadd.s32 $0xFFFFFEF7, lr;
	s5 =	simm.s32 $0xFFFFFFFF;
	p2 =	slt.u32 s8, $0xFFFFF086  }
0x1c: {  	p1 =	slt.u32 s9, $0xF7A;
	s5 =	simm.s32 @!p2 $0x0  }
0x1d: {  	s5 =	simm.s32 @p1 $0x1;
	p0 =	seq.s32 s7, s2  }
0x1e: {  	s7 =	smul.u32 @!p0 $0xF7A, s2;
	p2 =	seq.s32 @!p0 s5, $0x0  }
0x1f: {  	s9 =	smul.u32 $0xF7A, s1;
	s8 =	simm.s32 @!p0 $0x1BF5;
	p2 =	por !p2, p0  }
0x20: {  	[sflag:s8] =	ssyncset.s32 @!p0 $0xFFFFF086;
	s6 =	sadd.s32 @!p0 s3, s7;
	s7 =	simm.s32 @!p0 $0x108  }
0x21: {  	s3 =	sadd.s32 s3, s9;
	s6 =	sadd.s32 @!p0 $0x88, s6;
	s7 =	simm.s32 @p2 $0x1082  }
0x22: {  	[simem:s7], [sflag:s8] =	dma.local @!p0 [hbm:s6], $0xF7A  }
0x23: {  	s9 =	sor.u32 $0xD0000000, s2;
	s6 =	simm.s32 $0x108;
	_ =	swait.ge @!p0 [sflag:s8], $0x0  }
0x24: {  	s3 =	sadd.s32 $0x88, s3;
	s6 =	simm.s32 @!p1 $0x1082;
	[sflag:s4] =	ssyncset.s32 $0xFFFFF086  }
0x25: {  	[simem:s6], [sflag:s4] =	dma.local [hbm:s3], $0xF7A  }
0x26: {  	[smem:$0x3F89] =	sst s1;
	(tag) =	ssettag s2;
	_ =	strace s9  }
0x27: {  	s1 =	sld [smem:$0x3F99]  }
0x28: {  	s2 =	sld [smem:$0x3F9A]  }
0x29: {  	s4 =	sld [smem:$0x3F9C]  }
0x2a: {  	p0 =	seq.s32 s5, $0x0;
	s5 =	sld [smem:$0x3F9D]  }
0x2b: {  	s6 =	sld [smem:$0x3F9E]  }
0x2c: {  	s7 =	sld [smem:$0x3F9F]  }
0x2d: {  	s3 =	simm.s32 $0x108;
	s8 =	sld [smem:$0x3FA0]  }
0x2e: {  	s3 =	simm.s32 @!p0 $0x1082;
	s9 =	sld [smem:$0x3FA1]  }
0x2f: {  	lr =	sadd.s32 s0, s3;
	s0 =	sld [smem:$0x3F98]  }
0x30: {  	s3 =	sld [smem:$0x3F9B]  }
0x31: {  	[smem:$0x3FA4] =	sst s10  }
0x32: {  	s10 =	sld [smem:$0x3FA2];
	_ =	sdelay $0x3  }
0x33: {  	p0 =	seq.s32 s10, $0x1;
	s10 =	sld [smem:$0x3FA4];
	_ =	sdelay $0x3  }
0x34: {  	[smem:$0x3FA4] =	sst s10  }
0x35: {  	s10 =	sld [smem:$0x3FA3];
	_ =	sdelay $0x3  }
0x36: {  	p1 =	seq.s32 s10, $0x1;
	s10 =	sld [smem:$0x3FA4];
	_ =	sdelay $0x3  }
0x37: {  	[smem:$0x3FA4] =	sst s10  }
0x38: {  	s10 =	sld [smem:$0x3FA5]  }
0x39: {  	_ = 	snop;
	(pc) =	sbr.ind lr, $3  }
0x3a: {  	_ = 	snop  }
0x3b: {  	_ = 	snop  }
0x3c: {  	p2 =	seq.s32 s10, $0x1;
	s10 =	sld [smem:$0x3FA4]  }
0x3d: {  	_ =	shalt  }
0x3e: {  	_ =	shalt  }
0x3f: {  	_ =	shalt  }
0x40: {  	_ =	shalt  }
0x41: {  	_ =	shalt  }
0x42: {  	_ =	shalt  }
0x43: {  	_ =	shalt  }
0x44: {  	_ =	shalt  }
0x45: {  	_ =	shalt  }
0x46: {  	_ =	shalt  }
0x47: {  	_ =	shalt  }
0x48: {  	_ =	shalt  }
0x49: {  	_ =	shalt  }
0x4a: {  	_ =	shalt  }
0x4b: {  	_ =	shalt  }
0x4c: {  	_ =	shalt  }
0x4d: {  	_ =	shalt  }
0x4e: {  	_ =	shalt  }
0x4f: {  	_ =	shalt  }
0x50: {  	_ =	shalt  }
0x51: {  	_ =	shalt  }
0x52: {  	_ =	shalt  }
0x53: {  	_ =	shalt  }
0x54: {  	_ =	shalt  }
0x55: {  	_ =	shalt  }
0x56: {  	_ =	shalt  }
0x57: {  	_ =	shalt  }
0x58: {  	_ =	shalt  }
0x59: {  	_ =	shalt  }
0x5a: {  	_ =	shalt  }
0x5b: {  	_ =	shalt  }
0x5c: {  	_ =	shalt  }
0x5d: {  	_ =	shalt  }
0x5e: {  	_ =	shalt  }
0x5f: {  	_ =	shalt  }
0x60: {  	_ =	shalt  }
0x61: {  	_ =	shalt  }
0x62: {  	_ =	shalt  }
0x63: {  	_ =	shalt  }
0x64: {  	_ =	shalt  }
0x65: {  	_ =	shalt  }
0x66: {  	_ =	shalt  }
0x67: {  	_ =	shalt  }
0x68: {  	_ =	shalt  }
0x69: {  	_ =	shalt  }
0x6a: {  	_ =	shalt  }
0x6b: {  	_ =	shalt  }
0x6c: {  	_ =	shalt  }
0x6d: {  	_ =	shalt  }
0x6e: {  	_ =	shalt  }
0x6f: {  	_ =	shalt  }
0x70: {  	_ =	shalt  }
0x71: {  	_ =	shalt  }
0x72: {  	_ =	shalt  }
0x73: {  	_ =	shalt  }
0x74: {  	_ =	shalt  }
0x75: {  	_ =	shalt  }
0x76: {  	_ =	shalt  }
0x77: {  	_ =	shalt  }
0x78: {  	_ =	shalt  }
0x79: {  	_ =	shalt  }
0x7a: {  	_ =	shalt  }
0x7b: {  	_ =	shalt  }
0x7c: {  	_ =	shalt  }
0x7d: {  	_ =	shalt  }
0x7e: {  	_ =	shalt  }
0x7f: {  	_ =	shalt  }
0x80: {  	_ =	shalt  }
0x81: {  	_ =	shalt  }
0x82: {  	_ =	shalt  }
0x83: {  	_ =	shalt  }
0x84: {  	_ =	shalt  }
0x85: {  	_ =	shalt  }
0x86: {  	_ =	shalt  }
0x87: {  	_ =	shalt  }
.Lfunc_end0:
.L_simem_size_0:
called_computation.4_lowered:
.L_overlay_start_0:
0x88: {  	s2 =	sld [smem:$0x3FD9]  }
0x89: {  	s3 =	sld [smem:$0x3FFE];
	_ =	sdelay $0x1  }
0x8a: {  	s1 =	srdreg.scid  }
0x8b: {  	s0 =	sand.u32 $0x1, s1  }
0x8c: {  	s17 =	sshll.u32 s0, $0xA;
	s2 =	sadd.s32 s3, s2  }
0x8d: {  	s2 =	sadd.s32 s2, s17  }
0x8e: {  	[smem:$0x3FB0] =	sst s2  }
0x8f: {  	_ = 	snop  }
0x90: {  	(tm) =	ssettm $0x1  }
0x91: {  	s18 =	sld [smem:$0x3FFB];
	_ =	sdelay $0x3  }
0x92: {  	_ =	strace s18  }
0x93: {  	s2 =	sld [smem:$0x3FFC];
	_ =	sdelay $0x3  }
0x94: {  	_ =	strace s2  }
0x95: {  	s2 =	sld [smem:$0x3FFD];
	_ =	sdelay $0x3  }
0x96: {  	_ =	strace s2  }
0x97: {  	_ =	strace $0x8FFFFFFF  }
0x98: {  	s19 =	sld [smem:$0x3FDB];
	_ =	sdelay $0x1  }
0x99: {  	s20 =	simm.s32 $_scs_section_size  }
0x9a: {  	s4 =	simm.s32 $_size__tile_overlayer_lowered;
	s5 =	simm.s32 $_tile_overlayer_lowered  }
0x9b: {  	s6 =	simm.s32 $0x1BFF;
	s21 =	sshll.u32 s5, $0x1;
	s3 =	sadd.s32 s20, s19  }
0x9c: {  	s22 =	simm.s32 $0x0;
	s4 =	sshll.u32 s4, $0x1;
	s5 =	sadd.s32 s21, s3  }
0x9d: {  	[timem:s22], [sflag:s6] =	dma.local [hbm:s5], s4  }
0x9e: {  	_ =	swait.ge [sflag:s6], s4  }
0x9f: {  	s4 =	ssub.s32 $0x0, s4;
	[sflag:s6] =	ssyncset.done $0x0  }
0xa0: {  	[sflag:s6] =	ssyncadd.s32 s4;
	_ =	sdelay $0x1  }
0xa1: {  	s23 =	simm.s32 $0x1B8B  }
0xa2: {  	_ =	swait.ge [sflag:s23], $0x1  }
0xa3: {  	[sflag:s23] =	ssyncset.done $0x0  }
0xa4: {  	[sflag:s23] =	ssyncadd.s32 $0xFFFFFFFF  }
0xa5: {  	s4 =	sld [smem:$0x0]  }
0xa6: {  	s5 =	sand.u32 $0xFFFFFFFE, s1  }
0xa7: {  	p0 =	sne.s32 s1, s5  }
0xa8: {  	s5 =	sshll.u32 @p0 s5, $0xE  }
0xa9: {  	s5 =	sadd.s32 @p0 $0x11B8D, s5;
	s6 =	sshll.u32 @p0 s4, $0x11  }
0xaa: {  	s5 =	sor.u32 @p0 s6, s5  }
0xab: {  	[sflag:s5] =	ssyncadd.remote.s32 @p0 $0x1;
	_ =	sdelay $0x1  }
0xac: {  	s5 =	simm.s32 @p0 $0x1B8D  }
0xad: {  	_ =	swait.eq @p0 [sflag:s5], $0x1  }
0xae: {  	[sflag:s5] =	ssyncadd.s32 @p0 $0xFFFFFFFF  }
0xaf: {  	s6 =	sshll.u32 @!p0 s1, $0xE  }
0xb0: {  	s6 =	sor.u32 @!p0 $0x4000, s6;
	s5 =	simm.s32 @!p0 $0x1B8D  }
0xb1: {  	s4 =	sshll.u32 @!p0 s4, $0x11;
	s6 =	sadd.s32 @!p0 $0x11B8D, s6;
	_ =	swait.eq @!p0 [sflag:s5], $0x1  }
0xb2: {  	s4 =	sor.u32 @!p0 s4, s6;
	[sflag:s5] =	ssyncadd.s32 @!p0 $0xFFFFFFFF  }
0xb3: {  	s25 =	simm.s32 $0x1B8E;
	s24 =	sld [smem:$0x3FFE];
	[sflag:s4] =	ssyncadd.remote.s32 @!p0 $0x1  }
0xb4: {  	s26 =	simm.s32 $execute0_lowered;
	[smem:$0x3FD2] =	sst s25  }
0xb5: {  	s5 =	sshll.u32 s26, $0x1;
	_ =	strace $0x80000052;
	[dreg:$0x1] =	wrdreg $0xFFFFFFFF  }
0xb6: {  	s28 =	simm.s32 $_size_execute0_lowered;
	s3 =	sadd.s32 s3, s5;
	[dreg:$0x0] =	wrdreg $0x0  }
0xb7: {  	s5 =	sshll.u32 s28, $0x1;
	[dreg:$0x2] =	wrdreg s3  }
0xb8: {  	[dreg:$0x3] =	wrdreg s5  }
0xb9: {  	[dreg:$0x4] =	wrdreg $0xC0  }
0xba: {  	_ =	task [dreg:s22], $0x5FFFF  }
0xbb: {  	[dreg:$0x1] =	wrdreg $0xFFFFFFFF  }
0xbc: {  	[dreg:$0x0] =	wrdreg $0x60  }
0xbd: {  	[dreg:$0x2] =	wrdreg s24  }
0xbe: {  	[dreg:$0x3] =	wrdreg $0xA  }
0xbf: {  	_ =	task.clear_ibuf [dreg:s22], $0x4FFFF;
	_ =	strace $0x90000052  }
0xc0: {  	s29 =	simm.s32 $0xA;
	_ =	strace $0x80000054  }
0xc1: {  	_ =	swait.ge [sflag:s29], $0x1  }
0xc2: {  	[sflag:s29] =	ssyncadd.s32 $0xFFFFFFFF  }
0xc3: {  	_ =	strace $0x90000054  }
0xc4: {  	_ =	sfence  }
0xc5: {  	s30 =	sld [smem:$0x0];
	_ =	sdelay $0x2  }
0xc6: {  	s31 =	sshll.u32 s1, $0xD;
	s1 =	sshrl.u32 s1, $0x2  }
0xc7: {  	s4 =	sand.u32 $0x4000, s31;
	s1 =	sadd.s32 s1, s30  }
0xc8: {  	s0 =	sor.u32 s4, s0;
	s1 =	sshll.u32 s1, $0x11  }
0xc9: {  	s0 =	sor.u32 s1, s0  }
0xca: {  	s0 =	sadd.s32 $0x8F2B, s0  }
0xcb: {  	[sflag:s0] =	ssyncadd.remote.s32 $0x1  }
0xcc: {  	_ =	sfence.sel $0xFFFF  }
0xcd: {  	[dreg:$0x0] =	wrdreg $0xFFFFFFFF;
	(pc) =	sbr.abs _section_cstart, $3  }
0xce: {  	[dreg:$0x1] =	wrdreg $0xFFFFFFFF  }
0xcf: {  	_ =	task.clear_ibuf [dreg:s22], $0x2FFFF;
	_ =	strace $0x9FFFFFFF  }
0xd0: {  	(tm) =	ssettm $0x7FFFFFFF  }
0xd1: {  	_ =	shalt  }
tec
execute0_lowered:
.L_overlay_start_1:
0x0: {  	(tag) =	ssettag $0x1  }
0x1: {  	s4 =	rddreg [dreg:$0x0]  }
0x2: {  	s0 =	rddreg [dreg:$0x1];
	s2 =	simm.s32 $0x0;
	s1 =	stileid.u32  }
0x3: {  	s3 =	srdreg.scid;
	s10 =	simm.s32 $0x0;
	s6 =	smul.u32 $0x1400, s1  }
0x4: {  	[smem:$0x7FF] =	sst s2;
	s5 =	sand.u32 $0x1, s3;
	s8 =	smul.u32 $0x14000, s1  }
0x5: {  	s3 =	sadd.s32 $0x27C00, s4;
	s7 =	smul.u32 $0xA00, s5;
	s9 =	ssub.s32 $0x2, s5  }
0x6: {  	_ =	strace $0x80000053;
	s5 =	smul.u32 $0xA000, s5;
	s31 =	sshrl.u32 s9, $0x1  }
0x7: {  	s8 =	sadd.s32 s8, s4;
	s6 =	sadd.s32 s7, s6;
	s7 =	ssub.s32 s9, s31  }
0x8: {  	s5 =	sadd.s32 s5, s8;
	s8 =	simm.s32 $0x80;
	s6 =	sshrl.u32 s6, $0x3  }
0x9: {  	s9 =	simm.s32 $0x1;
	s5 =	sadd.s32 $0x2ACC00, s5;
	s6 =	sadd.s32 s6, s4  }
0xa: {  	s4 =	smax.u32 s7, $0x1;
	s7 =	simm.s32 $0x2;
	s6 =	sadd.s32 $0x37C00, s6  }
.LBB2_1:
0xb: {  	s11 =	sadd.s32 $0x0, s6  }
0xc: {  	[tilespmem:s2], [sflag:$0x2] =	stream.linear.gather [hbm4b:s11+s2], $0x80, $0x38;
	[tilespmem:$0x4080] =	vst v63  }
0xd: {  	_ =	swait.ge [sflag:s7], $0x80  }
0xe: {  	[sflag:s7] =	ssyncset.done $0x0  }
0xf: {  	[sflag:s7] =	ssyncadd.s32 $0xFFFFFF80  }
0x10: {  	[tilespmem:s8], [sflag:$0x1] =	stream.indirect.gather [hbm4b:s3+s8], $0x80, s2, s8, $0xb8;
	[tilespmem:$0x4080] =	vst v63  }
0x11: {  	_ =	swait.ge [sflag:s9], $0x4000  }
0x12: {  	[sflag:s9] =	ssyncset.done $0x0  }
0x13: {  	[sflag:s9] =	ssyncadd.s32 $0xFFFFC000  }
0x14: {  	[hbm4b:s5+s2] =	stream.linear.scatter [tilespmem:s8], [sflag:$0x2], $0x4000, $0x38;
	[tilespmem:$0x4080] =	vst v63  }
0x15: {  	s12 =	simm.s32 $0x10;
	_ =	swait.ge [sflag:s7], $0x4000  }
0x16: {  	s13 =	simm.s32 $0x20;
	s11 =	sadd.s32 $0x800, s5;
	[sflag:s7] =	ssyncset.done $0x0  }
.LBB2_2:
0x17: {  	s14 =	sadd.s32 s12, s6  }
0x18: {  	[sflag:s7] =	ssyncadd.s32 $0xFFFFC000;
	s12 =	smov.u32 s13;
	s15 =	sadd.s32 $0x10, s13  }
0x19: {  	[tilespmem:s2], [sflag:$0x2] =	stream.linear.gather [hbm4b:s14+s2], $0x80, $0x38;
	[tilespmem:$0x4080] =	vst v63  }
0x1a: {  	p0 =	sne.s32 s13, $0x130;
	_ =	swait.ge [sflag:s7], $0x80  }
0x1b: {  	[sflag:s7] =	ssyncset.done $0x0  }
0x1c: {  	[sflag:s7] =	ssyncadd.s32 $0xFFFFFF80  }
0x1d: {  	[tilespmem:s8], [sflag:$0x1] =	stream.indirect.gather [hbm4b:s3+s8], $0x80, s2, s8, $0xb8;
	[tilespmem:$0x4080] =	vst v63  }
0x1e: {  	_ =	swait.ge [sflag:s9], $0x4000  }
.Ltmp0:
0x1f: {  	[sflag:s9] =	ssyncset.done $0x0;
	(pc) =	sbr.rel @p0 .LBB2_2-.Ltmp0, $4  }
0x20: {  	[sflag:s9] =	ssyncadd.s32 $0xFFFFC000  }
0x21: {  	[hbm4b:s11+s2] =	stream.linear.scatter [tilespmem:s8], [sflag:$0x2], $0x4000, $0x38;
	[tilespmem:$0x4080] =	vst v63  }
0x22: {  	_ =	swait.ge [sflag:s7], $0x4000  }
0x23: {  	s13 =	smov.u32 s15;
	s11 =	sadd.s32 $0x800, s11;
	[sflag:s7] =	ssyncset.done $0x0  }
0x24: {  	s12 =	sadd.s32 s12, s6;
	[sflag:s7] =	ssyncadd.s32 $0xFFFFC000  }
0x25: {  	[tilespmem:s2], [sflag:$0x2] =	stream.linear.gather [hbm4b:s12+s2], $0x80, $0x38;
	[tilespmem:$0x4080] =	vst v63  }
0x26: {  	_ =	swait.ge [sflag:s7], $0x80  }
0x27: {  	[sflag:s7] =	ssyncset.done $0x0  }
0x28: {  	[sflag:s7] =	ssyncadd.s32 $0xFFFFFF80  }
0x29: {  	[tilespmem:s8], [sflag:$0x1] =	stream.indirect.gather [hbm4b:s3+s8], $0x80, s2, s8, $0xb8;
	[tilespmem:$0x4080] =	vst v63  }
0x2a: {  	s10 =	sadd.s32 $0x1, s10;
	_ =	swait.ge [sflag:s9], $0x4000  }
0x2b: {  	p0 =	sne.s32 s10, s4;
	[sflag:s9] =	ssyncset.done $0x0  }
.Ltmp1:
0x2c: {  	[sflag:s9] =	ssyncadd.s32 $0xFFFFC000;
	(pc) =	sbr.rel @p0 .LBB2_1-.Ltmp1, $4  }
0x2d: {  	[hbm4b:s11+s2] =	stream.linear.scatter [tilespmem:s8], [sflag:$0x2], $0x4000, $0x38;
	[tilespmem:$0x4080] =	vst v63  }
0x2e: {  	_ =	swait.ge [sflag:s7], $0x4000  }
0x2f: {  	[sflag:s7] =	ssyncset.done $0x0  }
0x30: {  	[sflag:s7] =	ssyncadd.s32 $0xFFFFC000  }
0x31: {  	_ =	sfence.sel $0x180000  }
0x32: {  	[bflag:$0x0] =	sbarrier.arrive $0xFFFF  }
0x33: {  	p0 =	sne.s32 s1, $0x0;
	_ =	strace $0x90000053  }
0x34: {  	s0 =	sadd.s32 @!p0 $0x100000, s0;
	[bflag:$0x2] =	sbarrier.arrive $0xFFFF  }
0x35: {  	[sflag:s0] =	ssyncadd.tile.s32 @!p0 $0x1;
	_ =	shalt  }
.Lfunc_end2:
_tile_overlayer_lowered:
.L_overlay_start_2:
0x36: {  	(tag) =	ssettag $0x2  }
0x37: {  	s0 =	rddreg [dreg:$0x0];
	s2 =	stileid.u32  }
0x38: {  	s1 =	rddreg [dreg:$0x1];
	p0 =	sne.s32 s2, $0x0  }
0x39: {  	s3 =	rddreg [dreg:$0x2];
	[bflag:$0x3] =	sbarrier.arrive $0xFFFF;
	s2 =	simm.s32 @!p0 $0x1C02  }
0x3a: {  	[timem:s3], [sflag:s2] =	dma.local @!p0 [hbm:s0], s1  }
0x3b: {  	s0 =	simm.s32 @!p0 $0x2  }
0x3c: {  	_ =	swait.ge @!p0 [sflag:s0], s1  }
0x3d: {  	s1 =	ssub.s32 @!p0 $0x0, s1;
	[sflag:s0] =	ssyncset.done @!p0 $0x0  }
0x3e: {  	[sflag:s0] =	ssyncadd.s32 @!p0 s1  }
0x3f: {  	[bflag:$0x3] =	sbarrier.arrive $0xFFFF  }
0x40: {  	_ =	shalt  }

// kernel: kernel.44.cloned.1.call-start
scs
__scs_entry_jumppad:
0x0: {  	(pc) =	sbr.rel $0x88, $3  }
0x1: {  	(tag) =	ssettag $0x0;
	lr =	simm.s32 $0x1  }
0x2: {  	[smem:$0x3F89] =	sst lr;
	_ =	strace $0xD0000000  }
0x3: {  	_ = 	snop  }
0x4: {  	_ = 	snop  }
0x5: {  	_ = 	snop  }
0x6: {  	_ = 	snop  }
0x7: {  	_ = 	snop  }
__scs_overlays_trampoline_lowered:
0x8: {  	[smem:$0x3F98] =	sst s0  }
0x9: {  	[smem:$0x3F99] =	sst s1  }
0xa: {  	[smem:$0x3F9A] =	sst s2  }
0xb: {  	[smem:$0x3F9B] =	sst s3  }
0xc: {  	[smem:$0x3F9C] =	sst s4  }
0xd: {  	[smem:$0x3F9D] =	sst s5  }
0xe: {  	[smem:$0x3F9E] =	sst s6  }
0xf: {  	[smem:$0x3F9F] =	sst s7  }
0x10: {  	[smem:$0x3FA0] =	sst s8  }
0x11: {  	[smem:$0x3FA1] =	sst s9;
	s0 =	simm.s32 @!p0 $0x0  }
0x12: {  	s1 =	sld [smem:$0x3F87];
	s0 =	simm.s32 @p0 $0x1  }
0x13: {  	[smem:$0x3FA2] =	sst s0;
	s0 =	simm.s32 @!p1 $0x0  }
0x14: {  	s2 =	sld [smem:$0x3F86];
	s0 =	simm.s32 @p1 $0x1  }
0x15: {  	[smem:$0x3FA3] =	sst s0;
	s0 =	simm.s32 @!p2 $0x0  }
0x16: {  	s3 =	sld [smem:$0x3FDB];
	s0 =	simm.s32 @p2 $0x1  }
0x17: {  	s4 =	simm.s32 $0x1BF5;
	[smem:$0x3FA5] =	sst s0  }
0x18: {  	s0 =	sld [smem:$0x3F88];
	_ =	swait.ge [sflag:s4], $0x0  }
0x19: {  	s7 =	sld [smem:$0x3F89]  }
0x1a: {  	s8 =	sadd.s32 $0xFFFFE003, lr  }
0x1b: {  	s9 =	sadd.s32 $0xFFFFFEF7, lr;
	s5 =	simm.s32 $0xFFFFFFFF;
	p2 =	slt.u32 s8, $0xFFFFF086  }
0x1c: {  	p1 =	slt.u32 s9, $0xF7A;
	s5 =	simm.s32 @!p2 $0x0  }
0x1d: {  	s5 =	simm.s32 @p1 $0x1;
	p0 =	seq.s32 s7, s2  }
0x1e: {  	s7 =	smul.u32 @!p0 $0xF7A, s2;
	p2 =	seq.s32 @!p0 s5, $0x0  }
0x1f: {  	s9 =	smul.u32 $0xF7A, s1;
	s8 =	simm.s32 @!p0 $0x1BF5;
	p2 =	por !p2, p0  }
0x20: {  	[sflag:s8] =	ssyncset.s32 @!p0 $0xFFFFF086;
	s6 =	sadd.s32 @!p0 s3, s7;
	s7 =	simm.s32 @!p0 $0x108  }
0x21: {  	s3 =	sadd.s32 s3, s9;
	s6 =	sadd.s32 @!p0 $0x88, s6;
	s7 =	simm.s32 @p2 $0x1082  }
0x22: {  	[simem:s7], [sflag:s8] =	dma.local @!p0 [hbm:s6], $0xF7A  }
0x23: {  	s9 =	sor.u32 $0xD0000000, s2;
	s6 =	simm.s32 $0x108;
	_ =	swait.ge @!p0 [sflag:s8], $0x0  }
0x24: {  	s3 =	sadd.s32 $0x88, s3;
	s6 =	simm.s32 @!p1 $0x1082;
	[sflag:s4] =	ssyncset.s32 $0xFFFFF086  }
0x25: {  	[simem:s6], [sflag:s4] =	dma.local [hbm:s3], $0xF7A  }
0x26: {  	[smem:$0x3F89] =	sst s1;
	(tag) =	ssettag s2;
	_ =	strace s9  }
0x27: {  	s1 =	sld [smem:$0x3F99]  }
0x28: {  	s2 =	sld [smem:$0x3F9A]  }
0x29: {  	s4 =	sld [smem:$0x3F9C]  }
0x2a: {  	p0 =	seq.s32 s5, $0x0;
	s5 =	sld [smem:$0x3F9D]  }
0x2b: {  	s6 =	sld [smem:$0x3F9E]  }
0x2c: {  	s7 =	sld [smem:$0x3F9F]  }
0x2d: {  	s3 =	simm.s32 $0x108;
	s8 =	sld [smem:$0x3FA0]  }
0x2e: {  	s3 =	simm.s32 @!p0 $0x1082;
	s9 =	sld [smem:$0x3FA1]  }
0x2f: {  	lr =	sadd.s32 s0, s3;
	s0 =	sld [smem:$0x3F98]  }
0x30: {  	s3 =	sld [smem:$0x3F9B]  }
0x31: {  	[smem:$0x3FA4] =	sst s10  }
0x32: {  	s10 =	sld [smem:$0x3FA2];
	_ =	sdelay $0x3  }
0x33: {  	p0 =	seq.s32 s10, $0x1;
	s10 =	sld [smem:$0x3FA4];
	_ =	sdelay $0x3  }
0x34: {  	[smem:$0x3FA4] =	sst s10  }
0x35: {  	s10 =	sld [smem:$0x3FA3];
	_ =	sdelay $0x3  }
0x36: {  	p1 =	seq.s32 s10, $0x1;
	s10 =	sld [smem:$0x3FA4];
	_ =	sdelay $0x3  }
0x37: {  	[smem:$0x3FA4] =	sst s10  }
0x38: {  	s10 =	sld [smem:$0x3FA5]  }
0x39: {  	_ = 	snop;
	(pc) =	sbr.ind lr, $3  }
0x3a: {  	_ = 	snop  }
0x3b: {  	_ = 	snop  }
0x3c: {  	p2 =	seq.s32 s10, $0x1;
	s10 =	sld [smem:$0x3FA4]  }
0x3d: {  	_ =	shalt  }
0x3e: {  	_ =	shalt  }
0x3f: {  	_ =	shalt  }
0x40: {  	_ =	shalt  }
0x41: {  	_ =	shalt  }
0x42: {  	_ =	shalt  }
0x43: {  	_ =	shalt  }
0x44: {  	_ =	shalt  }
0x45: {  	_ =	shalt  }
0x46: {  	_ =	shalt  }
0x47: {  	_ =	shalt  }
0x48: {  	_ =	shalt  }
0x49: {  	_ =	shalt  }
0x4a: {  	_ =	shalt  }
0x4b: {  	_ =	shalt  }
0x4c: {  	_ =	shalt  }
0x4d: {  	_ =	shalt  }
0x4e: {  	_ =	shalt  }
0x4f: {  	_ =	shalt  }
0x50: {  	_ =	shalt  }
0x51: {  	_ =	shalt  }
0x52: {  	_ =	shalt  }
0x53: {  	_ =	shalt  }
0x54: {  	_ =	shalt  }
0x55: {  	_ =	shalt  }
0x56: {  	_ =	shalt  }
0x57: {  	_ =	shalt  }
0x58: {  	_ =	shalt  }
0x59: {  	_ =	shalt  }
0x5a: {  	_ =	shalt  }
0x5b: {  	_ =	shalt  }
0x5c: {  	_ =	shalt  }
0x5d: {  	_ =	shalt  }
0x5e: {  	_ =	shalt  }
0x5f: {  	_ =	shalt  }
0x60: {  	_ =	shalt  }
0x61: {  	_ =	shalt  }
0x62: {  	_ =	shalt  }
0x63: {  	_ =	shalt  }
0x64: {  	_ =	shalt  }
0x65: {  	_ =	shalt  }
0x66: {  	_ =	shalt  }
0x67: {  	_ =	shalt  }
0x68: {  	_ =	shalt  }
0x69: {  	_ =	shalt  }
0x6a: {  	_ =	shalt  }
0x6b: {  	_ =	shalt  }
0x6c: {  	_ =	shalt  }
0x6d: {  	_ =	shalt  }
0x6e: {  	_ =	shalt  }
0x6f: {  	_ =	shalt  }
0x70: {  	_ =	shalt  }
0x71: {  	_ =	shalt  }
0x72: {  	_ =	shalt  }
0x73: {  	_ =	shalt  }
0x74: {  	_ =	shalt  }
0x75: {  	_ =	shalt  }
0x76: {  	_ =	shalt  }
0x77: {  	_ =	shalt  }
0x78: {  	_ =	shalt  }
0x79: {  	_ =	shalt  }
0x7a: {  	_ =	shalt  }
0x7b: {  	_ =	shalt  }
0x7c: {  	_ =	shalt  }
0x7d: {  	_ =	shalt  }
0x7e: {  	_ =	shalt  }
0x7f: {  	_ =	shalt  }
0x80: {  	_ =	shalt  }
0x81: {  	_ =	shalt  }
0x82: {  	_ =	shalt  }
0x83: {  	_ =	shalt  }
0x84: {  	_ =	shalt  }
0x85: {  	_ =	shalt  }
0x86: {  	_ =	shalt  }
0x87: {  	_ =	shalt  }
.Lfunc_end0:
.L_simem_size_0:
called_computation.5_lowered:
.L_overlay_start_0:
0x88: {  	s2 =	sld [smem:$0x3FD9]  }
0x89: {  	s3 =	sld [smem:$0x3FFE];
	_ =	sdelay $0x1  }
0x8a: {  	s1 =	srdreg.scid  }
0x8b: {  	s0 =	sand.u32 $0x1, s1  }
0x8c: {  	s17 =	sshll.u32 s0, $0xA;
	s2 =	sadd.s32 s3, s2  }
0x8d: {  	s2 =	sadd.s32 s2, s17  }
0x8e: {  	[smem:$0x3FB0] =	sst s2  }
0x8f: {  	_ = 	snop  }
0x90: {  	(tm) =	ssettm $0x1  }
0x91: {  	s18 =	sld [smem:$0x3FFB];
	_ =	sdelay $0x3  }
0x92: {  	_ =	strace s18  }
0x93: {  	s2 =	sld [smem:$0x3FFC];
	_ =	sdelay $0x3  }
0x94: {  	_ =	strace s2  }
0x95: {  	s2 =	sld [smem:$0x3FFD];
	_ =	sdelay $0x3  }
0x96: {  	_ =	strace s2  }
0x97: {  	_ =	strace $0x8FFFFFFF  }
0x98: {  	s19 =	sld [smem:$0x3FDB];
	_ =	sdelay $0x1  }
0x99: {  	s20 =	simm.s32 $_scs_section_size  }
0x9a: {  	s4 =	simm.s32 $_size__tile_overlayer_lowered;
	s5 =	simm.s32 $_tile_overlayer_lowered  }
0x9b: {  	s6 =	simm.s32 $0x1BFF;
	s21 =	sshll.u32 s5, $0x1;
	s3 =	sadd.s32 s20, s19  }
0x9c: {  	s22 =	simm.s32 $0x0;
	s4 =	sshll.u32 s4, $0x1;
	s5 =	sadd.s32 s21, s3  }
0x9d: {  	[timem:s22], [sflag:s6] =	dma.local [hbm:s5], s4  }
0x9e: {  	_ =	swait.ge [sflag:s6], s4  }
0x9f: {  	s4 =	ssub.s32 $0x0, s4;
	[sflag:s6] =	ssyncset.done $0x0  }
0xa0: {  	[sflag:s6] =	ssyncadd.s32 s4;
	_ =	sdelay $0x1  }
0xa1: {  	s23 =	simm.s32 $0x1B8B  }
0xa2: {  	_ =	swait.ge [sflag:s23], $0x1  }
0xa3: {  	[sflag:s23] =	ssyncset.done $0x0  }
0xa4: {  	[sflag:s23] =	ssyncadd.s32 $0xFFFFFFFF  }
0xa5: {  	s4 =	sld [smem:$0x0]  }
0xa6: {  	s5 =	sand.u32 $0xFFFFFFFE, s1  }
0xa7: {  	p0 =	sne.s32 s1, s5  }
0xa8: {  	s5 =	sshll.u32 @p0 s5, $0xE  }
0xa9: {  	s5 =	sadd.s32 @p0 $0x11B8D, s5;
	s6 =	sshll.u32 @p0 s4, $0x11  }
0xaa: {  	s5 =	sor.u32 @p0 s6, s5  }
0xab: {  	[sflag:s5] =	ssyncadd.remote.s32 @p0 $0x1;
	_ =	sdelay $0x1  }
0xac: {  	s5 =	simm.s32 @p0 $0x1B8D  }
0xad: {  	_ =	swait.eq @p0 [sflag:s5], $0x1  }
0xae: {  	[sflag:s5] =	ssyncadd.s32 @p0 $0xFFFFFFFF  }
0xaf: {  	s6 =	sshll.u32 @!p0 s1, $0xE  }
0xb0: {  	s6 =	sor.u32 @!p0 $0x4000, s6;
	s5 =	simm.s32 @!p0 $0x1B8D  }
0xb1: {  	s4 =	sshll.u32 @!p0 s4, $0x11;
	s6 =	sadd.s32 @!p0 $0x11B8D, s6;
	_ =	swait.eq @!p0 [sflag:s5], $0x1  }
0xb2: {  	s4 =	sor.u32 @!p0 s4, s6;
	[sflag:s5] =	ssyncadd.s32 @!p0 $0xFFFFFFFF  }
0xb3: {  	s25 =	simm.s32 $0x1B8E;
	s24 =	sld [smem:$0x3FFE];
	[sflag:s4] =	ssyncadd.remote.s32 @!p0 $0x1  }
0xb4: {  	s26 =	simm.s32 $execute0_lowered;
	[smem:$0x3FD2] =	sst s25  }
0xb5: {  	s5 =	sshll.u32 s26, $0x1;
	_ =	strace $0x80000055;
	[dreg:$0x1] =	wrdreg $0xFFFFFFFF  }
0xb6: {  	s28 =	simm.s32 $_size_execute0_lowered;
	s3 =	sadd.s32 s3, s5;
	[dreg:$0x0] =	wrdreg $0x0  }
0xb7: {  	s5 =	sshll.u32 s28, $0x1;
	[dreg:$0x2] =	wrdreg s3  }
0xb8: {  	[dreg:$0x3] =	wrdreg s5  }
0xb9: {  	[dreg:$0x4] =	wrdreg $0xC0  }
0xba: {  	_ =	task [dreg:s22], $0x5FFFF  }
0xbb: {  	[dreg:$0x1] =	wrdreg $0xFFFFFFFF  }
0xbc: {  	[dreg:$0x0] =	wrdreg $0x60  }
0xbd: {  	[dreg:$0x2] =	wrdreg s24  }
0xbe: {  	[dreg:$0x3] =	wrdreg $0x9  }
0xbf: {  	_ =	task.clear_ibuf [dreg:s22], $0x4FFFF;
	_ =	strace $0x90000055  }
0xc0: {  	s29 =	simm.s32 $0x9;
	_ =	strace $0x80000057  }
0xc1: {  	_ =	swait.ge [sflag:s29], $0x1  }
0xc2: {  	[sflag:s29] =	ssyncadd.s32 $0xFFFFFFFF  }
0xc3: {  	_ =	strace $0x90000057  }
0xc4: {  	_ =	sfence  }
0xc5: {  	s30 =	sld [smem:$0x0];
	_ =	sdelay $0x2  }
0xc6: {  	s31 =	sshll.u32 s1, $0xD;
	s1 =	sshrl.u32 s1, $0x2  }
0xc7: {  	s4 =	sand.u32 $0x4000, s31;
	s1 =	sadd.s32 s1, s30  }
0xc8: {  	s0 =	sor.u32 s4, s0;
	s1 =	sshll.u32 s1, $0x11  }
0xc9: {  	s0 =	sor.u32 s1, s0  }
0xca: {  	s0 =	sadd.s32 $0x8F2B, s0  }
0xcb: {  	[sflag:s0] =	ssyncadd.remote.s32 $0x1  }
0xcc: {  	_ =	sfence.sel $0xFFFF  }
0xcd: {  	[dreg:$0x0] =	wrdreg $0xFFFFFFFF;
	(pc) =	sbr.abs _section_cstart, $3  }
0xce: {  	[dreg:$0x1] =	wrdreg $0xFFFFFFFF  }
0xcf: {  	_ =	task.clear_ibuf [dreg:s22], $0x2FFFF;
	_ =	strace $0x9FFFFFFF  }
0xd0: {  	(tm) =	ssettm $0x7FFFFFFF  }
0xd1: {  	_ =	shalt  }
tec
execute0_lowered:
.L_overlay_start_1:
0x0: {  	(tag) =	ssettag $0x1  }
0x1: {  	s4 =	rddreg [dreg:$0x0]  }
0x2: {  	s0 =	rddreg [dreg:$0x1];
	s2 =	simm.s32 $0x0;
	s1 =	stileid.u32  }
0x3: {  	s3 =	srdreg.scid;
	s10 =	simm.s32 $0x0;
	s6 =	smul.u32 $0x1400, s1  }
0x4: {  	[smem:$0x7FF] =	sst s2;
	s5 =	sand.u32 $0x1, s3;
	s8 =	smul.u32 $0x14000, s1  }
0x5: {  	s3 =	sadd.s32 $0x3A400, s4;
	s7 =	smul.u32 $0xA00, s5;
	s9 =	ssub.s32 $0x2, s5  }
0x6: {  	_ =	strace $0x80000056;
	s5 =	smul.u32 $0xA000, s5;
	s31 =	sshrl.u32 s9, $0x1  }
0x7: {  	s8 =	sadd.s32 s8, s4;
	s6 =	sadd.s32 s7, s6;
	s7 =	ssub.s32 s9, s31  }
0x8: {  	s5 =	sadd.s32 s5, s8;
	s8 =	simm.s32 $0x80;
	s6 =	sshrl.u32 s6, $0x3  }
0x9: {  	s9 =	simm.s32 $0x1;
	s5 =	sadd.s32 $0x4CC00, s5;
	s6 =	sadd.s32 s6, s4  }
0xa: {  	s4 =	smax.u32 s7, $0x1;
	s7 =	simm.s32 $0x2;
	s6 =	sadd.s32 $0x4A400, s6  }
.LBB2_1:
0xb: {  	s11 =	sadd.s32 $0x0, s6  }
0xc: {  	[tilespmem:s2], [sflag:$0x2] =	stream.linear.gather [hbm4b:s11+s2], $0x80, $0x38;
	[tilespmem:$0x4080] =	vst v63  }
0xd: {  	_ =	swait.ge [sflag:s7], $0x80  }
0xe: {  	[sflag:s7] =	ssyncset.done $0x0  }
0xf: {  	[sflag:s7] =	ssyncadd.s32 $0xFFFFFF80  }
0x10: {  	[tilespmem:s8], [sflag:$0x1] =	stream.indirect.gather [hbm4b:s3+s8], $0x80, s2, s8, $0xb8;
	[tilespmem:$0x4080] =	vst v63  }
0x11: {  	_ =	swait.ge [sflag:s9], $0x4000  }
0x12: {  	[sflag:s9] =	ssyncset.done $0x0  }
0x13: {  	[sflag:s9] =	ssyncadd.s32 $0xFFFFC000  }
0x14: {  	[hbm4b:s5+s2] =	stream.linear.scatter [tilespmem:s8], [sflag:$0x2], $0x4000, $0x38;
	[tilespmem:$0x4080] =	vst v63  }
0x15: {  	s12 =	simm.s32 $0x10;
	_ =	swait.ge [sflag:s7], $0x4000  }
0x16: {  	s13 =	simm.s32 $0x20;
	s11 =	sadd.s32 $0x800, s5;
	[sflag:s7] =	ssyncset.done $0x0  }
.LBB2_2:
0x17: {  	s14 =	sadd.s32 s12, s6  }
0x18: {  	[sflag:s7] =	ssyncadd.s32 $0xFFFFC000;
	s12 =	smov.u32 s13;
	s15 =	sadd.s32 $0x10, s13  }
0x19: {  	[tilespmem:s2], [sflag:$0x2] =	stream.linear.gather [hbm4b:s14+s2], $0x80, $0x38;
	[tilespmem:$0x4080] =	vst v63  }
0x1a: {  	p0 =	sne.s32 s13, $0x130;
	_ =	swait.ge [sflag:s7], $0x80  }
0x1b: {  	[sflag:s7] =	ssyncset.done $0x0  }
0x1c: {  	[sflag:s7] =	ssyncadd.s32 $0xFFFFFF80  }
0x1d: {  	[tilespmem:s8], [sflag:$0x1] =	stream.indirect.gather [hbm4b:s3+s8], $0x80, s2, s8, $0xb8;
	[tilespmem:$0x4080] =	vst v63  }
0x1e: {  	_ =	swait.ge [sflag:s9], $0x4000  }
.Ltmp0:
0x1f: {  	[sflag:s9] =	ssyncset.done $0x0;
	(pc) =	sbr.rel @p0 .LBB2_2-.Ltmp0, $4  }
0x20: {  	[sflag:s9] =	ssyncadd.s32 $0xFFFFC000  }
0x21: {  	[hbm4b:s11+s2] =	stream.linear.scatter [tilespmem:s8], [sflag:$0x2], $0x4000, $0x38;
	[tilespmem:$0x4080] =	vst v63  }
0x22: {  	_ =	swait.ge [sflag:s7], $0x4000  }
0x23: {  	s13 =	smov.u32 s15;
	s11 =	sadd.s32 $0x800, s11;
	[sflag:s7] =	ssyncset.done $0x0  }
0x24: {  	s12 =	sadd.s32 s12, s6;
	[sflag:s7] =	ssyncadd.s32 $0xFFFFC000  }
0x25: {  	[tilespmem:s2], [sflag:$0x2] =	stream.linear.gather [hbm4b:s12+s2], $0x80, $0x38;
	[tilespmem:$0x4080] =	vst v63  }
0x26: {  	_ =	swait.ge [sflag:s7], $0x80  }
0x27: {  	[sflag:s7] =	ssyncset.done $0x0  }
0x28: {  	[sflag:s7] =	ssyncadd.s32 $0xFFFFFF80  }
0x29: {  	[tilespmem:s8], [sflag:$0x1] =	stream.indirect.gather [hbm4b:s3+s8], $0x80, s2, s8, $0xb8;
	[tilespmem:$0x4080] =	vst v63  }
0x2a: {  	s10 =	sadd.s32 $0x1, s10;
	_ =	swait.ge [sflag:s9], $0x4000  }
0x2b: {  	p0 =	sne.s32 s10, s4;
	[sflag:s9] =	ssyncset.done $0x0  }
.Ltmp1:
0x2c: {  	[sflag:s9] =	ssyncadd.s32 $0xFFFFC000;
	(pc) =	sbr.rel @p0 .LBB2_1-.Ltmp1, $4  }
0x2d: {  	[hbm4b:s11+s2] =	stream.linear.scatter [tilespmem:s8], [sflag:$0x2], $0x4000, $0x38;
	[tilespmem:$0x4080] =	vst v63  }
0x2e: {  	_ =	swait.ge [sflag:s7], $0x4000  }
0x2f: {  	[sflag:s7] =	ssyncset.done $0x0  }
0x30: {  	[sflag:s7] =	ssyncadd.s32 $0xFFFFC000  }
0x31: {  	_ =	sfence.sel $0x180000  }
0x32: {  	[bflag:$0x0] =	sbarrier.arrive $0xFFFF  }
0x33: {  	p0 =	sne.s32 s1, $0x0;
	_ =	strace $0x90000056  }
0x34: {  	s0 =	sadd.s32 @!p0 $0x100000, s0;
	[bflag:$0x2] =	sbarrier.arrive $0xFFFF  }
0x35: {  	[sflag:s0] =	ssyncadd.tile.s32 @!p0 $0x1;
	_ =	shalt  }
.Lfunc_end2:
_tile_overlayer_lowered:
.L_overlay_start_2:
0x36: {  	(tag) =	ssettag $0x2  }
0x37: {  	s0 =	rddreg [dreg:$0x0];
	s2 =	stileid.u32  }
0x38: {  	s1 =	rddreg [dreg:$0x1];
	p0 =	sne.s32 s2, $0x0  }
0x39: {  	s3 =	rddreg [dreg:$0x2];
	[bflag:$0x3] =	sbarrier.arrive $0xFFFF;
	s2 =	simm.s32 @!p0 $0x1C02  }
0x3a: {  	[timem:s3], [sflag:s2] =	dma.local @!p0 [hbm:s0], s1  }
0x3b: {  	s0 =	simm.s32 @!p0 $0x2  }
0x3c: {  	_ =	swait.ge @!p0 [sflag:s0], s1  }
0x3d: {  	s1 =	ssub.s32 @!p0 $0x0, s1;
	[sflag:s0] =	ssyncset.done @!p0 $0x0  }
0x3e: {  	[sflag:s0] =	ssyncadd.s32 @!p0 s1  }
0x3f: {  	[bflag:$0x3] =	sbarrier.arrive $0xFFFF  }
0x40: {  	_ =	shalt  }

// kernel: kernel.47.cloned.1.call-start
scs
__scs_entry_jumppad:
0x0: {  	(pc) =	sbr.rel $0x88, $3  }
0x1: {  	(tag) =	ssettag $0x0;
	lr =	simm.s32 $0x1  }
0x2: {  	[smem:$0x3F89] =	sst lr;
	_ =	strace $0xD0000000  }
0x3: {  	_ = 	snop  }
0x4: {  	_ = 	snop  }
0x5: {  	_ = 	snop  }
0x6: {  	_ = 	snop  }
0x7: {  	_ = 	snop  }
__scs_overlays_trampoline_lowered:
0x8: {  	[smem:$0x3F98] =	sst s0  }
0x9: {  	[smem:$0x3F99] =	sst s1  }
0xa: {  	[smem:$0x3F9A] =	sst s2  }
0xb: {  	[smem:$0x3F9B] =	sst s3  }
0xc: {  	[smem:$0x3F9C] =	sst s4  }
0xd: {  	[smem:$0x3F9D] =	sst s5  }
0xe: {  	[smem:$0x3F9E] =	sst s6  }
0xf: {  	[smem:$0x3F9F] =	sst s7  }
0x10: {  	[smem:$0x3FA0] =	sst s8  }
0x11: {  	[smem:$0x3FA1] =	sst s9;
	s0 =	simm.s32 @!p0 $0x0  }
0x12: {  	s1 =	sld [smem:$0x3F87];
	s0 =	simm.s32 @p0 $0x1  }
0x13: {  	[smem:$0x3FA2] =	sst s0;
	s0 =	simm.s32 @!p1 $0x0  }
0x14: {  	s2 =	sld [smem:$0x3F86];
	s0 =	simm.s32 @p1 $0x1  }
0x15: {  	[smem:$0x3FA3] =	sst s0;
	s0 =	simm.s32 @!p2 $0x0  }
0x16: {  	s3 =	sld [smem:$0x3FDB];
	s0 =	simm.s32 @p2 $0x1  }
0x17: {  	s4 =	simm.s32 $0x1BF5;
	[smem:$0x3FA5] =	sst s0  }
0x18: {  	s0 =	sld [smem:$0x3F88];
	_ =	swait.ge [sflag:s4], $0x0  }
0x19: {  	s7 =	sld [smem:$0x3F89]  }
0x1a: {  	s8 =	sadd.s32 $0xFFFFE003, lr  }
0x1b: {  	s9 =	sadd.s32 $0xFFFFFEF7, lr;
	s5 =	simm.s32 $0xFFFFFFFF;
	p2 =	slt.u32 s8, $0xFFFFF086  }
0x1c: {  	p1 =	slt.u32 s9, $0xF7A;
	s5 =	simm.s32 @!p2 $0x0  }
0x1d: {  	s5 =	simm.s32 @p1 $0x1;
	p0 =	seq.s32 s7, s2  }
0x1e: {  	s7 =	smul.u32 @!p0 $0xF7A, s2;
	p2 =	seq.s32 @!p0 s5, $0x0  }
0x1f: {  	s9 =	smul.u32 $0xF7A, s1;
	s8 =	simm.s32 @!p0 $0x1BF5;
	p2 =	por !p2, p0  }
0x20: {  	[sflag:s8] =	ssyncset.s32 @!p0 $0xFFFFF086;
	s6 =	sadd.s32 @!p0 s3, s7;
	s7 =	simm.s32 @!p0 $0x108  }
0x21: {  	s3 =	sadd.s32 s3, s9;
	s6 =	sadd.s32 @!p0 $0x88, s6;
	s7 =	simm.s32 @p2 $0x1082  }
0x22: {  	[simem:s7], [sflag:s8] =	dma.local @!p0 [hbm:s6], $0xF7A  }
0x23: {  	s9 =	sor.u32 $0xD0000000, s2;
	s6 =	simm.s32 $0x108;
	_ =	swait.ge @!p0 [sflag:s8], $0x0  }
0x24: {  	s3 =	sadd.s32 $0x88, s3;
	s6 =	simm.s32 @!p1 $0x1082;
	[sflag:s4] =	ssyncset.s32 $0xFFFFF086  }
0x25: {  	[simem:s6], [sflag:s4] =	dma.local [hbm:s3], $0xF7A  }
0x26: {  	[smem:$0x3F89] =	sst s1;
	(tag) =	ssettag s2;
	_ =	strace s9  }
0x27: {  	s1 =	sld [smem:$0x3F99]  }
0x28: {  	s2 =	sld [smem:$0x3F9A]  }
0x29: {  	s4 =	sld [smem:$0x3F9C]  }
0x2a: {  	p0 =	seq.s32 s5, $0x0;
	s5 =	sld [smem:$0x3F9D]  }
0x2b: {  	s6 =	sld [smem:$0x3F9E]  }
0x2c: {  	s7 =	sld [smem:$0x3F9F]  }
0x2d: {  	s3 =	simm.s32 $0x108;
	s8 =	sld [smem:$0x3FA0]  }
0x2e: {  	s3 =	simm.s32 @!p0 $0x1082;
	s9 =	sld [smem:$0x3FA1]  }
0x2f: {  	lr =	sadd.s32 s0, s3;
	s0 =	sld [smem:$0x3F98]  }
0x30: {  	s3 =	sld [smem:$0x3F9B]  }
0x31: {  	[smem:$0x3FA4] =	sst s10  }
0x32: {  	s10 =	sld [smem:$0x3FA2];
	_ =	sdelay $0x3  }
0x33: {  	p0 =	seq.s32 s10, $0x1;
	s10 =	sld [smem:$0x3FA4];
	_ =	sdelay $0x3  }
0x34: {  	[smem:$0x3FA4] =	sst s10  }
0x35: {  	s10 =	sld [smem:$0x3FA3];
	_ =	sdelay $0x3  }
0x36: {  	p1 =	seq.s32 s10, $0x1;
	s10 =	sld [smem:$0x3FA4];
	_ =	sdelay $0x3  }
0x37: {  	[smem:$0x3FA4] =	sst s10  }
0x38: {  	s10 =	sld [smem:$0x3FA5]  }
0x39: {  	_ = 	snop;
	(pc) =	sbr.ind lr, $3  }
0x3a: {  	_ = 	snop  }
0x3b: {  	_ = 	snop  }
0x3c: {  	p2 =	seq.s32 s10, $0x1;
	s10 =	sld [smem:$0x3FA4]  }
0x3d: {  	_ =	shalt  }
0x3e: {  	_ =	shalt  }
0x3f: {  	_ =	shalt  }
0x40: {  	_ =	shalt  }
0x41: {  	_ =	shalt  }
0x42: {  	_ =	shalt  }
0x43: {  	_ =	shalt  }
0x44: {  	_ =	shalt  }
0x45: {  	_ =	shalt  }
0x46: {  	_ =	shalt  }
0x47: {  	_ =	shalt  }
0x48: {  	_ =	shalt  }
0x49: {  	_ =	shalt  }
0x4a: {  	_ =	shalt  }
0x4b: {  	_ =	shalt  }
0x4c: {  	_ =	shalt  }
0x4d: {  	_ =	shalt  }
0x4e: {  	_ =	shalt  }
0x4f: {  	_ =	shalt  }
0x50: {  	_ =	shalt  }
0x51: {  	_ =	shalt  }
0x52: {  	_ =	shalt  }
0x53: {  	_ =	shalt  }
0x54: {  	_ =	shalt  }
0x55: {  	_ =	shalt  }
0x56: {  	_ =	shalt  }
0x57: {  	_ =	shalt  }
0x58: {  	_ =	shalt  }
0x59: {  	_ =	shalt  }
0x5a: {  	_ =	shalt  }
0x5b: {  	_ =	shalt  }
0x5c: {  	_ =	shalt  }
0x5d: {  	_ =	shalt  }
0x5e: {  	_ =	shalt  }
0x5f: {  	_ =	shalt  }
0x60: {  	_ =	shalt  }
0x61: {  	_ =	shalt  }
0x62: {  	_ =	shalt  }
0x63: {  	_ =	shalt  }
0x64: {  	_ =	shalt  }
0x65: {  	_ =	shalt  }
0x66: {  	_ =	shalt  }
0x67: {  	_ =	shalt  }
0x68: {  	_ =	shalt  }
0x69: {  	_ =	shalt  }
0x6a: {  	_ =	shalt  }
0x6b: {  	_ =	shalt  }
0x6c: {  	_ =	shalt  }
0x6d: {  	_ =	shalt  }
0x6e: {  	_ =	shalt  }
0x6f: {  	_ =	shalt  }
0x70: {  	_ =	shalt  }
0x71: {  	_ =	shalt  }
0x72: {  	_ =	shalt  }
0x73: {  	_ =	shalt  }
0x74: {  	_ =	shalt  }
0x75: {  	_ =	shalt  }
0x76: {  	_ =	shalt  }
0x77: {  	_ =	shalt  }
0x78: {  	_ =	shalt  }
0x79: {  	_ =	shalt  }
0x7a: {  	_ =	shalt  }
0x7b: {  	_ =	shalt  }
0x7c: {  	_ =	shalt  }
0x7d: {  	_ =	shalt  }
0x7e: {  	_ =	shalt  }
0x7f: {  	_ =	shalt  }
0x80: {  	_ =	shalt  }
0x81: {  	_ =	shalt  }
0x82: {  	_ =	shalt  }
0x83: {  	_ =	shalt  }
0x84: {  	_ =	shalt  }
0x85: {  	_ =	shalt  }
0x86: {  	_ =	shalt  }
0x87: {  	_ =	shalt  }
.Lfunc_end0:
.L_simem_size_0:
called_computation.6_lowered:
.L_overlay_start_0:
0x88: {  	s2 =	sld [smem:$0x3FD9]  }
0x89: {  	s3 =	sld [smem:$0x3FFE];
	_ =	sdelay $0x1  }
0x8a: {  	s1 =	srdreg.scid  }
0x8b: {  	s0 =	sand.u32 $0x1, s1  }
0x8c: {  	s17 =	sshll.u32 s0, $0xA;
	s2 =	sadd.s32 s3, s2  }
0x8d: {  	s2 =	sadd.s32 s2, s17  }
0x8e: {  	[smem:$0x3FB0] =	sst s2  }
0x8f: {  	_ = 	snop  }
0x90: {  	(tm) =	ssettm $0x1  }
0x91: {  	s18 =	sld [smem:$0x3FFB];
	_ =	sdelay $0x3  }
0x92: {  	_ =	strace s18  }
0x93: {  	s2 =	sld [smem:$0x3FFC];
	_ =	sdelay $0x3  }
0x94: {  	_ =	strace s2  }
0x95: {  	s2 =	sld [smem:$0x3FFD];
	_ =	sdelay $0x3  }
0x96: {  	_ =	strace s2  }
0x97: {  	_ =	strace $0x8FFFFFFF  }
0x98: {  	s19 =	sld [smem:$0x3FDB];
	_ =	sdelay $0x1  }
0x99: {  	s20 =	simm.s32 $_scs_section_size  }
0x9a: {  	s4 =	simm.s32 $_size__tile_overlayer_lowered;
	s5 =	simm.s32 $_tile_overlayer_lowered  }
0x9b: {  	s6 =	simm.s32 $0x1BFF;
	s21 =	sshll.u32 s5, $0x1;
	s3 =	sadd.s32 s20, s19  }
0x9c: {  	s22 =	simm.s32 $0x0;
	s4 =	sshll.u32 s4, $0x1;
	s5 =	sadd.s32 s21, s3  }
0x9d: {  	[timem:s22], [sflag:s6] =	dma.local [hbm:s5], s4  }
0x9e: {  	_ =	swait.ge [sflag:s6], s4  }
0x9f: {  	s4 =	ssub.s32 $0x0, s4;
	[sflag:s6] =	ssyncset.done $0x0  }
0xa0: {  	[sflag:s6] =	ssyncadd.s32 s4;
	_ =	sdelay $0x1  }
0xa1: {  	s23 =	simm.s32 $0x1B8B  }
0xa2: {  	_ =	swait.ge [sflag:s23], $0x1  }
0xa3: {  	[sflag:s23] =	ssyncset.done $0x0  }
0xa4: {  	[sflag:s23] =	ssyncadd.s32 $0xFFFFFFFF  }
0xa5: {  	s4 =	sld [smem:$0x0]  }
0xa6: {  	s5 =	sand.u32 $0xFFFFFFFE, s1  }
0xa7: {  	p0 =	sne.s32 s1, s5  }
0xa8: {  	s5 =	sshll.u32 @p0 s5, $0xE  }
0xa9: {  	s5 =	sadd.s32 @p0 $0x11B8D, s5;
	s6 =	sshll.u32 @p0 s4, $0x11  }
0xaa: {  	s5 =	sor.u32 @p0 s6, s5  }
0xab: {  	[sflag:s5] =	ssyncadd.remote.s32 @p0 $0x1;
	_ =	sdelay $0x1  }
0xac: {  	s5 =	simm.s32 @p0 $0x1B8D  }
0xad: {  	_ =	swait.eq @p0 [sflag:s5], $0x1  }
0xae: {  	[sflag:s5] =	ssyncadd.s32 @p0 $0xFFFFFFFF  }
0xaf: {  	s6 =	sshll.u32 @!p0 s1, $0xE  }
0xb0: {  	s6 =	sor.u32 @!p0 $0x4000, s6;
	s5 =	simm.s32 @!p0 $0x1B8D  }
0xb1: {  	s4 =	sshll.u32 @!p0 s4, $0x11;
	s6 =	sadd.s32 @!p0 $0x11B8D, s6;
	_ =	swait.eq @!p0 [sflag:s5], $0x1  }
0xb2: {  	s4 =	sor.u32 @!p0 s4, s6;
	[sflag:s5] =	ssyncadd.s32 @!p0 $0xFFFFFFFF  }
0xb3: {  	s25 =	simm.s32 $0x1B8E;
	s24 =	sld [smem:$0x3FFE];
	[sflag:s4] =	ssyncadd.remote.s32 @!p0 $0x1  }
0xb4: {  	s26 =	simm.s32 $execute0_lowered;
	[smem:$0x3FD2] =	sst s25  }
0xb5: {  	s5 =	sshll.u32 s26, $0x1;
	_ =	strace $0x80000058;
	[dreg:$0x1] =	wrdreg $0xFFFFFFFF  }
0xb6: {  	s28 =	simm.s32 $_size_execute0_lowered;
	s3 =	sadd.s32 s3, s5;
	[dreg:$0x0] =	wrdreg $0x0  }
0xb7: {  	s5 =	sshll.u32 s28, $0x1;
	[dreg:$0x2] =	wrdreg s3  }
0xb8: {  	[dreg:$0x3] =	wrdreg s5  }
0xb9: {  	[dreg:$0x4] =	wrdreg $0xC0  }
0xba: {  	_ =	task [dreg:s22], $0x5FFFF  }
0xbb: {  	[dreg:$0x1] =	wrdreg $0xFFFFFFFF  }
0xbc: {  	[dreg:$0x0] =	wrdreg $0x60  }
0xbd: {  	[dreg:$0x2] =	wrdreg s24  }
0xbe: {  	[dreg:$0x3] =	wrdreg $0xA  }
0xbf: {  	_ =	task.clear_ibuf [dreg:s22], $0x4FFFF;
	_ =	strace $0x90000058  }
0xc0: {  	s29 =	simm.s32 $0xA;
	_ =	strace $0x8000005A  }
0xc1: {  	_ =	swait.ge [sflag:s29], $0x1  }
0xc2: {  	[sflag:s29] =	ssyncadd.s32 $0xFFFFFFFF  }
0xc3: {  	_ =	strace $0x9000005A  }
0xc4: {  	_ =	sfence  }
0xc5: {  	s30 =	sld [smem:$0x0];
	_ =	sdelay $0x2  }
0xc6: {  	s31 =	sshll.u32 s1, $0xD;
	s1 =	sshrl.u32 s1, $0x2  }
0xc7: {  	s4 =	sand.u32 $0x4000, s31;
	s1 =	sadd.s32 s1, s30  }
0xc8: {  	s0 =	sor.u32 s4, s0;
	s1 =	sshll.u32 s1, $0x11  }
0xc9: {  	s0 =	sor.u32 s1, s0  }
0xca: {  	s0 =	sadd.s32 $0x8F2B, s0  }
0xcb: {  	[sflag:s0] =	ssyncadd.remote.s32 $0x1  }
0xcc: {  	_ =	sfence.sel $0xFFFF  }
0xcd: {  	[dreg:$0x0] =	wrdreg $0xFFFFFFFF;
	(pc) =	sbr.abs _section_cstart, $3  }
0xce: {  	[dreg:$0x1] =	wrdreg $0xFFFFFFFF  }
0xcf: {  	_ =	task.clear_ibuf [dreg:s22], $0x2FFFF;
	_ =	strace $0x9FFFFFFF  }
0xd0: {  	(tm) =	ssettm $0x7FFFFFFF  }
0xd1: {  	_ =	shalt  }
tec
execute0_lowered:
.L_overlay_start_1:
0x0: {  	(tag) =	ssettag $0x1  }
0x1: {  	s4 =	rddreg [dreg:$0x0]  }
0x2: {  	s0 =	rddreg [dreg:$0x1];
	s2 =	simm.s32 $0x0;
	s1 =	stileid.u32  }
0x3: {  	s3 =	srdreg.scid;
	s10 =	simm.s32 $0x0;
	s6 =	smul.u32 $0x1400, s1  }
0x4: {  	[smem:$0x7FF] =	sst s2;
	s5 =	sand.u32 $0x1, s3;
	s8 =	smul.u32 $0x14000, s1  }
0x5: {  	s3 =	sadd.s32 $0x27C00, s4;
	s7 =	smul.u32 $0xA00, s5;
	s9 =	ssub.s32 $0x2, s5  }
0x6: {  	_ =	strace $0x80000059;
	s5 =	smul.u32 $0xA000, s5;
	s31 =	sshrl.u32 s9, $0x1  }
0x7: {  	s8 =	sadd.s32 s8, s4;
	s6 =	sadd.s32 s7, s6;
	s7 =	ssub.s32 s9, s31  }
0x8: {  	s5 =	sadd.s32 s5, s8;
	s8 =	simm.s32 $0x80;
	s6 =	sshrl.u32 s6, $0x3  }
0x9: {  	s9 =	simm.s32 $0x1;
	s5 =	sadd.s32 $0x18CC00, s5;
	s6 =	sadd.s32 s6, s4  }
0xa: {  	s4 =	smax.u32 s7, $0x1;
	s7 =	simm.s32 $0x2;
	s6 =	sadd.s32 $0x37C00, s6  }
.LBB2_1:
0xb: {  	s11 =	sadd.s32 $0x0, s6  }
0xc: {  	[tilespmem:s2], [sflag:$0x2] =	stream.linear.gather [hbm4b:s11+s2], $0x80, $0x38;
	[tilespmem:$0x4080] =	vst v63  }
0xd: {  	_ =	swait.ge [sflag:s7], $0x80  }
0xe: {  	[sflag:s7] =	ssyncset.done $0x0  }
0xf: {  	[sflag:s7] =	ssyncadd.s32 $0xFFFFFF80  }
0x10: {  	[tilespmem:s8], [sflag:$0x1] =	stream.indirect.gather [hbm4b:s3+s8], $0x80, s2, s8, $0xb8;
	[tilespmem:$0x4080] =	vst v63  }
0x11: {  	_ =	swait.ge [sflag:s9], $0x4000  }
0x12: {  	[sflag:s9] =	ssyncset.done $0x0  }
0x13: {  	[sflag:s9] =	ssyncadd.s32 $0xFFFFC000  }
0x14: {  	[hbm4b:s5+s2] =	stream.linear.scatter [tilespmem:s8], [sflag:$0x2], $0x4000, $0x38;
	[tilespmem:$0x4080] =	vst v63  }
0x15: {  	s12 =	simm.s32 $0x10;
	_ =	swait.ge [sflag:s7], $0x4000  }
0x16: {  	s13 =	simm.s32 $0x20;
	s11 =	sadd.s32 $0x800, s5;
	[sflag:s7] =	ssyncset.done $0x0  }
.LBB2_2:
0x17: {  	s14 =	sadd.s32 s12, s6  }
0x18: {  	[sflag:s7] =	ssyncadd.s32 $0xFFFFC000;
	s12 =	smov.u32 s13;
	s15 =	sadd.s32 $0x10, s13  }
0x19: {  	[tilespmem:s2], [sflag:$0x2] =	stream.linear.gather [hbm4b:s14+s2], $0x80, $0x38;
	[tilespmem:$0x4080] =	vst v63  }
0x1a: {  	p0 =	sne.s32 s13, $0x130;
	_ =	swait.ge [sflag:s7], $0x80  }
0x1b: {  	[sflag:s7] =	ssyncset.done $0x0  }
0x1c: {  	[sflag:s7] =	ssyncadd.s32 $0xFFFFFF80  }
0x1d: {  	[tilespmem:s8], [sflag:$0x1] =	stream.indirect.gather [hbm4b:s3+s8], $0x80, s2, s8, $0xb8;
	[tilespmem:$0x4080] =	vst v63  }
0x1e: {  	_ =	swait.ge [sflag:s9], $0x4000  }
.Ltmp0:
0x1f: {  	[sflag:s9] =	ssyncset.done $0x0;
	(pc) =	sbr.rel @p0 .LBB2_2-.Ltmp0, $4  }
0x20: {  	[sflag:s9] =	ssyncadd.s32 $0xFFFFC000  }
0x21: {  	[hbm4b:s11+s2] =	stream.linear.scatter [tilespmem:s8], [sflag:$0x2], $0x4000, $0x38;
	[tilespmem:$0x4080] =	vst v63  }
0x22: {  	_ =	swait.ge [sflag:s7], $0x4000  }
0x23: {  	s13 =	smov.u32 s15;
	s11 =	sadd.s32 $0x800, s11;
	[sflag:s7] =	ssyncset.done $0x0  }
0x24: {  	s12 =	sadd.s32 s12, s6;
	[sflag:s7] =	ssyncadd.s32 $0xFFFFC000  }
0x25: {  	[tilespmem:s2], [sflag:$0x2] =	stream.linear.gather [hbm4b:s12+s2], $0x80, $0x38;
	[tilespmem:$0x4080] =	vst v63  }
0x26: {  	_ =	swait.ge [sflag:s7], $0x80  }
0x27: {  	[sflag:s7] =	ssyncset.done $0x0  }
0x28: {  	[sflag:s7] =	ssyncadd.s32 $0xFFFFFF80  }
0x29: {  	[tilespmem:s8], [sflag:$0x1] =	stream.indirect.gather [hbm4b:s3+s8], $0x80, s2, s8, $0xb8;
	[tilespmem:$0x4080] =	vst v63  }
0x2a: {  	s10 =	sadd.s32 $0x1, s10;
	_ =	swait.ge [sflag:s9], $0x4000  }
0x2b: {  	p0 =	sne.s32 s10, s4;
	[sflag:s9] =	ssyncset.done $0x0  }
.Ltmp1:
0x2c: {  	[sflag:s9] =	ssyncadd.s32 $0xFFFFC000;
	(pc) =	sbr.rel @p0 .LBB2_1-.Ltmp1, $4  }
0x2d: {  	[hbm4b:s11+s2] =	stream.linear.scatter [tilespmem:s8], [sflag:$0x2], $0x4000, $0x38;
	[tilespmem:$0x4080] =	vst v63  }
0x2e: {  	_ =	swait.ge [sflag:s7], $0x4000  }
0x2f: {  	[sflag:s7] =	ssyncset.done $0x0  }
0x30: {  	[sflag:s7] =	ssyncadd.s32 $0xFFFFC000  }
0x31: {  	_ =	sfence.sel $0x180000  }
0x32: {  	[bflag:$0x0] =	sbarrier.arrive $0xFFFF  }
0x33: {  	p0 =	sne.s32 s1, $0x0;
	_ =	strace $0x90000059  }
0x34: {  	s0 =	sadd.s32 @!p0 $0x100000, s0;
	[bflag:$0x2] =	sbarrier.arrive $0xFFFF  }
0x35: {  	[sflag:s0] =	ssyncadd.tile.s32 @!p0 $0x1;
	_ =	shalt  }
.Lfunc_end2:
_tile_overlayer_lowered:
.L_overlay_start_2:
0x36: {  	(tag) =	ssettag $0x2  }
0x37: {  	s0 =	rddreg [dreg:$0x0];
	s2 =	stileid.u32  }
0x38: {  	s1 =	rddreg [dreg:$0x1];
	p0 =	sne.s32 s2, $0x0  }
0x39: {  	s3 =	rddreg [dreg:$0x2];
	[bflag:$0x3] =	sbarrier.arrive $0xFFFF;
	s2 =	simm.s32 @!p0 $0x1C02  }
0x3a: {  	[timem:s3], [sflag:s2] =	dma.local @!p0 [hbm:s0], s1  }
0x3b: {  	s0 =	simm.s32 @!p0 $0x2  }
0x3c: {  	_ =	swait.ge @!p0 [sflag:s0], s1  }
0x3d: {  	s1 =	ssub.s32 @!p0 $0x0, s1;
	[sflag:s0] =	ssyncset.done @!p0 $0x0  }
0x3e: {  	[sflag:s0] =	ssyncadd.s32 @!p0 s1  }
0x3f: {  	[bflag:$0x3] =	sbarrier.arrive $0xFFFF  }
0x40: {  	_ =	shalt  }

// kernel: kernel.50.cloned.1.call-start
scs
__scs_entry_jumppad:
0x0: {  	(pc) =	sbr.rel $0x88, $3  }
0x1: {  	(tag) =	ssettag $0x0;
	lr =	simm.s32 $0x1  }
0x2: {  	[smem:$0x3F89] =	sst lr;
	_ =	strace $0xD0000000  }
0x3: {  	_ = 	snop  }
0x4: {  	_ = 	snop  }
0x5: {  	_ = 	snop  }
0x6: {  	_ = 	snop  }
0x7: {  	_ = 	snop  }
__scs_overlays_trampoline_lowered:
0x8: {  	[smem:$0x3F98] =	sst s0  }
0x9: {  	[smem:$0x3F99] =	sst s1  }
0xa: {  	[smem:$0x3F9A] =	sst s2  }
0xb: {  	[smem:$0x3F9B] =	sst s3  }
0xc: {  	[smem:$0x3F9C] =	sst s4  }
0xd: {  	[smem:$0x3F9D] =	sst s5  }
0xe: {  	[smem:$0x3F9E] =	sst s6  }
0xf: {  	[smem:$0x3F9F] =	sst s7  }
0x10: {  	[smem:$0x3FA0] =	sst s8  }
0x11: {  	[smem:$0x3FA1] =	sst s9;
	s0 =	simm.s32 @!p0 $0x0  }
0x12: {  	s1 =	sld [smem:$0x3F87];
	s0 =	simm.s32 @p0 $0x1  }
0x13: {  	[smem:$0x3FA2] =	sst s0;
	s0 =	simm.s32 @!p1 $0x0  }
0x14: {  	s2 =	sld [smem:$0x3F86];
	s0 =	simm.s32 @p1 $0x1  }
0x15: {  	[smem:$0x3FA3] =	sst s0;
	s0 =	simm.s32 @!p2 $0x0  }
0x16: {  	s3 =	sld [smem:$0x3FDB];
	s0 =	simm.s32 @p2 $0x1  }
0x17: {  	s4 =	simm.s32 $0x1BF5;
	[smem:$0x3FA5] =	sst s0  }
0x18: {  	s0 =	sld [smem:$0x3F88];
	_ =	swait.ge [sflag:s4], $0x0  }
0x19: {  	s7 =	sld [smem:$0x3F89]  }
0x1a: {  	s8 =	sadd.s32 $0xFFFFE003, lr  }
0x1b: {  	s9 =	sadd.s32 $0xFFFFFEF7, lr;
	s5 =	simm.s32 $0xFFFFFFFF;
	p2 =	slt.u32 s8, $0xFFFFF086  }
0x1c: {  	p1 =	slt.u32 s9, $0xF7A;
	s5 =	simm.s32 @!p2 $0x0  }
0x1d: {  	s5 =	simm.s32 @p1 $0x1;
	p0 =	seq.s32 s7, s2  }
0x1e: {  	s7 =	smul.u32 @!p0 $0xF7A, s2;
	p2 =	seq.s32 @!p0 s5, $0x0  }
0x1f: {  	s9 =	smul.u32 $0xF7A, s1;
	s8 =	simm.s32 @!p0 $0x1BF5;
	p2 =	por !p2, p0  }
0x20: {  	[sflag:s8] =	ssyncset.s32 @!p0 $0xFFFFF086;
	s6 =	sadd.s32 @!p0 s3, s7;
	s7 =	simm.s32 @!p0 $0x108  }
0x21: {  	s3 =	sadd.s32 s3, s9;
	s6 =	sadd.s32 @!p0 $0x88, s6;
	s7 =	simm.s32 @p2 $0x1082  }
0x22: {  	[simem:s7], [sflag:s8] =	dma.local @!p0 [hbm:s6], $0xF7A  }
0x23: {  	s9 =	sor.u32 $0xD0000000, s2;
	s6 =	simm.s32 $0x108;
	_ =	swait.ge @!p0 [sflag:s8], $0x0  }
0x24: {  	s3 =	sadd.s32 $0x88, s3;
	s6 =	simm.s32 @!p1 $0x1082;
	[sflag:s4] =	ssyncset.s32 $0xFFFFF086  }
0x25: {  	[simem:s6], [sflag:s4] =	dma.local [hbm:s3], $0xF7A  }
0x26: {  	[smem:$0x3F89] =	sst s1;
	(tag) =	ssettag s2;
	_ =	strace s9  }
0x27: {  	s1 =	sld [smem:$0x3F99]  }
0x28: {  	s2 =	sld [smem:$0x3F9A]  }
0x29: {  	s4 =	sld [smem:$0x3F9C]  }
0x2a: {  	p0 =	seq.s32 s5, $0x0;
	s5 =	sld [smem:$0x3F9D]  }
0x2b: {  	s6 =	sld [smem:$0x3F9E]  }
0x2c: {  	s7 =	sld [smem:$0x3F9F]  }
0x2d: {  	s3 =	simm.s32 $0x108;
	s8 =	sld [smem:$0x3FA0]  }
0x2e: {  	s3 =	simm.s32 @!p0 $0x1082;
	s9 =	sld [smem:$0x3FA1]  }
0x2f: {  	lr =	sadd.s32 s0, s3;
	s0 =	sld [smem:$0x3F98]  }
0x30: {  	s3 =	sld [smem:$0x3F9B]  }
0x31: {  	[smem:$0x3FA4] =	sst s10  }
0x32: {  	s10 =	sld [smem:$0x3FA2];
	_ =	sdelay $0x3  }
0x33: {  	p0 =	seq.s32 s10, $0x1;
	s10 =	sld [smem:$0x3FA4];
	_ =	sdelay $0x3  }
0x34: {  	[smem:$0x3FA4] =	sst s10  }
0x35: {  	s10 =	sld [smem:$0x3FA3];
	_ =	sdelay $0x3  }
0x36: {  	p1 =	seq.s32 s10, $0x1;
	s10 =	sld [smem:$0x3FA4];
	_ =	sdelay $0x3  }
0x37: {  	[smem:$0x3FA4] =	sst s10  }
0x38: {  	s10 =	sld [smem:$0x3FA5]  }
0x39: {  	_ = 	snop;
	(pc) =	sbr.ind lr, $3  }
0x3a: {  	_ = 	snop  }
0x3b: {  	_ = 	snop  }
0x3c: {  	p2 =	seq.s32 s10, $0x1;
	s10 =	sld [smem:$0x3FA4]  }
0x3d: {  	_ =	shalt  }
0x3e: {  	_ =	shalt  }
0x3f: {  	_ =	shalt  }
0x40: {  	_ =	shalt  }
0x41: {  	_ =	shalt  }
0x42: {  	_ =	shalt  }
0x43: {  	_ =	shalt  }
0x44: {  	_ =	shalt  }
0x45: {  	_ =	shalt  }
0x46: {  	_ =	shalt  }
0x47: {  	_ =	shalt  }
0x48: {  	_ =	shalt  }
0x49: {  	_ =	shalt  }
0x4a: {  	_ =	shalt  }
0x4b: {  	_ =	shalt  }
0x4c: {  	_ =	shalt  }
0x4d: {  	_ =	shalt  }
0x4e: {  	_ =	shalt  }
0x4f: {  	_ =	shalt  }
0x50: {  	_ =	shalt  }
0x51: {  	_ =	shalt  }
0x52: {  	_ =	shalt  }
0x53: {  	_ =	shalt  }
0x54: {  	_ =	shalt  }
0x55: {  	_ =	shalt  }
0x56: {  	_ =	shalt  }
0x57: {  	_ =	shalt  }
0x58: {  	_ =	shalt  }
0x59: {  	_ =	shalt  }
0x5a: {  	_ =	shalt  }
0x5b: {  	_ =	shalt  }
0x5c: {  	_ =	shalt  }
0x5d: {  	_ =	shalt  }
0x5e: {  	_ =	shalt  }
0x5f: {  	_ =	shalt  }
0x60: {  	_ =	shalt  }
0x61: {  	_ =	shalt  }
0x62: {  	_ =	shalt  }
0x63: {  	_ =	shalt  }
0x64: {  	_ =	shalt  }
0x65: {  	_ =	shalt  }
0x66: {  	_ =	shalt  }
0x67: {  	_ =	shalt  }
0x68: {  	_ =	shalt  }
0x69: {  	_ =	shalt  }
0x6a: {  	_ =	shalt  }
0x6b: {  	_ =	shalt  }
0x6c: {  	_ =	shalt  }
0x6d: {  	_ =	shalt  }
0x6e: {  	_ =	shalt  }
0x6f: {  	_ =	shalt  }
0x70: {  	_ =	shalt  }
0x71: {  	_ =	shalt  }
0x72: {  	_ =	shalt  }
0x73: {  	_ =	shalt  }
0x74: {  	_ =	shalt  }
0x75: {  	_ =	shalt  }
0x76: {  	_ =	shalt  }
0x77: {  	_ =	shalt  }
0x78: {  	_ =	shalt  }
0x79: {  	_ =	shalt  }
0x7a: {  	_ =	shalt  }
0x7b: {  	_ =	shalt  }
0x7c: {  	_ =	shalt  }
0x7d: {  	_ =	shalt  }
0x7e: {  	_ =	shalt  }
0x7f: {  	_ =	shalt  }
0x80: {  	_ =	shalt  }
0x81: {  	_ =	shalt  }
0x82: {  	_ =	shalt  }
0x83: {  	_ =	shalt  }
0x84: {  	_ =	shalt  }
0x85: {  	_ =	shalt  }
0x86: {  	_ =	shalt  }
0x87: {  	_ =	shalt  }
.Lfunc_end0:
.L_simem_size_0:
called_computation.7_lowered:
.L_overlay_start_0:
0x88: {  	s2 =	sld [smem:$0x3FD9]  }
0x89: {  	s3 =	sld [smem:$0x3FFE];
	_ =	sdelay $0x1  }
0x8a: {  	s1 =	srdreg.scid  }
0x8b: {  	s0 =	sand.u32 $0x1, s1  }
0x8c: {  	s17 =	sshll.u32 s0, $0xA;
	s2 =	sadd.s32 s3, s2  }
0x8d: {  	s2 =	sadd.s32 s2, s17  }
0x8e: {  	[smem:$0x3FB0] =	sst s2  }
0x8f: {  	_ = 	snop  }
0x90: {  	(tm) =	ssettm $0x1  }
0x91: {  	s18 =	sld [smem:$0x3FFB];
	_ =	sdelay $0x3  }
0x92: {  	_ =	strace s18  }
0x93: {  	s2 =	sld [smem:$0x3FFC];
	_ =	sdelay $0x3  }
0x94: {  	_ =	strace s2  }
0x95: {  	s2 =	sld [smem:$0x3FFD];
	_ =	sdelay $0x3  }
0x96: {  	_ =	strace s2  }
0x97: {  	_ =	strace $0x8FFFFFFF  }
0x98: {  	s19 =	sld [smem:$0x3FDB];
	_ =	sdelay $0x1  }
0x99: {  	s20 =	simm.s32 $_scs_section_size  }
0x9a: {  	s4 =	simm.s32 $_size__tile_overlayer_lowered;
	s5 =	simm.s32 $_tile_overlayer_lowered  }
0x9b: {  	s6 =	simm.s32 $0x1BFF;
	s21 =	sshll.u32 s5, $0x1;
	s3 =	sadd.s32 s20, s19  }
0x9c: {  	s22 =	simm.s32 $0x0;
	s4 =	sshll.u32 s4, $0x1;
	s5 =	sadd.s32 s21, s3  }
0x9d: {  	[timem:s22], [sflag:s6] =	dma.local [hbm:s5], s4  }
0x9e: {  	_ =	swait.ge [sflag:s6], s4  }
0x9f: {  	s4 =	ssub.s32 $0x0, s4;
	[sflag:s6] =	ssyncset.done $0x0  }
0xa0: {  	[sflag:s6] =	ssyncadd.s32 s4;
	_ =	sdelay $0x1  }
0xa1: {  	s23 =	simm.s32 $0x1B8B  }
0xa2: {  	_ =	swait.ge [sflag:s23], $0x1  }
0xa3: {  	[sflag:s23] =	ssyncset.done $0x0  }
0xa4: {  	[sflag:s23] =	ssyncadd.s32 $0xFFFFFFFF  }
0xa5: {  	s4 =	sld [smem:$0x0]  }
0xa6: {  	s5 =	sand.u32 $0xFFFFFFFE, s1  }
0xa7: {  	p0 =	sne.s32 s1, s5  }
0xa8: {  	s5 =	sshll.u32 @p0 s5, $0xE  }
0xa9: {  	s5 =	sadd.s32 @p0 $0x11B8D, s5;
	s6 =	sshll.u32 @p0 s4, $0x11  }
0xaa: {  	s5 =	sor.u32 @p0 s6, s5  }
0xab: {  	[sflag:s5] =	ssyncadd.remote.s32 @p0 $0x1;
	_ =	sdelay $0x1  }
0xac: {  	s5 =	simm.s32 @p0 $0x1B8D  }
0xad: {  	_ =	swait.eq @p0 [sflag:s5], $0x1  }
0xae: {  	[sflag:s5] =	ssyncadd.s32 @p0 $0xFFFFFFFF  }
0xaf: {  	s6 =	sshll.u32 @!p0 s1, $0xE  }
0xb0: {  	s6 =	sor.u32 @!p0 $0x4000, s6;
	s5 =	simm.s32 @!p0 $0x1B8D  }
0xb1: {  	s4 =	sshll.u32 @!p0 s4, $0x11;
	s6 =	sadd.s32 @!p0 $0x11B8D, s6;
	_ =	swait.eq @!p0 [sflag:s5], $0x1  }
0xb2: {  	s4 =	sor.u32 @!p0 s4, s6;
	[sflag:s5] =	ssyncadd.s32 @!p0 $0xFFFFFFFF  }
0xb3: {  	s25 =	simm.s32 $0x1B8E;
	s24 =	sld [smem:$0x3FFE];
	[sflag:s4] =	ssyncadd.remote.s32 @!p0 $0x1  }
0xb4: {  	s26 =	simm.s32 $execute0_lowered;
	[smem:$0x3FD2] =	sst s25  }
0xb5: {  	s5 =	sshll.u32 s26, $0x1;
	_ =	strace $0x8000005B;
	[dreg:$0x1] =	wrdreg $0xFFFFFFFF  }
0xb6: {  	s28 =	simm.s32 $_size_execute0_lowered;
	s3 =	sadd.s32 s3, s5;
	[dreg:$0x0] =	wrdreg $0x0  }
0xb7: {  	s5 =	sshll.u32 s28, $0x1;
	[dreg:$0x2] =	wrdreg s3  }
0xb8: {  	[dreg:$0x3] =	wrdreg s5  }
0xb9: {  	[dreg:$0x4] =	wrdreg $0xC0  }
0xba: {  	_ =	task [dreg:s22], $0x5FFFF  }
0xbb: {  	[dreg:$0x1] =	wrdreg $0xFFFFFFFF  }
0xbc: {  	[dreg:$0x0] =	wrdreg $0x60  }
0xbd: {  	[dreg:$0x2] =	wrdreg s24  }
0xbe: {  	[dreg:$0x3] =	wrdreg $0x9  }
0xbf: {  	_ =	task.clear_ibuf [dreg:s22], $0x4FFFF;
	_ =	strace $0x9000005B  }
0xc0: {  	s29 =	simm.s32 $0x9;
	_ =	strace $0x8000005D  }
0xc1: {  	_ =	swait.ge [sflag:s29], $0x1  }
0xc2: {  	[sflag:s29] =	ssyncadd.s32 $0xFFFFFFFF  }
0xc3: {  	_ =	strace $0x9000005D  }
0xc4: {  	_ =	sfence  }
0xc5: {  	s30 =	sld [smem:$0x0];
	_ =	sdelay $0x2  }
0xc6: {  	s31 =	sshll.u32 s1, $0xD;
	s1 =	sshrl.u32 s1, $0x2  }
0xc7: {  	s4 =	sand.u32 $0x4000, s31;
	s1 =	sadd.s32 s1, s30  }
0xc8: {  	s0 =	sor.u32 s4, s0;
	s1 =	sshll.u32 s1, $0x11  }
0xc9: {  	s0 =	sor.u32 s1, s0  }
0xca: {  	s0 =	sadd.s32 $0x8F2B, s0  }
0xcb: {  	[sflag:s0] =	ssyncadd.remote.s32 $0x1  }
0xcc: {  	_ =	sfence.sel $0xFFFF  }
0xcd: {  	[dreg:$0x0] =	wrdreg $0xFFFFFFFF;
	(pc) =	sbr.abs _section_cstart, $3  }
0xce: {  	[dreg:$0x1] =	wrdreg $0xFFFFFFFF  }
0xcf: {  	_ =	task.clear_ibuf [dreg:s22], $0x2FFFF;
	_ =	strace $0x9FFFFFFF  }
0xd0: {  	(tm) =	ssettm $0x7FFFFFFF  }
0xd1: {  	_ =	shalt  }
tec
execute0_lowered:
.L_overlay_start_1:
0x0: {  	(tag) =	ssettag $0x1  }
0x1: {  	s4 =	rddreg [dreg:$0x0]  }
0x2: {  	s0 =	rddreg [dreg:$0x1];
	s2 =	simm.s32 $0x0;
	s1 =	stileid.u32  }
0x3: {  	s3 =	srdreg.scid;
	s10 =	simm.s32 $0x0;
	s6 =	smul.u32 $0x1400, s1  }
0x4: {  	[smem:$0x7FF] =	sst s2;
	s5 =	sand.u32 $0x1, s3;
	s8 =	smul.u32 $0x14000, s1  }
0x5: {  	s3 =	sadd.s32 $0x3A400, s4;
	s7 =	smul.u32 $0xA00, s5;
	s9 =	ssub.s32 $0x2, s5  }
0x6: {  	_ =	strace $0x8000005C;
	s5 =	smul.u32 $0xA000, s5;
	s31 =	sshrl.u32 s9, $0x1  }
0x7: {  	s8 =	sadd.s32 s8, s4;
	s6 =	sadd.s32 s7, s6;
	s7 =	ssub.s32 s9, s31  }
0x8: {  	s5 =	sadd.s32 s5, s8;
	s8 =	simm.s32 $0x80;
	s6 =	sshrl.u32 s6, $0x3  }
0x9: {  	s9 =	simm.s32 $0x1;
	s5 =	sadd.s32 $0x4CC00, s5;
	s6 =	sadd.s32 s6, s4  }
0xa: {  	s4 =	smax.u32 s7, $0x1;
	s7 =	simm.s32 $0x2;
	s6 =	sadd.s32 $0x4A400, s6  }
.LBB2_1:
0xb: {  	s11 =	sadd.s32 $0x0, s6  }
0xc: {  	[tilespmem:s2], [sflag:$0x2] =	stream.linear.gather [hbm4b:s11+s2], $0x80, $0x38;
	[tilespmem:$0x4080] =	vst v63  }
0xd: {  	_ =	swait.ge [sflag:s7], $0x80  }
0xe: {  	[sflag:s7] =	ssyncset.done $0x0  }
0xf: {  	[sflag:s7] =	ssyncadd.s32 $0xFFFFFF80  }
0x10: {  	[tilespmem:s8], [sflag:$0x1] =	stream.indirect.gather [hbm4b:s3+s8], $0x80, s2, s8, $0xb8;
	[tilespmem:$0x4080] =	vst v63  }
0x11: {  	_ =	swait.ge [sflag:s9], $0x4000  }
0x12: {  	[sflag:s9] =	ssyncset.done $0x0  }
0x13: {  	[sflag:s9] =	ssyncadd.s32 $0xFFFFC000  }
0x14: {  	[hbm4b:s5+s2] =	stream.linear.scatter [tilespmem:s8], [sflag:$0x2], $0x4000, $0x38;
	[tilespmem:$0x4080] =	vst v63  }
0x15: {  	s12 =	simm.s32 $0x10;
	_ =	swait.ge [sflag:s7], $0x4000  }
0x16: {  	s13 =	simm.s32 $0x20;
	s11 =	sadd.s32 $0x800, s5;
	[sflag:s7] =	ssyncset.done $0x0  }
.LBB2_2:
0x17: {  	s14 =	sadd.s32 s12, s6  }
0x18: {  	[sflag:s7] =	ssyncadd.s32 $0xFFFFC000;
	s12 =	smov.u32 s13;
	s15 =	sadd.s32 $0x10, s13  }
0x19: {  	[tilespmem:s2], [sflag:$0x2] =	stream.linear.gather [hbm4b:s14+s2], $0x80, $0x38;
	[tilespmem:$0x4080] =	vst v63  }
0x1a: {  	p0 =	sne.s32 s13, $0x130;
	_ =	swait.ge [sflag:s7], $0x80  }
0x1b: {  	[sflag:s7] =	ssyncset.done $0x0  }
0x1c: {  	[sflag:s7] =	ssyncadd.s32 $0xFFFFFF80  }
0x1d: {  	[tilespmem:s8], [sflag:$0x1] =	stream.indirect.gather [hbm4b:s3+s8], $0x80, s2, s8, $0xb8;
	[tilespmem:$0x4080] =	vst v63  }
0x1e: {  	_ =	swait.ge [sflag:s9], $0x4000  }
.Ltmp0:
0x1f: {  	[sflag:s9] =	ssyncset.done $0x0;
	(pc) =	sbr.rel @p0 .LBB2_2-.Ltmp0, $4  }
0x20: {  	[sflag:s9] =	ssyncadd.s32 $0xFFFFC000  }
0x21: {  	[hbm4b:s11+s2] =	stream.linear.scatter [tilespmem:s8], [sflag:$0x2], $0x4000, $0x38;
	[tilespmem:$0x4080] =	vst v63  }
0x22: {  	_ =	swait.ge [sflag:s7], $0x4000  }
0x23: {  	s13 =	smov.u32 s15;
	s11 =	sadd.s32 $0x800, s11;
	[sflag:s7] =	ssyncset.done $0x0  }
0x24: {  	s12 =	sadd.s32 s12, s6;
	[sflag:s7] =	ssyncadd.s32 $0xFFFFC000  }
0x25: {  	[tilespmem:s2], [sflag:$0x2] =	stream.linear.gather [hbm4b:s12+s2], $0x80, $0x38;
	[tilespmem:$0x4080] =	vst v63  }
0x26: {  	_ =	swait.ge [sflag:s7], $0x80  }
0x27: {  	[sflag:s7] =	ssyncset.done $0x0  }
0x28: {  	[sflag:s7] =	ssyncadd.s32 $0xFFFFFF80  }
0x29: {  	[tilespmem:s8], [sflag:$0x1] =	stream.indirect.gather [hbm4b:s3+s8], $0x80, s2, s8, $0xb8;
	[tilespmem:$0x4080] =	vst v63  }
0x2a: {  	s10 =	sadd.s32 $0x1, s10;
	_ =	swait.ge [sflag:s9], $0x4000  }
0x2b: {  	p0 =	sne.s32 s10, s4;
	[sflag:s9] =	ssyncset.done $0x0  }
.Ltmp1:
0x2c: {  	[sflag:s9] =	ssyncadd.s32 $0xFFFFC000;
	(pc) =	sbr.rel @p0 .LBB2_1-.Ltmp1, $4  }
0x2d: {  	[hbm4b:s11+s2] =	stream.linear.scatter [tilespmem:s8], [sflag:$0x2], $0x4000, $0x38;
	[tilespmem:$0x4080] =	vst v63  }
0x2e: {  	_ =	swait.ge [sflag:s7], $0x4000  }
0x2f: {  	[sflag:s7] =	ssyncset.done $0x0  }
0x30: {  	[sflag:s7] =	ssyncadd.s32 $0xFFFFC000  }
0x31: {  	_ =	sfence.sel $0x180000  }
0x32: {  	[bflag:$0x0] =	sbarrier.arrive $0xFFFF  }
0x33: {  	p0 =	sne.s32 s1, $0x0;
	_ =	strace $0x9000005C  }
0x34: {  	s0 =	sadd.s32 @!p0 $0x100000, s0;
	[bflag:$0x2] =	sbarrier.arrive $0xFFFF  }
0x35: {  	[sflag:s0] =	ssyncadd.tile.s32 @!p0 $0x1;
	_ =	shalt  }
.Lfunc_end2:
_tile_overlayer_lowered:
.L_overlay_start_2:
0x36: {  	(tag) =	ssettag $0x2  }
0x37: {  	s0 =	rddreg [dreg:$0x0];
	s2 =	stileid.u32  }
0x38: {  	s1 =	rddreg [dreg:$0x1];
	p0 =	sne.s32 s2, $0x0  }
0x39: {  	s3 =	rddreg [dreg:$0x2];
	[bflag:$0x3] =	sbarrier.arrive $0xFFFF;
	s2 =	simm.s32 @!p0 $0x1C02  }
0x3a: {  	[timem:s3], [sflag:s2] =	dma.local @!p0 [hbm:s0], s1  }
0x3b: {  	s0 =	simm.s32 @!p0 $0x2  }
0x3c: {  	_ =	swait.ge @!p0 [sflag:s0], s1  }
0x3d: {  	s1 =	ssub.s32 @!p0 $0x0, s1;
	[sflag:s0] =	ssyncset.done @!p0 $0x0  }
0x3e: {  	[sflag:s0] =	ssyncadd.s32 @!p0 s1  }
0x3f: {  	[bflag:$0x3] =	sbarrier.arrive $0xFFFF  }
0x40: {  	_ =	shalt  }

</sc_bundles>
